<compile_context>
chip_gen: v7x
topology: tpu7x:2x2x1
jax: 0.10.2.dev20260603
libtpu: 0.0.44.dev20260713+nightly
codegen_flags: <defaults>
</compile_context>

<pallas_src>
import functools

import jax
import jax.numpy as jnp
from jax import lax
from jax.experimental import pallas as pl
from jax.experimental.pallas import tpu as pltpu
from jax.experimental.pallas import tpu_sc as plsc

_B = 4096
_D = 64
_K = 25
_LAMBDA = 0.1
_PITERS = 8

_HB = 2048
_RB = 256
_SB = 512
_BIG = 1e30


_NCHUNK = 32
_CROWS = _B // _NCHUNK
_T = 8
_MAXI = 0x7FFFFFFF


def _knn_kernel(h, raw_ref, rows_ref, nbrt_ref, key_ref, stk_ref, fb_ref):
    i = pl.program_id(0)

    full = raw_ref[...]

    @pl.when(i == 0)
    def _prep():
        fb_ref[...] = full.astype(jnp.bfloat16)

    rows_t = jnp.transpose(rows_ref[...], (1, 0))
    sq_full = jnp.sum(full * full, axis=1, keepdims=True)
    sq_rows = jnp.sum(rows_t * rows_t, axis=0, keepdims=True)
    dot = lax.dot_general(fb_ref[...], rows_t.astype(jnp.bfloat16),
                          (((1,), (0,)), ((), ())),
                          preferred_element_type=jnp.float32)
    d2 = sq_full + sq_rows - 2.0 * dot

    ri = lax.broadcasted_iota(jnp.int32, (_B, _RB), 0)
    ci = lax.broadcasted_iota(jnp.int32, (_B, _RB), 1)
    bits = lax.bitcast_convert_type(jnp.maximum(d2, 0.0), jnp.int32)
    key = jnp.where(ri == ci + i * _RB + h * _HB, jnp.int32(_MAXI),
                    (bits & jnp.int32(~0xFFF)) | ri)
    key_ref[...] = key

    def peel(c, carry):
        blk = key_ref[pl.ds(c * _CROWS, _CROWS), :]
        ms = []
        for _t in range(_T):
            m = jnp.min(blk, axis=0, keepdims=True)
            ms.append(m)
            blk = jnp.where(blk == m, jnp.int32(_MAXI), blk)
        stk_ref[:, pl.ds(c, 1), :] = jnp.concatenate(ms, axis=0)[:, None, :]
        return carry

    lax.fori_loop(0, _NCHUNK, peel, 0)

    li = lax.broadcasted_iota(jnp.int32, (_K, _RB), 0)
    cnt0 = jnp.zeros((_NCHUNK, _RB), jnp.int32)
    acc0 = jnp.zeros((_K, _RB), jnp.int32)

    def sel(k, carry):
        cnt, acc = carry
        cur = jnp.full((_NCHUNK, _RB), jnp.int32(_MAXI), jnp.int32)
        for t in range(_T - 1, -1, -1):
            cur = jnp.where(cnt == t, stk_ref[t], cur)
        kmin = jnp.min(cur, axis=0, keepdims=True)
        cnt = cnt + (cur == kmin).astype(jnp.int32)
        acc = jnp.where(li == k, kmin & jnp.int32(0xFFF), acc)
        return (cnt, acc)

    _, acc = lax.fori_loop(0, _K, sel, (cnt0, acc0))
    nbrt_ref[...] = acc


def _knn(raw, h):
    return pl.pallas_call(
        functools.partial(_knn_kernel, h),
        grid=(_HB // _RB,),
        in_specs=[
            pl.BlockSpec((_B, _D), lambda i: (0, 0)),
            pl.BlockSpec((_RB, _D), lambda i, _h=h: (i + _h * (_HB // _RB), 0)),
        ],
        out_specs=pl.BlockSpec((_K, _RB), lambda i: (0, i)),
        out_shape=jax.ShapeDtypeStruct((_K, _HB), jnp.int32),
        scratch_shapes=[
            pltpu.VMEM((_B, _RB), jnp.int32),
            pltpu.VMEM((_T, _NCHUNK, _RB), jnp.int32),
            pltpu.VMEM((_B, _D), jnp.bfloat16),
        ],
    )(raw, raw)


_NW = 32
_ROWS_PER_W = _K * _HB // _NW
_CH = 80
_NCH = _ROWS_PER_W // _CH


def _gather_sc(latent, raw, idxt_flat):
    mesh = plsc.VectorSubcoreMesh(core_axis_name="c", subcore_axis_name="s")

    @functools.partial(
        pl.kernel,
        mesh=mesh,
        compiler_params=pltpu.CompilerParams(use_tc_tiling_on_sc=False),
        out_type=[
            jax.ShapeDtypeStruct((_K * _HB, _D), jnp.float32),
            jax.ShapeDtypeStruct((_K * _HB, _D), jnp.float32),
        ],
        scratch_types=[
            pltpu.VMEM((_CH,), jnp.int32),
            pltpu.VMEM((_CH, _D), jnp.float32),
            pltpu.VMEM((_CH, _D), jnp.float32),
            pltpu.SemaphoreType.DMA,
            pltpu.SemaphoreType.DMA,
        ],
    )
    def k(lat_hbm, raw_hbm, idx_hbm, z_hbm, x_hbm, idx_v, zbuf, xbuf, s1, s2):
        wid = lax.axis_index("s") * 2 + lax.axis_index("c")
        base = wid * _ROWS_PER_W

        def chunk(c, carry):
            off = base + c * _CH
            pltpu.sync_copy(idx_hbm.at[pl.ds(off, _CH)], idx_v)
            cz = pltpu.async_copy(lat_hbm.at[idx_v], zbuf, s1)
            cx = pltpu.async_copy(raw_hbm.at[idx_v], xbuf, s2)
            cz.wait()
            cx.wait()
            pltpu.sync_copy(zbuf, z_hbm.at[pl.ds(off, _CH)])
            pltpu.sync_copy(xbuf, x_hbm.at[pl.ds(off, _CH)])
            return carry

        lax.fori_loop(0, _NCH, chunk, 0)

    return k(latent, raw, idxt_flat)


def _loss_kernel(zt_ref, xt_ref, o_ref, t_ref, out_ref):
    i = pl.program_id(0)

    @pl.when(i == 0)
    def _init():
        out_ref[...] = jnp.zeros((1, 1), jnp.float32)

    od = o_ref[...] - t_ref[...]
    recon_part = jnp.sum(od * od)

    def prep(ref):
        zs = [ref[k] for k in range(_K)]
        m = zs[0]
        for k in range(1, _K):
            m = m + zs[k]
        m = m * jnp.float32(1.0 / _K)
        return [jnp.transpose((z - m).astype(jnp.bfloat16), (1, 0))
                for z in zs]

    def power_image(cs):
        w0 = jnp.ones((_K, _SB), jnp.bfloat16)

        def it(_, w):
            y = cs[0] * w[0:1, :]
            for k in range(1, _K):
                y = y + cs[k] * w[k : k + 1, :]
            nw = [jnp.sum(cs[k] * y, axis=0, keepdims=True) for k in range(_K)]
            return jnp.concatenate(nw, axis=0)

        w = lax.fori_loop(0, _PITERS, it, w0)
        y = cs[0] * w[0:1, :]
        for k in range(1, _K):
            y = y + cs[k] * w[k : k + 1, :]
        y = y.astype(jnp.float32)
        scale = 1.0 / (jnp.max(jnp.abs(y), axis=0, keepdims=True) + 1e-30)
        return y * scale

    yz = power_image(prep(zt_ref))
    yx = power_image(prep(xt_ref))
    num = jnp.sum(yz * yx, axis=0, keepdims=True)
    lz = jnp.sum(yz * yz, axis=0, keepdims=True)
    lx = jnp.sum(yx * yx, axis=0, keepdims=True)
    dot2 = (num * num) / (lz * lx + 1e-30)
    tsa_part = 2.0 * _SB - 2.0 * jnp.sum(dot2)

    out_ref[...] += (recon_part / (_B * _D)
                     + (_LAMBDA / _B) * tsa_part).reshape(1, 1)


def _loss(zt, xt, outputs, targets):
    out = pl.pallas_call(
        _loss_kernel,
        grid=(_HB // _SB,),
        in_specs=[
            pl.BlockSpec((_K, _SB, _D), lambda i: (0, i, 0)),
            pl.BlockSpec((_K, _SB, _D), lambda i: (0, i, 0)),
            pl.BlockSpec((_SB, _D), lambda i: (i, 0)),
            pl.BlockSpec((_SB, _D), lambda i: (i, 0)),
        ],
        out_specs=pl.BlockSpec((1, 1), lambda i: (0, 0)),
        out_shape=jax.ShapeDtypeStruct((1, 1), jnp.float32),
    )(zt, xt, outputs, targets)
    return out[0, 0]


def kernel(outputs, targets, latent, raw):
    total = None
    for h in range(2):
        nbrt = _knn(raw, h)
        zflat, xflat = _gather_sc(latent, raw, nbrt.reshape(_K * _HB))
        zt = zflat.reshape(_K, _HB, _D)
        xt = xflat.reshape(_K, _HB, _D)
        part = _loss(zt, xt,
                     outputs[h * _HB:(h + 1) * _HB],
                     targets[h * _HB:(h + 1) * _HB])
        total = part if total is None else total + part
    return total

# --- scband reference (transcript-rebuilt; emitter-appended) ---
"""Pipeline reference for scband-tsaloss-56066503082324 (READ-ONLY COPY).

The authoritative reference and input builder live on the scoring server;
editing this copy changes nothing except your own understanding.
"""

import jax, jax.numpy as jnp
import numpy as np

LAMBDA_TSA = 0.1
K = 25
P = 1
EPS = 1e-08

def setup_inputs(seed: int = 0) -> dict:
    key = jax.random.key(seed)
    k0, k1, k2, k3 = jax.random.split(key, 4)
    B, D, d = 4096, 64, 64
    return {
        "outputs": jax.random.normal(k0, (B, D), dtype=jnp.float32),
        "targets": jax.random.normal(k1, (B, D), dtype=jnp.float32),
        "latent": jax.random.normal(k2, (B, d), dtype=jnp.float32),
        "raw": jax.random.normal(k3, (B, D), dtype=jnp.float32),
    }

def reference(outputs, targets, latent, raw):
    # recon = F.mse_loss(outputs, targets)
    recon = jnp.mean((outputs - targets) ** 2)
    B, D = raw.shape
    _, d = latent.shape
    # dists = torch.cdist(raw, raw)  (p=2)
    sq = jnp.sum(raw * raw, axis=1)
    d2 = sq[:, None] + sq[None, :] - 2.0 * (raw @ raw.T)
    dists = jnp.sqrt(jnp.maximum(d2, 0.0) + 1e-12)  # tiny eps; order-preserving, dists only feeds topk indices
    # idx = dists.topk(k+1, largest=False).indices
    _, idx = jax.lax.top_k(-dists, K + 1)
    nbrs = idx[:, 1:]                      # [B, K]
    Z = latent[nbrs]                       # [B, K, d]
    X = raw[nbrs]                          # [B, K, D]
    Zc = Z - jnp.mean(Z, axis=1, keepdims=True)
    Xc = X - jnp.mean(X, axis=1, keepdims=True)
    denom = K - 1 + EPS
    Cz = jnp.einsum('bki,bkj->bij', Zc, Zc) / denom   # [B, d, d]
    Cx = jnp.einsum('bki,bkj->bij', Xc, Xc) / denom   # [B, D, D]
    _, Uz = jnp.linalg.eigh(Cz)            # ascending eigenvalues, like torch
    Ui = Uz[..., -P:]                      # [B, d, P]
    _, Ux = jnp.linalg.eigh(Cx)
    Vi = Ux[..., -P:]                      # [B, D, P]
    Pz = jnp.einsum('bip,bjp->bij', Ui, Ui)
    Px = jnp.einsum('bip,bjp->bij', Vi, Vi)
    losses = jnp.sum((Pz - Px) ** 2, axis=(1, 2))     # ||.||_F ** 2 per sample
    tsa_val = jnp.mean(losses)
    return recon + LAMBDA_TSA * tsa_val

if __name__ == "__main__":
    import jax
    _d = setup_inputs()
    print(jax.jit(kernel)(*tuple(_d.values())))

</pallas_src>

<mosaic_0001>
#map = affine_map<(d0, d1) -> (0, 0)>
#map1 = affine_map<(d0, d1) -> (0)>
module attributes {stable_mosaic.version = 14 : i64} {
  func.func @k(%arg0: i32, %arg1: i32, %arg2: memref<4096x64xf32, #tpu.memory_space<hbm>>, %arg3: memref<4096x64xf32, #tpu.memory_space<hbm>>, %arg4: memref<51200xi32, #tpu.memory_space<hbm>>, %arg5: memref<51200x64xf32, #tpu.memory_space<hbm>>, %arg6: memref<51200x64xf32, #tpu.memory_space<hbm>>, %arg7: memref<80xi32, #tpu.memory_space<vmem>>, %arg8: memref<80x64xf32, #tpu.memory_space<vmem>>, %arg9: memref<80x64xf32, #tpu.memory_space<vmem>>, %arg10: memref<!tpu.dma_semaphore, #tpu.memory_space<semaphore_mem>>, %arg11: memref<!tpu.dma_semaphore, #tpu.memory_space<semaphore_mem>>) attributes {dimension_semantics = [#tpu.dimension_semantics<core_parallel>, #tpu.dimension_semantics<subcore_parallel>], iteration_bounds = array<i64: 2, 16>, scalar_prefetch = 0 : i64, scratch_operands = 5 : i64, tpu.core_type = #tpu.core_type<sc_vector_subcore>, window_params = [{transform_indices = #map}, {transform_indices = #map}, {transform_indices = #map1}, {transform_indices = #map}, {transform_indices = #map}]} {
    %mul3A = arith.constant 2 : i32
    %mul3A_0 = arith.muli %arg1, %mul3A : i32
    %add3A = arith.addi %mul3A_0, %arg0 : i32
    %mul3A_1 = arith.constant 1600 : i32
    %mul3A_2 = arith.muli %add3A, %mul3A_1 : i32
    %scan3A = arith.constant 0 : i32
    %scan3A_3 = arith.constant 0 : i32
    %scan3A_4 = arith.constant 20 : i32
    %scan3A_5 = arith.addi %scan3A_3, %scan3A_4 : i32
    %scan3A_6 = arith.constant 1 : i32
    scf.for %scan3A_8 = %scan3A_3 to %scan3A_5 step %scan3A_6  : i32 {
      %mul3A_9 = arith.constant 80 : i32
      %mul3A_10 = arith.muli %scan3A_8, %mul3A_9 : i32
      %add3A_11 = arith.addi %mul3A_2, %mul3A_10 : i32
      "tpu.region"() ({
        %run_scoped3A = tpu.sem_alloc : memref<!tpu.dma_semaphore, #tpu.memory_space<semaphore_mem>>
        %dma_start3A_22 = tpu.memref_slice %arg4[%add3A_11] : memref<51200xi32, #tpu.memory_space<hbm>> -> memref<80xi32, #tpu.memory_space<hbm>>
        %dma_start3A_23 = tpu.memref_slice %arg4[%add3A_11] : memref<51200xi32, #tpu.memory_space<hbm>> -> memref<80xi32, #tpu.memory_space<hbm>>
        tpu.enqueue_dma source(%dma_start3A_23 : memref<80xi32, #tpu.memory_space<hbm>>) target(%arg7 : memref<80xi32, #tpu.memory_space<vmem>>) target_semaphore(%run_scoped3A : memref<!tpu.dma_semaphore, #tpu.memory_space<semaphore_mem>>)
        %dma_wait3A_24 = tpu.memref_slice %arg4[%add3A_11] : memref<51200xi32, #tpu.memory_space<hbm>> -> memref<80xi32, #tpu.memory_space<hbm>>
        %dma_wait3A_25 = tpu.memref_slice %arg4[%add3A_11] : memref<51200xi32, #tpu.memory_space<hbm>> -> memref<80xi32, #tpu.memory_space<hbm>>
        tpu.wait_dma2 semaphore(%run_scoped3A : memref<!tpu.dma_semaphore, #tpu.memory_space<semaphore_mem>>) src(%dma_wait3A_25 : memref<80xi32, #tpu.memory_space<hbm>>) dst(%arg7 : memref<80xi32, #tpu.memory_space<vmem>>)
        tpu.yield
      }) : () -> ()
      %dma_start3A = arith.constant 0 : i32
      %dma_start3A_12 = arith.constant 0 : i32
      %dma_start3A_13 = tpu.memref_slice %arg2[%dma_start3A, %dma_start3A_12] : memref<4096x64xf32, #tpu.memory_space<hbm>> -> memref<4096x64xf32, #tpu.memory_space<hbm>>
      tpu.enqueue_indirect_dma source(%dma_start3A_13 : memref<4096x64xf32, #tpu.memory_space<hbm>>) target(%arg8 : memref<80x64xf32, #tpu.memory_space<vmem>>) offsets(%arg7 : memref<80xi32, #tpu.memory_space<vmem>>) semaphore(%arg10 : memref<!tpu.dma_semaphore, #tpu.memory_space<semaphore_mem>>)
      %dma_start3A_14 = arith.constant 0 : i32
      %dma_start3A_15 = arith.constant 0 : i32
      %dma_start3A_16 = tpu.memref_slice %arg3[%dma_start3A_14, %dma_start3A_15] : memref<4096x64xf32, #tpu.memory_space<hbm>> -> memref<4096x64xf32, #tpu.memory_space<hbm>>
      tpu.enqueue_indirect_dma source(%dma_start3A_16 : memref<4096x64xf32, #tpu.memory_space<hbm>>) target(%arg9 : memref<80x64xf32, #tpu.memory_space<vmem>>) offsets(%arg7 : memref<80xi32, #tpu.memory_space<vmem>>) semaphore(%arg11 : memref<!tpu.dma_semaphore, #tpu.memory_space<semaphore_mem>>)
      %dma_wait3A = arith.constant 0 : i32
      %dma_wait3A_17 = arith.constant 0 : i32
      %dma_wait3A_18 = tpu.memref_slice %arg2[%dma_wait3A, %dma_wait3A_17] : memref<4096x64xf32, #tpu.memory_space<hbm>> -> memref<4096x64xf32, #tpu.memory_space<hbm>>
      tpu.wait_indirect_dma semaphore(%arg10 : memref<!tpu.dma_semaphore, #tpu.memory_space<semaphore_mem>>) src(%dma_wait3A_18 : memref<4096x64xf32, #tpu.memory_space<hbm>>) dst(%arg8 : memref<80x64xf32, #tpu.memory_space<vmem>>)
      %dma_wait3A_19 = arith.constant 0 : i32
      %dma_wait3A_20 = arith.constant 0 : i32
      %dma_wait3A_21 = tpu.memref_slice %arg3[%dma_wait3A_19, %dma_wait3A_20] : memref<4096x64xf32, #tpu.memory_space<hbm>> -> memref<4096x64xf32, #tpu.memory_space<hbm>>
      tpu.wait_indirect_dma semaphore(%arg11 : memref<!tpu.dma_semaphore, #tpu.memory_space<semaphore_mem>>) src(%dma_wait3A_21 : memref<4096x64xf32, #tpu.memory_space<hbm>>) dst(%arg9 : memref<80x64xf32, #tpu.memory_space<vmem>>)
      "tpu.region"() ({
        %run_scoped3A = tpu.sem_alloc : memref<!tpu.dma_semaphore, #tpu.memory_space<semaphore_mem>>
        %dma_start3A_22 = arith.constant 0 : i32
        %dma_start3A_23 = tpu.memref_slice %arg5[%add3A_11, %dma_start3A_22] : memref<51200x64xf32, #tpu.memory_space<hbm>> -> memref<80x64xf32, #tpu.memory_space<hbm>>
        %dma_start3A_24 = arith.constant 0 : i32
        %dma_start3A_25 = tpu.memref_slice %arg5[%add3A_11, %dma_start3A_24] : memref<51200x64xf32, #tpu.memory_space<hbm>> -> memref<80x64xf32, #tpu.memory_space<hbm>>
        tpu.enqueue_dma source(%arg8 : memref<80x64xf32, #tpu.memory_space<vmem>>) target(%dma_start3A_25 : memref<80x64xf32, #tpu.memory_space<hbm>>) target_semaphore(%run_scoped3A : memref<!tpu.dma_semaphore, #tpu.memory_space<semaphore_mem>>)
        %dma_wait3A_26 = arith.constant 0 : i32
        %dma_wait3A_27 = tpu.memref_slice %arg5[%add3A_11, %dma_wait3A_26] : memref<51200x64xf32, #tpu.memory_space<hbm>> -> memref<80x64xf32, #tpu.memory_space<hbm>>
        %dma_wait3A_28 = arith.constant 0 : i32
        %dma_wait3A_29 = tpu.memref_slice %arg5[%add3A_11, %dma_wait3A_28] : memref<51200x64xf32, #tpu.memory_space<hbm>> -> memref<80x64xf32, #tpu.memory_space<hbm>>
        tpu.wait_dma2 semaphore(%run_scoped3A : memref<!tpu.dma_semaphore, #tpu.memory_space<semaphore_mem>>) src(%arg8 : memref<80x64xf32, #tpu.memory_space<vmem>>) dst(%dma_wait3A_29 : memref<80x64xf32, #tpu.memory_space<hbm>>)
        tpu.yield
      }) : () -> ()
      "tpu.region"() ({
        %run_scoped3A = tpu.sem_alloc : memref<!tpu.dma_semaphore, #tpu.memory_space<semaphore_mem>>
        %dma_start3A_22 = arith.constant 0 : i32
        %dma_start3A_23 = tpu.memref_slice %arg6[%add3A_11, %dma_start3A_22] : memref<51200x64xf32, #tpu.memory_space<hbm>> -> memref<80x64xf32, #tpu.memory_space<hbm>>
        %dma_start3A_24 = arith.constant 0 : i32
        %dma_start3A_25 = tpu.memref_slice %arg6[%add3A_11, %dma_start3A_24] : memref<51200x64xf32, #tpu.memory_space<hbm>> -> memref<80x64xf32, #tpu.memory_space<hbm>>
        tpu.enqueue_dma source(%arg9 : memref<80x64xf32, #tpu.memory_space<vmem>>) target(%dma_start3A_25 : memref<80x64xf32, #tpu.memory_space<hbm>>) target_semaphore(%run_scoped3A : memref<!tpu.dma_semaphore, #tpu.memory_space<semaphore_mem>>)
        %dma_wait3A_26 = arith.constant 0 : i32
        %dma_wait3A_27 = tpu.memref_slice %arg6[%add3A_11, %dma_wait3A_26] : memref<51200x64xf32, #tpu.memory_space<hbm>> -> memref<80x64xf32, #tpu.memory_space<hbm>>
        %dma_wait3A_28 = arith.constant 0 : i32
        %dma_wait3A_29 = tpu.memref_slice %arg6[%add3A_11, %dma_wait3A_28] : memref<51200x64xf32, #tpu.memory_space<hbm>> -> memref<80x64xf32, #tpu.memory_space<hbm>>
        tpu.wait_dma2 semaphore(%run_scoped3A : memref<!tpu.dma_semaphore, #tpu.memory_space<semaphore_mem>>) src(%arg9 : memref<80x64xf32, #tpu.memory_space<vmem>>) dst(%dma_wait3A_29 : memref<80x64xf32, #tpu.memory_space<hbm>>)
        tpu.yield
      }) : () -> ()
    }
    %scan3A_7 = arith.constant 20 : i32
    return
  }
}

#map = affine_map<(d0, d1) -> (0, 0)>
#map1 = affine_map<(d0, d1) -> (0)>
module attributes {stable_mosaic.version = 14 : i64} {
  func.func @k(%arg0: i32, %arg1: i32, %arg2: memref<4096x64xf32, #tpu.memory_space<hbm>>, %arg3: memref<4096x64xf32, #tpu.memory_space<hbm>>, %arg4: memref<51200xi32, #tpu.memory_space<hbm>>, %arg5: memref<51200x64xf32, #tpu.memory_space<hbm>>, %arg6: memref<51200x64xf32, #tpu.memory_space<hbm>>, %arg7: memref<80xi32, #tpu.memory_space<vmem>>, %arg8: memref<80x64xf32, #tpu.memory_space<vmem>>, %arg9: memref<80x64xf32, #tpu.memory_space<vmem>>, %arg10: memref<!tpu.dma_semaphore, #tpu.memory_space<semaphore_mem>>, %arg11: memref<!tpu.dma_semaphore, #tpu.memory_space<semaphore_mem>>) attributes {dimension_semantics = [#tpu.dimension_semantics<core_parallel>, #tpu.dimension_semantics<subcore_parallel>], iteration_bounds = array<i64: 2, 16>, scalar_prefetch = 0 : i64, scratch_operands = 5 : i64, tpu.core_type = #tpu.core_type<sc_vector_subcore>, window_params = [{transform_indices = #map}, {transform_indices = #map}, {transform_indices = #map1}, {transform_indices = #map}, {transform_indices = #map}]} {
    %mul3A = arith.constant 2 : i32
    %mul3A_0 = arith.muli %arg1, %mul3A : i32
    %add3A = arith.addi %mul3A_0, %arg0 : i32
    %mul3A_1 = arith.constant 1600 : i32
    %mul3A_2 = arith.muli %add3A, %mul3A_1 : i32
    %scan3A = arith.constant 0 : i32
    %scan3A_3 = arith.constant 0 : i32
    %scan3A_4 = arith.constant 20 : i32
    %scan3A_5 = arith.addi %scan3A_3, %scan3A_4 : i32
    %scan3A_6 = arith.constant 1 : i32
    scf.for %scan3A_8 = %scan3A_3 to %scan3A_5 step %scan3A_6  : i32 {
      %mul3A_9 = arith.constant 80 : i32
      %mul3A_10 = arith.muli %scan3A_8, %mul3A_9 : i32
      %add3A_11 = arith.addi %mul3A_2, %mul3A_10 : i32
      "tpu.region"() ({
        %run_scoped3A = tpu.sem_alloc : memref<!tpu.dma_semaphore, #tpu.memory_space<semaphore_mem>>
        %dma_start3A_22 = tpu.memref_slice %arg4[%add3A_11] : memref<51200xi32, #tpu.memory_space<hbm>> -> memref<80xi32, #tpu.memory_space<hbm>>
        %dma_start3A_23 = tpu.memref_slice %arg4[%add3A_11] : memref<51200xi32, #tpu.memory_space<hbm>> -> memref<80xi32, #tpu.memory_space<hbm>>
        tpu.enqueue_dma source(%dma_start3A_23 : memref<80xi32, #tpu.memory_space<hbm>>) target(%arg7 : memref<80xi32, #tpu.memory_space<vmem>>) target_semaphore(%run_scoped3A : memref<!tpu.dma_semaphore, #tpu.memory_space<semaphore_mem>>)
        %dma_wait3A_24 = tpu.memref_slice %arg4[%add3A_11] : memref<51200xi32, #tpu.memory_space<hbm>> -> memref<80xi32, #tpu.memory_space<hbm>>
        %dma_wait3A_25 = tpu.memref_slice %arg4[%add3A_11] : memref<51200xi32, #tpu.memory_space<hbm>> -> memref<80xi32, #tpu.memory_space<hbm>>
        tpu.wait_dma2 semaphore(%run_scoped3A : memref<!tpu.dma_semaphore, #tpu.memory_space<semaphore_mem>>) src(%dma_wait3A_25 : memref<80xi32, #tpu.memory_space<hbm>>) dst(%arg7 : memref<80xi32, #tpu.memory_space<vmem>>)
        tpu.yield
      }) : () -> ()
      %dma_start3A = arith.constant 0 : i32
      %dma_start3A_12 = arith.constant 0 : i32
      %dma_start3A_13 = tpu.memref_slice %arg2[%dma_start3A, %dma_start3A_12] : memref<4096x64xf32, #tpu.memory_space<hbm>> -> memref<4096x64xf32, #tpu.memory_space<hbm>>
      tpu.enqueue_indirect_dma source(%dma_start3A_13 : memref<4096x64xf32, #tpu.memory_space<hbm>>) target(%arg8 : memref<80x64xf32, #tpu.memory_space<vmem>>) offsets(%arg7 : memref<80xi32, #tpu.memory_space<vmem>>) semaphore(%arg10 : memref<!tpu.dma_semaphore, #tpu.memory_space<semaphore_mem>>)
      %dma_start3A_14 = arith.constant 0 : i32
      %dma_start3A_15 = arith.constant 0 : i32
      %dma_start3A_16 = tpu.memref_slice %arg3[%dma_start3A_14, %dma_start3A_15] : memref<4096x64xf32, #tpu.memory_space<hbm>> -> memref<4096x64xf32, #tpu.memory_space<hbm>>
      tpu.enqueue_indirect_dma source(%dma_start3A_16 : memref<4096x64xf32, #tpu.memory_space<hbm>>) target(%arg9 : memref<80x64xf32, #tpu.memory_space<vmem>>) offsets(%arg7 : memref<80xi32, #tpu.memory_space<vmem>>) semaphore(%arg11 : memref<!tpu.dma_semaphore, #tpu.memory_space<semaphore_mem>>)
      %dma_wait3A = arith.constant 0 : i32
      %dma_wait3A_17 = arith.constant 0 : i32
      %dma_wait3A_18 = tpu.memref_slice %arg2[%dma_wait3A, %dma_wait3A_17] : memref<4096x64xf32, #tpu.memory_space<hbm>> -> memref<4096x64xf32, #tpu.memory_space<hbm>>
      tpu.wait_indirect_dma semaphore(%arg10 : memref<!tpu.dma_semaphore, #tpu.memory_space<semaphore_mem>>) src(%dma_wait3A_18 : memref<4096x64xf32, #tpu.memory_space<hbm>>) dst(%arg8 : memref<80x64xf32, #tpu.memory_space<vmem>>)
      %dma_wait3A_19 = arith.constant 0 : i32
      %dma_wait3A_20 = arith.constant 0 : i32
      %dma_wait3A_21 = tpu.memref_slice %arg3[%dma_wait3A_19, %dma_wait3A_20] : memref<4096x64xf32, #tpu.memory_space<hbm>> -> memref<4096x64xf32, #tpu.memory_space<hbm>>
      tpu.wait_indirect_dma semaphore(%arg11 : memref<!tpu.dma_semaphore, #tpu.memory_space<semaphore_mem>>) src(%dma_wait3A_21 : memref<4096x64xf32, #tpu.memory_space<hbm>>) dst(%arg9 : memref<80x64xf32, #tpu.memory_space<vmem>>)
      "tpu.region"() ({
        %run_scoped3A = tpu.sem_alloc : memref<!tpu.dma_semaphore, #tpu.memory_space<semaphore_mem>>
        %dma_start3A_22 = arith.constant 0 : i32
        %dma_start3A_23 = tpu.memref_slice %arg5[%add3A_11, %dma_start3A_22] : memref<51200x64xf32, #tpu.memory_space<hbm>> -> memref<80x64xf32, #tpu.memory_space<hbm>>
        %dma_start3A_24 = arith.constant 0 : i32
        %dma_start3A_25 = tpu.memref_slice %arg5[%add3A_11, %dma_start3A_24] : memref<51200x64xf32, #tpu.memory_space<hbm>> -> memref<80x64xf32, #tpu.memory_space<hbm>>
        tpu.enqueue_dma source(%arg8 : memref<80x64xf32, #tpu.memory_space<vmem>>) target(%dma_start3A_25 : memref<80x64xf32, #tpu.memory_space<hbm>>) target_semaphore(%run_scoped3A : memref<!tpu.dma_semaphore, #tpu.memory_space<semaphore_mem>>)
        %dma_wait3A_26 = arith.constant 0 : i32
        %dma_wait3A_27 = tpu.memref_slice %arg5[%add3A_11, %dma_wait3A_26] : memref<51200x64xf32, #tpu.memory_space<hbm>> -> memref<80x64xf32, #tpu.memory_space<hbm>>
        %dma_wait3A_28 = arith.constant 0 : i32
        %dma_wait3A_29 = tpu.memref_slice %arg5[%add3A_11, %dma_wait3A_28] : memref<51200x64xf32, #tpu.memory_space<hbm>> -> memref<80x64xf32, #tpu.memory_space<hbm>>
        tpu.wait_dma2 semaphore(%run_scoped3A : memref<!tpu.dma_semaphore, #tpu.memory_space<semaphore_mem>>) src(%arg8 : memref<80x64xf32, #tpu.memory_space<vmem>>) dst(%dma_wait3A_29 : memref<80x64xf32, #tpu.memory_space<hbm>>)
        tpu.yield
      }) : () -> ()
      "tpu.region"() ({
        %run_scoped3A = tpu.sem_alloc : memref<!tpu.dma_semaphore, #tpu.memory_space<semaphore_mem>>
        %dma_start3A_22 = arith.constant 0 : i32
        %dma_start3A_23 = tpu.memref_slice %arg6[%add3A_11, %dma_start3A_22] : memref<51200x64xf32, #tpu.memory_space<hbm>> -> memref<80x64xf32, #tpu.memory_space<hbm>>
        %dma_start3A_24 = arith.constant 0 : i32
        %dma_start3A_25 = tpu.memref_slice %arg6[%add3A_11, %dma_start3A_24] : memref<51200x64xf32, #tpu.memory_space<hbm>> -> memref<80x64xf32, #tpu.memory_space<hbm>>
        tpu.enqueue_dma source(%arg9 : memref<80x64xf32, #tpu.memory_space<vmem>>) target(%dma_start3A_25 : memref<80x64xf32, #tpu.memory_space<hbm>>) target_semaphore(%run_scoped3A : memref<!tpu.dma_semaphore, #tpu.memory_space<semaphore_mem>>)
        %dma_wait3A_26 = arith.constant 0 : i32
        %dma_wait3A_27 = tpu.memref_slice %arg6[%add3A_11, %dma_wait3A_26] : memref<51200x64xf32, #tpu.memory_space<hbm>> -> memref<80x64xf32, #tpu.memory_space<hbm>>
        %dma_wait3A_28 = arith.constant 0 : i32
        %dma_wait3A_29 = tpu.memref_slice %arg6[%add3A_11, %dma_wait3A_28] : memref<51200x64xf32, #tpu.memory_space<hbm>> -> memref<80x64xf32, #tpu.memory_space<hbm>>
        tpu.wait_dma2 semaphore(%run_scoped3A : memref<!tpu.dma_semaphore, #tpu.memory_space<semaphore_mem>>) src(%arg9 : memref<80x64xf32, #tpu.memory_space<vmem>>) dst(%dma_wait3A_29 : memref<80x64xf32, #tpu.memory_space<hbm>>)
        tpu.yield
      }) : () -> ()
    }
    %scan3A_7 = arith.constant 20 : i32
    return
  }
}

module attributes {stable_mosaic.version = 14 : i64} {
  func.func @_knn_kernel(%arg0: i32, %arg1: memref<4096x64xf32, #tpu.memory_space<vmem>>, %arg2: memref<256x64xf32, #tpu.memory_space<vmem>>, %arg3: memref<25x256xi32, #tpu.memory_space<vmem>>, %arg4: memref<4096x256xi32, #tpu.memory_space<vmem>>, %arg5: memref<8x32x256xi32, #tpu.memory_space<vmem>>, %arg6: memref<4096x64xbf16, #tpu.memory_space<vmem>>) attributes {dimension_semantics = [#tpu.dimension_semantics<arbitrary>], iteration_bounds = array<i64: 8>, scalar_prefetch = 0 : i64, scratch_operands = 3 : i64, tpu.core_type = #tpu.core_type<tc>, window_params = [{pipeline_mode = #tpu.pipeline_mode<synchronous>, transform_indices = @transform_0, window_bounds = array<i64: 4096, 64>}, {transform_indices = @transform_1, window_bounds = array<i64: 256, 64>}, {transform_indices = @transform_2, window_bounds = array<i64: 25, 256>}]} {
    %get3A = arith.constant 0 : index
    %get3A_0 = arith.constant 0 : index
    %get3A_1 = vector.load %arg1[%get3A, %get3A_0] : memref<4096x64xf32, #tpu.memory_space<vmem>>, vector<4096x64xf32>
    %eq3A = arith.constant 0 : i32
    %eq3A_2 = arith.cmpi eq, %arg0, %eq3A : i32
    %convert_element_type3A = arith.extui %eq3A_2 : i1 to i32
    %cond3A = arith.constant 0 : i32
    %cond3A_3 = arith.cmpi ne, %convert_element_type3A, %cond3A : i32
    scf.if %cond3A_3 {
      %convert_element_type3A_56 = arith.truncf %get3A_1 : vector<4096x64xf32> to vector<4096x64xbf16>
      %swap3A_57 = arith.constant 0 : index
      %swap3A_58 = arith.constant 0 : index
      %swap3A_59 = vector.load %arg6[%swap3A_57, %swap3A_58] : memref<4096x64xbf16, #tpu.memory_space<vmem>>, vector<4096x64xbf16>
      tpu.vector_store %arg6[%swap3A_57, %swap3A_58], %convert_element_type3A_56 {strides = array<i32>} : memref<4096x64xbf16, #tpu.memory_space<vmem>>, vector<4096x64xbf16>,
    } else {
    }
    %get3A_4 = arith.constant 0 : index
    %get3A_5 = arith.constant 0 : index
    %get3A_6 = vector.load %arg2[%get3A_4, %get3A_5] : memref<256x64xf32, #tpu.memory_space<vmem>>, vector<256x64xf32>
    %transpose3A = tpu.transpose %get3A_6, [1, 0] : vector<256x64xf32> -> vector<64x256xf32>
    %mul3A = arith.mulf %get3A_1, %get3A_1 : vector<4096x64xf32>
    %reduce_sum3A = arith.constant dense<0.000000e+00> : vector<4096xf32>
    %reduce_sum3A_7 = vector.multi_reduction <add>, %mul3A, %reduce_sum3A [1] : vector<4096x64xf32> to vector<4096xf32>
    %broadcast_in_dim3A = vector.shape_cast %reduce_sum3A_7 : vector<4096xf32> to vector<4096x1xf32>
    %mul3A_8 = arith.mulf %transpose3A, %transpose3A : vector<64x256xf32>
    %reduce_sum3A_9 = arith.constant dense<0.000000e+00> : vector<256xf32>
    %reduce_sum3A_10 = vector.multi_reduction <add>, %mul3A_8, %reduce_sum3A_9 [0] : vector<64x256xf32> to vector<256xf32>
    %broadcast_in_dim3A_11 = vector.shape_cast %reduce_sum3A_10 : vector<256xf32> to vector<1x256xf32>
    %get3A_12 = arith.constant 0 : index
    %get3A_13 = arith.constant 0 : index
    %get3A_14 = vector.load %arg6[%get3A_12, %get3A_13] : memref<4096x64xbf16, #tpu.memory_space<vmem>>, vector<4096x64xbf16>
    %convert_element_type3A_15 = arith.truncf %transpose3A : vector<64x256xf32> to vector<64x256xbf16>
    %dot_general3A = arith.constant dense<0.000000e+00> : vector<4096x256xf32>
    %dot_general3A_16 = tpu.matmul %get3A_14, %convert_element_type3A_15, %dot_general3A {dimension_numbers = #tpu.dot_dimension_numbers<[1], [0], [0], [1], [0, 0, 1, 1], [], []>, transpose_lhs_hint = false} : vector<4096x64xbf16>, vector<64x256xbf16>, vector<4096x256xf32> -> vector<4096x256xf32>
    %add3A = vector.broadcast %broadcast_in_dim3A : vector<4096x1xf32> to vector<4096x256xf32>
    %add3A_17 = vector.broadcast %broadcast_in_dim3A_11 : vector<1x256xf32> to vector<4096x256xf32>
    %add3A_18 = arith.addf %add3A, %add3A_17 : vector<4096x256xf32>
    %mul3A_19 = arith.constant 2.000000e+00 : f32
    %mul3A_20 = vector.broadcast %mul3A_19 : f32 to vector<4096x256xf32>
    %mul3A_21 = arith.mulf %mul3A_20, %dot_general3A_16 : vector<4096x256xf32>
    %sub3A = arith.subf %add3A_18, %mul3A_21 : vector<4096x256xf32>
    %iota3A = tpu.iota {dimensions = array<i32: 0>} : vector<4096x256xi32>
    %iota3A_22 = tpu.iota {dimensions = array<i32: 1>} : vector<4096x256xi32>
    %max3A = arith.constant 0.000000e+00 : f32
    %max3A_23 = vector.broadcast %max3A : f32 to vector<4096x256xf32>
    %max3A_24 = arith.maximumf %sub3A, %max3A_23 : vector<4096x256xf32>
    %bitcast_convert_type3A = tpu.bitcast %max3A_24 : vector<4096x256xf32> -> vector<4096x256xi32>
    %mul3A_25 = arith.constant 256 : i32
    %mul3A_26 = arith.muli %arg0, %mul3A_25 : i32
    %add3A_27 = vector.broadcast %mul3A_26 : i32 to vector<4096x256xi32>
    %add3A_28 = arith.addi %iota3A_22, %add3A_27 : vector<4096x256xi32>
    %add3A_29 = arith.constant 2048 : i32
    %add3A_30 = vector.broadcast %add3A_29 : i32 to vector<4096x256xi32>
    %add3A_31 = arith.addi %add3A_28, %add3A_30 : vector<4096x256xi32>
    %eq3A_32 = arith.cmpi eq, %iota3A, %add3A_31 : vector<4096x256xi32>
    %and3A = arith.constant -4096 : i32
    %and3A_33 = vector.broadcast %and3A : i32 to vector<4096x256xi32>
    %and3A_34 = arith.andi %bitcast_convert_type3A, %and3A_33 : vector<4096x256xi32>
    %or3A = arith.ori %and3A_34, %iota3A : vector<4096x256xi32>
    %jit3A = arith.constant 2147483647 : i32
    %broadcast_in_dim3A_35 = vector.broadcast %jit3A : i32 to vector<4096x256xi32>
    %select_n3A = arith.select %eq3A_32, %broadcast_in_dim3A_35, %or3A : vector<4096x256xi1>, vector<4096x256xi32>
    %swap3A = arith.constant 0 : index
    %swap3A_36 = arith.constant 0 : index
    %swap3A_37 = vector.load %arg4[%swap3A, %swap3A_36] : memref<4096x256xi32, #tpu.memory_space<vmem>>, vector<4096x256xi32>
    tpu.vector_store %arg4[%swap3A, %swap3A_36], %select_n3A {strides = array<i32>} : memref<4096x256xi32, #tpu.memory_space<vmem>>, vector<4096x256xi32>,
    %scan3A = arith.constant 0 : i32
    %scan3A_38 = arith.constant 32 : i32
    %scan3A_39 = arith.addi %scan3A, %scan3A_38 : i32
    %scan3A_40 = arith.constant 1 : i32
    scf.for %scan3A_56 = %scan3A to %scan3A_39 step %scan3A_40  : i32 {
      %mul3A_57 = arith.constant 128 : i32
      %mul3A_58 = arith.muli %scan3A_56, %mul3A_57 : i32
      %get3A_59 = arith.index_cast %mul3A_58 : i32 to index
      %get3A_60 = arith.constant 0 : index
      %get3A_61 = vector.load %arg4[%get3A_59, %get3A_60] : memref<4096x256xi32, #tpu.memory_space<vmem>>, vector<128x256xi32>
      %reduce_min3A = arith.constant dense<2147483647> : vector<256xi32>
      %reduce_min3A_62 = vector.multi_reduction <minsi>, %get3A_61, %reduce_min3A [0] : vector<128x256xi32> to vector<256xi32>
      %broadcast_in_dim3A_63 = vector.shape_cast %reduce_min3A_62 : vector<256xi32> to vector<1x256xi32>
      %eq3A_64 = vector.broadcast %broadcast_in_dim3A_63 : vector<1x256xi32> to vector<128x256xi32>
      %eq3A_65 = arith.cmpi eq, %get3A_61, %eq3A_64 : vector<128x256xi32>
      %jit3A_66 = arith.constant 2147483647 : i32
      %broadcast_in_dim3A_67 = vector.broadcast %jit3A_66 : i32 to vector<128x256xi32>
      %select_n3A_68 = arith.select %eq3A_65, %broadcast_in_dim3A_67, %get3A_61 : vector<128x256xi1>, vector<128x256xi32>
      %reduce_min3A_69 = arith.constant dense<2147483647> : vector<256xi32>
      %reduce_min3A_70 = vector.multi_reduction <minsi>, %select_n3A_68, %reduce_min3A_69 [0] : vector<128x256xi32> to vector<256xi32>
      %broadcast_in_dim3A_71 = vector.shape_cast %reduce_min3A_70 : vector<256xi32> to vector<1x256xi32>
      %eq3A_72 = vector.broadcast %broadcast_in_dim3A_71 : vector<1x256xi32> to vector<128x256xi32>
      %eq3A_73 = arith.cmpi eq, %select_n3A_68, %eq3A_72 : vector<128x256xi32>
      %jit3A_74 = arith.constant 2147483647 : i32
      %broadcast_in_dim3A_75 = vector.broadcast %jit3A_74 : i32 to vector<128x256xi32>
      %select_n3A_76 = arith.select %eq3A_73, %broadcast_in_dim3A_75, %select_n3A_68 : vector<128x256xi1>, vector<128x256xi32>
      %reduce_min3A_77 = arith.constant dense<2147483647> : vector<256xi32>
      %reduce_min3A_78 = vector.multi_reduction <minsi>, %select_n3A_76, %reduce_min3A_77 [0] : vector<128x256xi32> to vector<256xi32>
      %broadcast_in_dim3A_79 = vector.shape_cast %reduce_min3A_78 : vector<256xi32> to vector<1x256xi32>
      %eq3A_80 = vector.broadcast %broadcast_in_dim3A_79 : vector<1x256xi32> to vector<128x256xi32>
      %eq3A_81 = arith.cmpi eq, %select_n3A_76, %eq3A_80 : vector<128x256xi32>
      %jit3A_82 = arith.constant 2147483647 : i32
      %broadcast_in_dim3A_83 = vector.broadcast %jit3A_82 : i32 to vector<128x256xi32>
      %select_n3A_84 = arith.select %eq3A_81, %broadcast_in_dim3A_83, %select_n3A_76 : vector<128x256xi1>, vector<128x256xi32>
      %reduce_min3A_85 = arith.constant dense<2147483647> : vector<256xi32>
      %reduce_min3A_86 = vector.multi_reduction <minsi>, %select_n3A_84, %reduce_min3A_85 [0] : vector<128x256xi32> to vector<256xi32>
      %broadcast_in_dim3A_87 = vector.shape_cast %reduce_min3A_86 : vector<256xi32> to vector<1x256xi32>
      %eq3A_88 = vector.broadcast %broadcast_in_dim3A_87 : vector<1x256xi32> to vector<128x256xi32>
      %eq3A_89 = arith.cmpi eq, %select_n3A_84, %eq3A_88 : vector<128x256xi32>
      %jit3A_90 = arith.constant 2147483647 : i32
      %broadcast_in_dim3A_91 = vector.broadcast %jit3A_90 : i32 to vector<128x256xi32>
      %select_n3A_92 = arith.select %eq3A_89, %broadcast_in_dim3A_91, %select_n3A_84 : vector<128x256xi1>, vector<128x256xi32>
      %reduce_min3A_93 = arith.constant dense<2147483647> : vector<256xi32>
      %reduce_min3A_94 = vector.multi_reduction <minsi>, %select_n3A_92, %reduce_min3A_93 [0] : vector<128x256xi32> to vector<256xi32>
      %broadcast_in_dim3A_95 = vector.shape_cast %reduce_min3A_94 : vector<256xi32> to vector<1x256xi32>
      %eq3A_96 = vector.broadcast %broadcast_in_dim3A_95 : vector<1x256xi32> to vector<128x256xi32>
      %eq3A_97 = arith.cmpi eq, %select_n3A_92, %eq3A_96 : vector<128x256xi32>
      %jit3A_98 = arith.constant 2147483647 : i32
      %broadcast_in_dim3A_99 = vector.broadcast %jit3A_98 : i32 to vector<128x256xi32>
      %select_n3A_100 = arith.select %eq3A_97, %broadcast_in_dim3A_99, %select_n3A_92 : vector<128x256xi1>, vector<128x256xi32>
      %reduce_min3A_101 = arith.constant dense<2147483647> : vector<256xi32>
      %reduce_min3A_102 = vector.multi_reduction <minsi>, %select_n3A_100, %reduce_min3A_101 [0] : vector<128x256xi32> to vector<256xi32>
      %broadcast_in_dim3A_103 = vector.shape_cast %reduce_min3A_102 : vector<256xi32> to vector<1x256xi32>
      %eq3A_104 = vector.broadcast %broadcast_in_dim3A_103 : vector<1x256xi32> to vector<128x256xi32>
      %eq3A_105 = arith.cmpi eq, %select_n3A_100, %eq3A_104 : vector<128x256xi32>
      %jit3A_106 = arith.constant 2147483647 : i32
      %broadcast_in_dim3A_107 = vector.broadcast %jit3A_106 : i32 to vector<128x256xi32>
      %select_n3A_108 = arith.select %eq3A_105, %broadcast_in_dim3A_107, %select_n3A_100 : vector<128x256xi1>, vector<128x256xi32>
      %reduce_min3A_109 = arith.constant dense<2147483647> : vector<256xi32>
      %reduce_min3A_110 = vector.multi_reduction <minsi>, %select_n3A_108, %reduce_min3A_109 [0] : vector<128x256xi32> to vector<256xi32>
      %broadcast_in_dim3A_111 = vector.shape_cast %reduce_min3A_110 : vector<256xi32> to vector<1x256xi32>
      %eq3A_112 = vector.broadcast %broadcast_in_dim3A_111 : vector<1x256xi32> to vector<128x256xi32>
      %eq3A_113 = arith.cmpi eq, %select_n3A_108, %eq3A_112 : vector<128x256xi32>
      %jit3A_114 = arith.constant 2147483647 : i32
      %broadcast_in_dim3A_115 = vector.broadcast %jit3A_114 : i32 to vector<128x256xi32>
      %select_n3A_116 = arith.select %eq3A_113, %broadcast_in_dim3A_115, %select_n3A_108 : vector<128x256xi1>, vector<128x256xi32>
      %reduce_min3A_117 = arith.constant dense<2147483647> : vector<256xi32>
      %reduce_min3A_118 = vector.multi_reduction <minsi>, %select_n3A_116, %reduce_min3A_117 [0] : vector<128x256xi32> to vector<256xi32>
      %broadcast_in_dim3A_119 = vector.shape_cast %reduce_min3A_118 : vector<256xi32> to vector<1x256xi32>
      %concatenate3A = tpu.concatenate %broadcast_in_dim3A_63, %broadcast_in_dim3A_71, %broadcast_in_dim3A_79, %broadcast_in_dim3A_87, %broadcast_in_dim3A_95, %broadcast_in_dim3A_103, %broadcast_in_dim3A_111, %broadcast_in_dim3A_119 in 0 : vector<1x256xi32>, vector<1x256xi32>, vector<1x256xi32>, vector<1x256xi32>, vector<1x256xi32>, vector<1x256xi32>, vector<1x256xi32>, vector<1x256xi32> -> vector<8x256xi32>
      %broadcast_in_dim3A_120 = vector.shape_cast %concatenate3A : vector<8x256xi32> to vector<8x1x256xi32>
      %swap3A_121 = arith.constant 0 : index
      %swap3A_122 = arith.index_cast %scan3A_56 : i32 to index
      %swap3A_123 = arith.constant 0 : index
      %swap3A_124 = vector.load %arg5[%swap3A_121, %swap3A_122, %swap3A_123] : memref<8x32x256xi32, #tpu.memory_space<vmem>>, vector<8x1x256xi32>
      tpu.vector_store %arg5[%swap3A_121, %swap3A_122, %swap3A_123], %broadcast_in_dim3A_120 {strides = array<i32>} : memref<8x32x256xi32, #tpu.memory_space<vmem>>, vector<8x1x256xi32>,
    }
    %scan3A_41 = arith.constant 32 : i32
    %iota3A_42 = tpu.iota {dimensions = array<i32: 0>} : vector<25x256xi32>
    %broadcast_in_dim3A_43 = arith.constant 0 : i32
    %broadcast_in_dim3A_44 = vector.broadcast %broadcast_in_dim3A_43 : i32 to vector<32x256xi32>
    %broadcast_in_dim3A_45 = arith.constant 0 : i32
    %broadcast_in_dim3A_46 = vector.broadcast %broadcast_in_dim3A_45 : i32 to vector<25x256xi32>
    %scan3A_47 = arith.constant 0 : i32
    %scan3A_48 = arith.constant 25 : i32
    %scan3A_49 = arith.addi %scan3A_47, %scan3A_48 : i32
    %scan3A_50 = arith.constant 1 : i32
    %scan3A_51:2 = scf.for %scan3A_56 = %scan3A_47 to %scan3A_49 step %scan3A_50 iter_args(%scan3A_57 = %broadcast_in_dim3A_44, %scan3A_58 = %broadcast_in_dim3A_46) -> (vector<32x256xi32>, vector<25x256xi32>)  : i32 {
      %broadcast_in_dim3A_59 = arith.constant 2147483647 : i32
      %broadcast_in_dim3A_60 = vector.broadcast %broadcast_in_dim3A_59 : i32 to vector<32x256xi32>
      %eq3A_61 = arith.constant 7 : i32
      %eq3A_62 = vector.broadcast %eq3A_61 : i32 to vector<32x256xi32>
      %eq3A_63 = arith.cmpi eq, %scan3A_57, %eq3A_62 : vector<32x256xi32>
      %get3A_64 = arith.constant 7 : index
      %get3A_65 = arith.constant 0 : index
      %get3A_66 = arith.constant 0 : index
      %get3A_67 = vector.load %arg5[%get3A_64, %get3A_65, %get3A_66] : memref<8x32x256xi32, #tpu.memory_space<vmem>>, vector<1x32x256xi32>
      %get3A_68 = vector.shape_cast %get3A_67 : vector<1x32x256xi32> to vector<32x256xi32>
      %select_n3A_69 = arith.select %eq3A_63, %get3A_68, %broadcast_in_dim3A_60 : vector<32x256xi1>, vector<32x256xi32>
      %eq3A_70 = arith.constant 6 : i32
      %eq3A_71 = vector.broadcast %eq3A_70 : i32 to vector<32x256xi32>
      %eq3A_72 = arith.cmpi eq, %scan3A_57, %eq3A_71 : vector<32x256xi32>
      %get3A_73 = arith.constant 6 : index
      %get3A_74 = arith.constant 0 : index
      %get3A_75 = arith.constant 0 : index
      %get3A_76 = vector.load %arg5[%get3A_73, %get3A_74, %get3A_75] : memref<8x32x256xi32, #tpu.memory_space<vmem>>, vector<1x32x256xi32>
      %get3A_77 = vector.shape_cast %get3A_76 : vector<1x32x256xi32> to vector<32x256xi32>
      %select_n3A_78 = arith.select %eq3A_72, %get3A_77, %select_n3A_69 : vector<32x256xi1>, vector<32x256xi32>
      %eq3A_79 = arith.constant 5 : i32
      %eq3A_80 = vector.broadcast %eq3A_79 : i32 to vector<32x256xi32>
      %eq3A_81 = arith.cmpi eq, %scan3A_57, %eq3A_80 : vector<32x256xi32>
      %get3A_82 = arith.constant 5 : index
      %get3A_83 = arith.constant 0 : index
      %get3A_84 = arith.constant 0 : index
      %get3A_85 = vector.load %arg5[%get3A_82, %get3A_83, %get3A_84] : memref<8x32x256xi32, #tpu.memory_space<vmem>>, vector<1x32x256xi32>
      %get3A_86 = vector.shape_cast %get3A_85 : vector<1x32x256xi32> to vector<32x256xi32>
      %select_n3A_87 = arith.select %eq3A_81, %get3A_86, %select_n3A_78 : vector<32x256xi1>, vector<32x256xi32>
      %eq3A_88 = arith.constant 4 : i32
      %eq3A_89 = vector.broadcast %eq3A_88 : i32 to vector<32x256xi32>
      %eq3A_90 = arith.cmpi eq, %scan3A_57, %eq3A_89 : vector<32x256xi32>
      %get3A_91 = arith.constant 4 : index
      %get3A_92 = arith.constant 0 : index
      %get3A_93 = arith.constant 0 : index
      %get3A_94 = vector.load %arg5[%get3A_91, %get3A_92, %get3A_93] : memref<8x32x256xi32, #tpu.memory_space<vmem>>, vector<1x32x256xi32>
      %get3A_95 = vector.shape_cast %get3A_94 : vector<1x32x256xi32> to vector<32x256xi32>
      %select_n3A_96 = arith.select %eq3A_90, %get3A_95, %select_n3A_87 : vector<32x256xi1>, vector<32x256xi32>
      %eq3A_97 = arith.constant 3 : i32
      %eq3A_98 = vector.broadcast %eq3A_97 : i32 to vector<32x256xi32>
      %eq3A_99 = arith.cmpi eq, %scan3A_57, %eq3A_98 : vector<32x256xi32>
      %get3A_100 = arith.constant 3 : index
      %get3A_101 = arith.constant 0 : index
      %get3A_102 = arith.constant 0 : index
      %get3A_103 = vector.load %arg5[%get3A_100, %get3A_101, %get3A_102] : memref<8x32x256xi32, #tpu.memory_space<vmem>>, vector<1x32x256xi32>
      %get3A_104 = vector.shape_cast %get3A_103 : vector<1x32x256xi32> to vector<32x256xi32>
      %select_n3A_105 = arith.select %eq3A_99, %get3A_104, %select_n3A_96 : vector<32x256xi1>, vector<32x256xi32>
      %eq3A_106 = arith.constant 2 : i32
      %eq3A_107 = vector.broadcast %eq3A_106 : i32 to vector<32x256xi32>
      %eq3A_108 = arith.cmpi eq, %scan3A_57, %eq3A_107 : vector<32x256xi32>
      %get3A_109 = arith.constant 2 : index
      %get3A_110 = arith.constant 0 : index
      %get3A_111 = arith.constant 0 : index
      %get3A_112 = vector.load %arg5[%get3A_109, %get3A_110, %get3A_111] : memref<8x32x256xi32, #tpu.memory_space<vmem>>, vector<1x32x256xi32>
      %get3A_113 = vector.shape_cast %get3A_112 : vector<1x32x256xi32> to vector<32x256xi32>
      %select_n3A_114 = arith.select %eq3A_108, %get3A_113, %select_n3A_105 : vector<32x256xi1>, vector<32x256xi32>
      %eq3A_115 = arith.constant 1 : i32
      %eq3A_116 = vector.broadcast %eq3A_115 : i32 to vector<32x256xi32>
      %eq3A_117 = arith.cmpi eq, %scan3A_57, %eq3A_116 : vector<32x256xi32>
      %get3A_118 = arith.constant 1 : index
      %get3A_119 = arith.constant 0 : index
      %get3A_120 = arith.constant 0 : index
      %get3A_121 = vector.load %arg5[%get3A_118, %get3A_119, %get3A_120] : memref<8x32x256xi32, #tpu.memory_space<vmem>>, vector<1x32x256xi32>
      %get3A_122 = vector.shape_cast %get3A_121 : vector<1x32x256xi32> to vector<32x256xi32>
      %select_n3A_123 = arith.select %eq3A_117, %get3A_122, %select_n3A_114 : vector<32x256xi1>, vector<32x256xi32>
      %eq3A_124 = arith.constant 0 : i32
      %eq3A_125 = vector.broadcast %eq3A_124 : i32 to vector<32x256xi32>
      %eq3A_126 = arith.cmpi eq, %scan3A_57, %eq3A_125 : vector<32x256xi32>
      %get3A_127 = arith.constant 0 : index
      %get3A_128 = arith.constant 0 : index
      %get3A_129 = arith.constant 0 : index
      %get3A_130 = vector.load %arg5[%get3A_127, %get3A_128, %get3A_129] : memref<8x32x256xi32, #tpu.memory_space<vmem>>, vector<1x32x256xi32>
      %get3A_131 = vector.shape_cast %get3A_130 : vector<1x32x256xi32> to vector<32x256xi32>
      %select_n3A_132 = arith.select %eq3A_126, %get3A_131, %select_n3A_123 : vector<32x256xi1>, vector<32x256xi32>
      %reduce_min3A = arith.constant dense<2147483647> : vector<256xi32>
      %reduce_min3A_133 = vector.multi_reduction <minsi>, %select_n3A_132, %reduce_min3A [0] : vector<32x256xi32> to vector<256xi32>
      %broadcast_in_dim3A_134 = vector.shape_cast %reduce_min3A_133 : vector<256xi32> to vector<1x256xi32>
      %eq3A_135 = vector.broadcast %broadcast_in_dim3A_134 : vector<1x256xi32> to vector<32x256xi32>
      %eq3A_136 = arith.cmpi eq, %select_n3A_132, %eq3A_135 : vector<32x256xi32>
      %convert_element_type3A_137 = arith.extui %eq3A_136 : vector<32x256xi1> to vector<32x256xi32>
      %add3A_138 = arith.addi %scan3A_57, %convert_element_type3A_137 : vector<32x256xi32>
      %eq3A_139 = vector.broadcast %scan3A_56 : i32 to vector<25x256xi32>
      %eq3A_140 = arith.cmpi eq, %iota3A_42, %eq3A_139 : vector<25x256xi32>
      %and3A_141 = arith.constant 4095 : i32
      %and3A_142 = vector.broadcast %and3A_141 : i32 to vector<1x256xi32>
      %and3A_143 = arith.andi %broadcast_in_dim3A_134, %and3A_142 : vector<1x256xi32>
      %broadcast_in_dim3A_144 = vector.shape_cast %and3A_143 : vector<1x256xi32> to vector<1x256xi32>
      %broadcast_in_dim3A_145 = vector.broadcast %broadcast_in_dim3A_144 : vector<1x256xi32> to vector<25x256xi32>
      %select_n3A_146 = arith.select %eq3A_140, %broadcast_in_dim3A_145, %scan3A_58 : vector<25x256xi1>, vector<25x256xi32>
      scf.yield %add3A_138, %select_n3A_146 : vector<32x256xi32>, vector<25x256xi32>
    }
    %scan3A_52 = arith.constant 25 : i32
    %swap3A_53 = arith.constant 0 : index
    %swap3A_54 = arith.constant 0 : index
    %swap3A_55 = vector.load %arg3[%swap3A_53, %swap3A_54] : memref<25x256xi32, #tpu.memory_space<vmem>>, vector<25x256xi32>
    tpu.vector_store %arg3[%swap3A_53, %swap3A_54], %scan3A_51#1 {strides = array<i32>} : memref<25x256xi32, #tpu.memory_space<vmem>>, vector<25x256xi32>,
    return
  }
  func.func @transform_0(%arg0: i32) -> (i32, i32) {
    %c0_i32 = arith.constant 0 : i32
    %c0_i32_0 = arith.constant 0 : i32
    %c0_i32_1 = arith.constant 0 : i32
    return %c0_i32, %c0_i32_0 : i32, i32
  }
  func.func @transform_1(%arg0: i32) -> (i32, i32) {
    %add3A = arith.constant 8 : i32
    %add3A_0 = arith.addi %arg0, %add3A : i32
    %c0_i32 = arith.constant 0 : i32
    %c0_i32_1 = arith.constant 0 : i32
    return %add3A_0, %c0_i32 : i32, i32
  }
  func.func @transform_2(%arg0: i32) -> (i32, i32) {
    %c0_i32 = arith.constant 0 : i32
    %c0_i32_0 = arith.constant 0 : i32
    return %c0_i32, %arg0 : i32, i32
  }
}

module attributes {stable_mosaic.version = 14 : i64} {
  func.func @_knn_kernel(%arg0: i32, %arg1: memref<4096x64xf32, #tpu.memory_space<vmem>>, %arg2: memref<256x64xf32, #tpu.memory_space<vmem>>, %arg3: memref<25x256xi32, #tpu.memory_space<vmem>>, %arg4: memref<4096x256xi32, #tpu.memory_space<vmem>>, %arg5: memref<8x32x256xi32, #tpu.memory_space<vmem>>, %arg6: memref<4096x64xbf16, #tpu.memory_space<vmem>>) attributes {dimension_semantics = [#tpu.dimension_semantics<arbitrary>], iteration_bounds = array<i64: 8>, scalar_prefetch = 0 : i64, scratch_operands = 3 : i64, tpu.core_type = #tpu.core_type<tc>, window_params = [{pipeline_mode = #tpu.pipeline_mode<synchronous>, transform_indices = @transform_0, window_bounds = array<i64: 4096, 64>}, {transform_indices = @transform_1, window_bounds = array<i64: 256, 64>}, {transform_indices = @transform_2, window_bounds = array<i64: 25, 256>}]} {
    %get3A = arith.constant 0 : index
    %get3A_0 = arith.constant 0 : index
    %get3A_1 = vector.load %arg1[%get3A, %get3A_0] : memref<4096x64xf32, #tpu.memory_space<vmem>>, vector<4096x64xf32>
    %eq3A = arith.constant 0 : i32
    %eq3A_2 = arith.cmpi eq, %arg0, %eq3A : i32
    %convert_element_type3A = arith.extui %eq3A_2 : i1 to i32
    %cond3A = arith.constant 0 : i32
    %cond3A_3 = arith.cmpi ne, %convert_element_type3A, %cond3A : i32
    scf.if %cond3A_3 {
      %convert_element_type3A_56 = arith.truncf %get3A_1 : vector<4096x64xf32> to vector<4096x64xbf16>
      %swap3A_57 = arith.constant 0 : index
      %swap3A_58 = arith.constant 0 : index
      %swap3A_59 = vector.load %arg6[%swap3A_57, %swap3A_58] : memref<4096x64xbf16, #tpu.memory_space<vmem>>, vector<4096x64xbf16>
      tpu.vector_store %arg6[%swap3A_57, %swap3A_58], %convert_element_type3A_56 {strides = array<i32>} : memref<4096x64xbf16, #tpu.memory_space<vmem>>, vector<4096x64xbf16>,
    } else {
    }
    %get3A_4 = arith.constant 0 : index
    %get3A_5 = arith.constant 0 : index
    %get3A_6 = vector.load %arg2[%get3A_4, %get3A_5] : memref<256x64xf32, #tpu.memory_space<vmem>>, vector<256x64xf32>
    %transpose3A = tpu.transpose %get3A_6, [1, 0] : vector<256x64xf32> -> vector<64x256xf32>
    %mul3A = arith.mulf %get3A_1, %get3A_1 : vector<4096x64xf32>
    %reduce_sum3A = arith.constant dense<0.000000e+00> : vector<4096xf32>
    %reduce_sum3A_7 = vector.multi_reduction <add>, %mul3A, %reduce_sum3A [1] : vector<4096x64xf32> to vector<4096xf32>
    %broadcast_in_dim3A = vector.shape_cast %reduce_sum3A_7 : vector<4096xf32> to vector<4096x1xf32>
    %mul3A_8 = arith.mulf %transpose3A, %transpose3A : vector<64x256xf32>
    %reduce_sum3A_9 = arith.constant dense<0.000000e+00> : vector<256xf32>
    %reduce_sum3A_10 = vector.multi_reduction <add>, %mul3A_8, %reduce_sum3A_9 [0] : vector<64x256xf32> to vector<256xf32>
    %broadcast_in_dim3A_11 = vector.shape_cast %reduce_sum3A_10 : vector<256xf32> to vector<1x256xf32>
    %get3A_12 = arith.constant 0 : index
    %get3A_13 = arith.constant 0 : index
    %get3A_14 = vector.load %arg6[%get3A_12, %get3A_13] : memref<4096x64xbf16, #tpu.memory_space<vmem>>, vector<4096x64xbf16>
    %convert_element_type3A_15 = arith.truncf %transpose3A : vector<64x256xf32> to vector<64x256xbf16>
    %dot_general3A = arith.constant dense<0.000000e+00> : vector<4096x256xf32>
    %dot_general3A_16 = tpu.matmul %get3A_14, %convert_element_type3A_15, %dot_general3A {dimension_numbers = #tpu.dot_dimension_numbers<[1], [0], [0], [1], [0, 0, 1, 1], [], []>, transpose_lhs_hint = false} : vector<4096x64xbf16>, vector<64x256xbf16>, vector<4096x256xf32> -> vector<4096x256xf32>
    %add3A = vector.broadcast %broadcast_in_dim3A : vector<4096x1xf32> to vector<4096x256xf32>
    %add3A_17 = vector.broadcast %broadcast_in_dim3A_11 : vector<1x256xf32> to vector<4096x256xf32>
    %add3A_18 = arith.addf %add3A, %add3A_17 : vector<4096x256xf32>
    %mul3A_19 = arith.constant 2.000000e+00 : f32
    %mul3A_20 = vector.broadcast %mul3A_19 : f32 to vector<4096x256xf32>
    %mul3A_21 = arith.mulf %mul3A_20, %dot_general3A_16 : vector<4096x256xf32>
    %sub3A = arith.subf %add3A_18, %mul3A_21 : vector<4096x256xf32>
    %iota3A = tpu.iota {dimensions = array<i32: 0>} : vector<4096x256xi32>
    %iota3A_22 = tpu.iota {dimensions = array<i32: 1>} : vector<4096x256xi32>
    %max3A = arith.constant 0.000000e+00 : f32
    %max3A_23 = vector.broadcast %max3A : f32 to vector<4096x256xf32>
    %max3A_24 = arith.maximumf %sub3A, %max3A_23 : vector<4096x256xf32>
    %bitcast_convert_type3A = tpu.bitcast %max3A_24 : vector<4096x256xf32> -> vector<4096x256xi32>
    %mul3A_25 = arith.constant 256 : i32
    %mul3A_26 = arith.muli %arg0, %mul3A_25 : i32
    %add3A_27 = vector.broadcast %mul3A_26 : i32 to vector<4096x256xi32>
    %add3A_28 = arith.addi %iota3A_22, %add3A_27 : vector<4096x256xi32>
    %add3A_29 = arith.constant 0 : i32
    %add3A_30 = vector.broadcast %add3A_29 : i32 to vector<4096x256xi32>
    %add3A_31 = arith.addi %add3A_28, %add3A_30 : vector<4096x256xi32>
    %eq3A_32 = arith.cmpi eq, %iota3A, %add3A_31 : vector<4096x256xi32>
    %and3A = arith.constant -4096 : i32
    %and3A_33 = vector.broadcast %and3A : i32 to vector<4096x256xi32>
    %and3A_34 = arith.andi %bitcast_convert_type3A, %and3A_33 : vector<4096x256xi32>
    %or3A = arith.ori %and3A_34, %iota3A : vector<4096x256xi32>
    %jit3A = arith.constant 2147483647 : i32
    %broadcast_in_dim3A_35 = vector.broadcast %jit3A : i32 to vector<4096x256xi32>
    %select_n3A = arith.select %eq3A_32, %broadcast_in_dim3A_35, %or3A : vector<4096x256xi1>, vector<4096x256xi32>
    %swap3A = arith.constant 0 : index
    %swap3A_36 = arith.constant 0 : index
    %swap3A_37 = vector.load %arg4[%swap3A, %swap3A_36] : memref<4096x256xi32, #tpu.memory_space<vmem>>, vector<4096x256xi32>
    tpu.vector_store %arg4[%swap3A, %swap3A_36], %select_n3A {strides = array<i32>} : memref<4096x256xi32, #tpu.memory_space<vmem>>, vector<4096x256xi32>,
    %scan3A = arith.constant 0 : i32
    %scan3A_38 = arith.constant 32 : i32
    %scan3A_39 = arith.addi %scan3A, %scan3A_38 : i32
    %scan3A_40 = arith.constant 1 : i32
    scf.for %scan3A_56 = %scan3A to %scan3A_39 step %scan3A_40  : i32 {
      %mul3A_57 = arith.constant 128 : i32
      %mul3A_58 = arith.muli %scan3A_56, %mul3A_57 : i32
      %get3A_59 = arith.index_cast %mul3A_58 : i32 to index
      %get3A_60 = arith.constant 0 : index
      %get3A_61 = vector.load %arg4[%get3A_59, %get3A_60] : memref<4096x256xi32, #tpu.memory_space<vmem>>, vector<128x256xi32>
      %reduce_min3A = arith.constant dense<2147483647> : vector<256xi32>
      %reduce_min3A_62 = vector.multi_reduction <minsi>, %get3A_61, %reduce_min3A [0] : vector<128x256xi32> to vector<256xi32>
      %broadcast_in_dim3A_63 = vector.shape_cast %reduce_min3A_62 : vector<256xi32> to vector<1x256xi32>
      %eq3A_64 = vector.broadcast %broadcast_in_dim3A_63 : vector<1x256xi32> to vector<128x256xi32>
      %eq3A_65 = arith.cmpi eq, %get3A_61, %eq3A_64 : vector<128x256xi32>
      %jit3A_66 = arith.constant 2147483647 : i32
      %broadcast_in_dim3A_67 = vector.broadcast %jit3A_66 : i32 to vector<128x256xi32>
      %select_n3A_68 = arith.select %eq3A_65, %broadcast_in_dim3A_67, %get3A_61 : vector<128x256xi1>, vector<128x256xi32>
      %reduce_min3A_69 = arith.constant dense<2147483647> : vector<256xi32>
      %reduce_min3A_70 = vector.multi_reduction <minsi>, %select_n3A_68, %reduce_min3A_69 [0] : vector<128x256xi32> to vector<256xi32>
      %broadcast_in_dim3A_71 = vector.shape_cast %reduce_min3A_70 : vector<256xi32> to vector<1x256xi32>
      %eq3A_72 = vector.broadcast %broadcast_in_dim3A_71 : vector<1x256xi32> to vector<128x256xi32>
      %eq3A_73 = arith.cmpi eq, %select_n3A_68, %eq3A_72 : vector<128x256xi32>
      %jit3A_74 = arith.constant 2147483647 : i32
      %broadcast_in_dim3A_75 = vector.broadcast %jit3A_74 : i32 to vector<128x256xi32>
      %select_n3A_76 = arith.select %eq3A_73, %broadcast_in_dim3A_75, %select_n3A_68 : vector<128x256xi1>, vector<128x256xi32>
      %reduce_min3A_77 = arith.constant dense<2147483647> : vector<256xi32>
      %reduce_min3A_78 = vector.multi_reduction <minsi>, %select_n3A_76, %reduce_min3A_77 [0] : vector<128x256xi32> to vector<256xi32>
      %broadcast_in_dim3A_79 = vector.shape_cast %reduce_min3A_78 : vector<256xi32> to vector<1x256xi32>
      %eq3A_80 = vector.broadcast %broadcast_in_dim3A_79 : vector<1x256xi32> to vector<128x256xi32>
      %eq3A_81 = arith.cmpi eq, %select_n3A_76, %eq3A_80 : vector<128x256xi32>
      %jit3A_82 = arith.constant 2147483647 : i32
      %broadcast_in_dim3A_83 = vector.broadcast %jit3A_82 : i32 to vector<128x256xi32>
      %select_n3A_84 = arith.select %eq3A_81, %broadcast_in_dim3A_83, %select_n3A_76 : vector<128x256xi1>, vector<128x256xi32>
      %reduce_min3A_85 = arith.constant dense<2147483647> : vector<256xi32>
      %reduce_min3A_86 = vector.multi_reduction <minsi>, %select_n3A_84, %reduce_min3A_85 [0] : vector<128x256xi32> to vector<256xi32>
      %broadcast_in_dim3A_87 = vector.shape_cast %reduce_min3A_86 : vector<256xi32> to vector<1x256xi32>
      %eq3A_88 = vector.broadcast %broadcast_in_dim3A_87 : vector<1x256xi32> to vector<128x256xi32>
      %eq3A_89 = arith.cmpi eq, %select_n3A_84, %eq3A_88 : vector<128x256xi32>
      %jit3A_90 = arith.constant 2147483647 : i32
      %broadcast_in_dim3A_91 = vector.broadcast %jit3A_90 : i32 to vector<128x256xi32>
      %select_n3A_92 = arith.select %eq3A_89, %broadcast_in_dim3A_91, %select_n3A_84 : vector<128x256xi1>, vector<128x256xi32>
      %reduce_min3A_93 = arith.constant dense<2147483647> : vector<256xi32>
      %reduce_min3A_94 = vector.multi_reduction <minsi>, %select_n3A_92, %reduce_min3A_93 [0] : vector<128x256xi32> to vector<256xi32>
      %broadcast_in_dim3A_95 = vector.shape_cast %reduce_min3A_94 : vector<256xi32> to vector<1x256xi32>
      %eq3A_96 = vector.broadcast %broadcast_in_dim3A_95 : vector<1x256xi32> to vector<128x256xi32>
      %eq3A_97 = arith.cmpi eq, %select_n3A_92, %eq3A_96 : vector<128x256xi32>
      %jit3A_98 = arith.constant 2147483647 : i32
      %broadcast_in_dim3A_99 = vector.broadcast %jit3A_98 : i32 to vector<128x256xi32>
      %select_n3A_100 = arith.select %eq3A_97, %broadcast_in_dim3A_99, %select_n3A_92 : vector<128x256xi1>, vector<128x256xi32>
      %reduce_min3A_101 = arith.constant dense<2147483647> : vector<256xi32>
      %reduce_min3A_102 = vector.multi_reduction <minsi>, %select_n3A_100, %reduce_min3A_101 [0] : vector<128x256xi32> to vector<256xi32>
      %broadcast_in_dim3A_103 = vector.shape_cast %reduce_min3A_102 : vector<256xi32> to vector<1x256xi32>
      %eq3A_104 = vector.broadcast %broadcast_in_dim3A_103 : vector<1x256xi32> to vector<128x256xi32>
      %eq3A_105 = arith.cmpi eq, %select_n3A_100, %eq3A_104 : vector<128x256xi32>
      %jit3A_106 = arith.constant 2147483647 : i32
      %broadcast_in_dim3A_107 = vector.broadcast %jit3A_106 : i32 to vector<128x256xi32>
      %select_n3A_108 = arith.select %eq3A_105, %broadcast_in_dim3A_107, %select_n3A_100 : vector<128x256xi1>, vector<128x256xi32>
      %reduce_min3A_109 = arith.constant dense<2147483647> : vector<256xi32>
      %reduce_min3A_110 = vector.multi_reduction <minsi>, %select_n3A_108, %reduce_min3A_109 [0] : vector<128x256xi32> to vector<256xi32>
      %broadcast_in_dim3A_111 = vector.shape_cast %reduce_min3A_110 : vector<256xi32> to vector<1x256xi32>
      %eq3A_112 = vector.broadcast %broadcast_in_dim3A_111 : vector<1x256xi32> to vector<128x256xi32>
      %eq3A_113 = arith.cmpi eq, %select_n3A_108, %eq3A_112 : vector<128x256xi32>
      %jit3A_114 = arith.constant 2147483647 : i32
      %broadcast_in_dim3A_115 = vector.broadcast %jit3A_114 : i32 to vector<128x256xi32>
      %select_n3A_116 = arith.select %eq3A_113, %broadcast_in_dim3A_115, %select_n3A_108 : vector<128x256xi1>, vector<128x256xi32>
      %reduce_min3A_117 = arith.constant dense<2147483647> : vector<256xi32>
      %reduce_min3A_118 = vector.multi_reduction <minsi>, %select_n3A_116, %reduce_min3A_117 [0] : vector<128x256xi32> to vector<256xi32>
      %broadcast_in_dim3A_119 = vector.shape_cast %reduce_min3A_118 : vector<256xi32> to vector<1x256xi32>
      %concatenate3A = tpu.concatenate %broadcast_in_dim3A_63, %broadcast_in_dim3A_71, %broadcast_in_dim3A_79, %broadcast_in_dim3A_87, %broadcast_in_dim3A_95, %broadcast_in_dim3A_103, %broadcast_in_dim3A_111, %broadcast_in_dim3A_119 in 0 : vector<1x256xi32>, vector<1x256xi32>, vector<1x256xi32>, vector<1x256xi32>, vector<1x256xi32>, vector<1x256xi32>, vector<1x256xi32>, vector<1x256xi32> -> vector<8x256xi32>
      %broadcast_in_dim3A_120 = vector.shape_cast %concatenate3A : vector<8x256xi32> to vector<8x1x256xi32>
      %swap3A_121 = arith.constant 0 : index
      %swap3A_122 = arith.index_cast %scan3A_56 : i32 to index
      %swap3A_123 = arith.constant 0 : index
      %swap3A_124 = vector.load %arg5[%swap3A_121, %swap3A_122, %swap3A_123] : memref<8x32x256xi32, #tpu.memory_space<vmem>>, vector<8x1x256xi32>
      tpu.vector_store %arg5[%swap3A_121, %swap3A_122, %swap3A_123], %broadcast_in_dim3A_120 {strides = array<i32>} : memref<8x32x256xi32, #tpu.memory_space<vmem>>, vector<8x1x256xi32>,
    }
    %scan3A_41 = arith.constant 32 : i32
    %iota3A_42 = tpu.iota {dimensions = array<i32: 0>} : vector<25x256xi32>
    %broadcast_in_dim3A_43 = arith.constant 0 : i32
    %broadcast_in_dim3A_44 = vector.broadcast %broadcast_in_dim3A_43 : i32 to vector<32x256xi32>
    %broadcast_in_dim3A_45 = arith.constant 0 : i32
    %broadcast_in_dim3A_46 = vector.broadcast %broadcast_in_dim3A_45 : i32 to vector<25x256xi32>
    %scan3A_47 = arith.constant 0 : i32
    %scan3A_48 = arith.constant 25 : i32
    %scan3A_49 = arith.addi %scan3A_47, %scan3A_48 : i32
    %scan3A_50 = arith.constant 1 : i32
    %scan3A_51:2 = scf.for %scan3A_56 = %scan3A_47 to %scan3A_49 step %scan3A_50 iter_args(%scan3A_57 = %broadcast_in_dim3A_44, %scan3A_58 = %broadcast_in_dim3A_46) -> (vector<32x256xi32>, vector<25x256xi32>)  : i32 {
      %broadcast_in_dim3A_59 = arith.constant 2147483647 : i32
      %broadcast_in_dim3A_60 = vector.broadcast %broadcast_in_dim3A_59 : i32 to vector<32x256xi32>
      %eq3A_61 = arith.constant 7 : i32
      %eq3A_62 = vector.broadcast %eq3A_61 : i32 to vector<32x256xi32>
      %eq3A_63 = arith.cmpi eq, %scan3A_57, %eq3A_62 : vector<32x256xi32>
      %get3A_64 = arith.constant 7 : index
      %get3A_65 = arith.constant 0 : index
      %get3A_66 = arith.constant 0 : index
      %get3A_67 = vector.load %arg5[%get3A_64, %get3A_65, %get3A_66] : memref<8x32x256xi32, #tpu.memory_space<vmem>>, vector<1x32x256xi32>
      %get3A_68 = vector.shape_cast %get3A_67 : vector<1x32x256xi32> to vector<32x256xi32>
      %select_n3A_69 = arith.select %eq3A_63, %get3A_68, %broadcast_in_dim3A_60 : vector<32x256xi1>, vector<32x256xi32>
      %eq3A_70 = arith.constant 6 : i32
      %eq3A_71 = vector.broadcast %eq3A_70 : i32 to vector<32x256xi32>
      %eq3A_72 = arith.cmpi eq, %scan3A_57, %eq3A_71 : vector<32x256xi32>
      %get3A_73 = arith.constant 6 : index
      %get3A_74 = arith.constant 0 : index
      %get3A_75 = arith.constant 0 : index
      %get3A_76 = vector.load %arg5[%get3A_73, %get3A_74, %get3A_75] : memref<8x32x256xi32, #tpu.memory_space<vmem>>, vector<1x32x256xi32>
      %get3A_77 = vector.shape_cast %get3A_76 : vector<1x32x256xi32> to vector<32x256xi32>
      %select_n3A_78 = arith.select %eq3A_72, %get3A_77, %select_n3A_69 : vector<32x256xi1>, vector<32x256xi32>
      %eq3A_79 = arith.constant 5 : i32
      %eq3A_80 = vector.broadcast %eq3A_79 : i32 to vector<32x256xi32>
      %eq3A_81 = arith.cmpi eq, %scan3A_57, %eq3A_80 : vector<32x256xi32>
      %get3A_82 = arith.constant 5 : index
      %get3A_83 = arith.constant 0 : index
      %get3A_84 = arith.constant 0 : index
      %get3A_85 = vector.load %arg5[%get3A_82, %get3A_83, %get3A_84] : memref<8x32x256xi32, #tpu.memory_space<vmem>>, vector<1x32x256xi32>
      %get3A_86 = vector.shape_cast %get3A_85 : vector<1x32x256xi32> to vector<32x256xi32>
      %select_n3A_87 = arith.select %eq3A_81, %get3A_86, %select_n3A_78 : vector<32x256xi1>, vector<32x256xi32>
      %eq3A_88 = arith.constant 4 : i32
      %eq3A_89 = vector.broadcast %eq3A_88 : i32 to vector<32x256xi32>
      %eq3A_90 = arith.cmpi eq, %scan3A_57, %eq3A_89 : vector<32x256xi32>
      %get3A_91 = arith.constant 4 : index
      %get3A_92 = arith.constant 0 : index
      %get3A_93 = arith.constant 0 : index
      %get3A_94 = vector.load %arg5[%get3A_91, %get3A_92, %get3A_93] : memref<8x32x256xi32, #tpu.memory_space<vmem>>, vector<1x32x256xi32>
      %get3A_95 = vector.shape_cast %get3A_94 : vector<1x32x256xi32> to vector<32x256xi32>
      %select_n3A_96 = arith.select %eq3A_90, %get3A_95, %select_n3A_87 : vector<32x256xi1>, vector<32x256xi32>
      %eq3A_97 = arith.constant 3 : i32
      %eq3A_98 = vector.broadcast %eq3A_97 : i32 to vector<32x256xi32>
      %eq3A_99 = arith.cmpi eq, %scan3A_57, %eq3A_98 : vector<32x256xi32>
      %get3A_100 = arith.constant 3 : index
      %get3A_101 = arith.constant 0 : index
      %get3A_102 = arith.constant 0 : index
      %get3A_103 = vector.load %arg5[%get3A_100, %get3A_101, %get3A_102] : memref<8x32x256xi32, #tpu.memory_space<vmem>>, vector<1x32x256xi32>
      %get3A_104 = vector.shape_cast %get3A_103 : vector<1x32x256xi32> to vector<32x256xi32>
      %select_n3A_105 = arith.select %eq3A_99, %get3A_104, %select_n3A_96 : vector<32x256xi1>, vector<32x256xi32>
      %eq3A_106 = arith.constant 2 : i32
      %eq3A_107 = vector.broadcast %eq3A_106 : i32 to vector<32x256xi32>
      %eq3A_108 = arith.cmpi eq, %scan3A_57, %eq3A_107 : vector<32x256xi32>
      %get3A_109 = arith.constant 2 : index
      %get3A_110 = arith.constant 0 : index
      %get3A_111 = arith.constant 0 : index
      %get3A_112 = vector.load %arg5[%get3A_109, %get3A_110, %get3A_111] : memref<8x32x256xi32, #tpu.memory_space<vmem>>, vector<1x32x256xi32>
      %get3A_113 = vector.shape_cast %get3A_112 : vector<1x32x256xi32> to vector<32x256xi32>
      %select_n3A_114 = arith.select %eq3A_108, %get3A_113, %select_n3A_105 : vector<32x256xi1>, vector<32x256xi32>
      %eq3A_115 = arith.constant 1 : i32
      %eq3A_116 = vector.broadcast %eq3A_115 : i32 to vector<32x256xi32>
      %eq3A_117 = arith.cmpi eq, %scan3A_57, %eq3A_116 : vector<32x256xi32>
      %get3A_118 = arith.constant 1 : index
      %get3A_119 = arith.constant 0 : index
      %get3A_120 = arith.constant 0 : index
      %get3A_121 = vector.load %arg5[%get3A_118, %get3A_119, %get3A_120] : memref<8x32x256xi32, #tpu.memory_space<vmem>>, vector<1x32x256xi32>
      %get3A_122 = vector.shape_cast %get3A_121 : vector<1x32x256xi32> to vector<32x256xi32>
      %select_n3A_123 = arith.select %eq3A_117, %get3A_122, %select_n3A_114 : vector<32x256xi1>, vector<32x256xi32>
      %eq3A_124 = arith.constant 0 : i32
      %eq3A_125 = vector.broadcast %eq3A_124 : i32 to vector<32x256xi32>
      %eq3A_126 = arith.cmpi eq, %scan3A_57, %eq3A_125 : vector<32x256xi32>
      %get3A_127 = arith.constant 0 : index
      %get3A_128 = arith.constant 0 : index
      %get3A_129 = arith.constant 0 : index
      %get3A_130 = vector.load %arg5[%get3A_127, %get3A_128, %get3A_129] : memref<8x32x256xi32, #tpu.memory_space<vmem>>, vector<1x32x256xi32>
      %get3A_131 = vector.shape_cast %get3A_130 : vector<1x32x256xi32> to vector<32x256xi32>
      %select_n3A_132 = arith.select %eq3A_126, %get3A_131, %select_n3A_123 : vector<32x256xi1>, vector<32x256xi32>
      %reduce_min3A = arith.constant dense<2147483647> : vector<256xi32>
      %reduce_min3A_133 = vector.multi_reduction <minsi>, %select_n3A_132, %reduce_min3A [0] : vector<32x256xi32> to vector<256xi32>
      %broadcast_in_dim3A_134 = vector.shape_cast %reduce_min3A_133 : vector<256xi32> to vector<1x256xi32>
      %eq3A_135 = vector.broadcast %broadcast_in_dim3A_134 : vector<1x256xi32> to vector<32x256xi32>
      %eq3A_136 = arith.cmpi eq, %select_n3A_132, %eq3A_135 : vector<32x256xi32>
      %convert_element_type3A_137 = arith.extui %eq3A_136 : vector<32x256xi1> to vector<32x256xi32>
      %add3A_138 = arith.addi %scan3A_57, %convert_element_type3A_137 : vector<32x256xi32>
      %eq3A_139 = vector.broadcast %scan3A_56 : i32 to vector<25x256xi32>
      %eq3A_140 = arith.cmpi eq, %iota3A_42, %eq3A_139 : vector<25x256xi32>
      %and3A_141 = arith.constant 4095 : i32
      %and3A_142 = vector.broadcast %and3A_141 : i32 to vector<1x256xi32>
      %and3A_143 = arith.andi %broadcast_in_dim3A_134, %and3A_142 : vector<1x256xi32>
      %broadcast_in_dim3A_144 = vector.shape_cast %and3A_143 : vector<1x256xi32> to vector<1x256xi32>
      %broadcast_in_dim3A_145 = vector.broadcast %broadcast_in_dim3A_144 : vector<1x256xi32> to vector<25x256xi32>
      %select_n3A_146 = arith.select %eq3A_140, %broadcast_in_dim3A_145, %scan3A_58 : vector<25x256xi1>, vector<25x256xi32>
      scf.yield %add3A_138, %select_n3A_146 : vector<32x256xi32>, vector<25x256xi32>
    }
    %scan3A_52 = arith.constant 25 : i32
    %swap3A_53 = arith.constant 0 : index
    %swap3A_54 = arith.constant 0 : index
    %swap3A_55 = vector.load %arg3[%swap3A_53, %swap3A_54] : memref<25x256xi32, #tpu.memory_space<vmem>>, vector<25x256xi32>
    tpu.vector_store %arg3[%swap3A_53, %swap3A_54], %scan3A_51#1 {strides = array<i32>} : memref<25x256xi32, #tpu.memory_space<vmem>>, vector<25x256xi32>,
    return
  }
  func.func @transform_0(%arg0: i32) -> (i32, i32) {
    %c0_i32 = arith.constant 0 : i32
    %c0_i32_0 = arith.constant 0 : i32
    %c0_i32_1 = arith.constant 0 : i32
    return %c0_i32, %c0_i32_0 : i32, i32
  }
  func.func @transform_1(%arg0: i32) -> (i32, i32) {
    %add3A = arith.constant 0 : i32
    %add3A_0 = arith.addi %arg0, %add3A : i32
    %c0_i32 = arith.constant 0 : i32
    %c0_i32_1 = arith.constant 0 : i32
    return %add3A_0, %c0_i32 : i32, i32
  }
  func.func @transform_2(%arg0: i32) -> (i32, i32) {
    %c0_i32 = arith.constant 0 : i32
    %c0_i32_0 = arith.constant 0 : i32
    return %c0_i32, %arg0 : i32, i32
  }
}

module attributes {stable_mosaic.version = 14 : i64} {
  func.func @_loss_kernel(%arg0: i32, %arg1: memref<25x512x64xf32, #tpu.memory_space<vmem>>, %arg2: memref<25x512x64xf32, #tpu.memory_space<vmem>>, %arg3: memref<512x64xf32, #tpu.memory_space<vmem>>, %arg4: memref<512x64xf32, #tpu.memory_space<vmem>>, %arg5: memref<1x1xf32, #tpu.memory_space<vmem>>) attributes {dimension_semantics = [#tpu.dimension_semantics<arbitrary>], iteration_bounds = array<i64: 4>, scalar_prefetch = 0 : i64, scratch_operands = 0 : i64, tpu.core_type = #tpu.core_type<tc>, window_params = [{transform_indices = @transform_0, window_bounds = array<i64: 25, 512, 64>}, {transform_indices = @transform_1, window_bounds = array<i64: 25, 512, 64>}, {transform_indices = @transform_2, window_bounds = array<i64: 512, 64>}, {transform_indices = @transform_3, window_bounds = array<i64: 512, 64>}, {pipeline_mode = #tpu.pipeline_mode<synchronous>, transform_indices = @transform_4, window_bounds = array<i64: 1, 1>}]} {
    %eq3A = arith.constant 0 : i32
    %eq3A_0 = arith.cmpi eq, %arg0, %eq3A : i32
    %convert_element_type3A = arith.extui %eq3A_0 : i1 to i32
    %cond3A = arith.constant 0 : i32
    %cond3A_1 = arith.cmpi ne, %convert_element_type3A, %cond3A : i32
    scf.if %cond3A_1 {
      %broadcast_in_dim3A_733 = arith.constant 0.000000e+00 : f32
      %broadcast_in_dim3A_734 = vector.broadcast %broadcast_in_dim3A_733 : f32 to vector<1x1xf32>
      %swap3A_735 = arith.constant 0 : index
      %swap3A_736 = arith.constant 0 : index
      %swap3A_737 = vector.load %arg5[%swap3A_735, %swap3A_736] : memref<1x1xf32, #tpu.memory_space<vmem>>, vector<1x1xf32>
      tpu.vector_store %arg5[%swap3A_735, %swap3A_736], %broadcast_in_dim3A_734 {strides = array<i32>} : memref<1x1xf32, #tpu.memory_space<vmem>>, vector<1x1xf32>,
    } else {
    }
    %get3A = arith.constant 0 : index
    %get3A_2 = arith.constant 0 : index
    %get3A_3 = vector.load %arg3[%get3A, %get3A_2] : memref<512x64xf32, #tpu.memory_space<vmem>>, vector<512x64xf32>
    %get3A_4 = arith.constant 0 : index
    %get3A_5 = arith.constant 0 : index
    %get3A_6 = vector.load %arg4[%get3A_4, %get3A_5] : memref<512x64xf32, #tpu.memory_space<vmem>>, vector<512x64xf32>
    %sub3A = arith.subf %get3A_3, %get3A_6 : vector<512x64xf32>
    %mul3A = arith.mulf %sub3A, %sub3A : vector<512x64xf32>
    %reduce_sum3A = vector.shape_cast %mul3A : vector<512x64xf32> to vector<1x512x64xf32>
    %reduce_sum3A_7 = arith.constant dense<0.000000e+00> : vector<1xf32>
    %reduce_sum3A_8 = vector.multi_reduction <add>, %reduce_sum3A, %reduce_sum3A_7 [1, 2] : vector<1x512x64xf32> to vector<1xf32>
    %reduce_sum3A_9 = vector.shape_cast %reduce_sum3A_8 : vector<1xf32> to vector<1x1x1xf32>
    %reduce_sum3A_10 = vector.extract %reduce_sum3A_9[0, 0, 0] : f32 from vector<1x1x1xf32>
    %get3A_11 = arith.constant 0 : index
    %get3A_12 = arith.constant 0 : index
    %get3A_13 = arith.constant 0 : index
    %get3A_14 = vector.load %arg1[%get3A_11, %get3A_12, %get3A_13] : memref<25x512x64xf32, #tpu.memory_space<vmem>>, vector<1x512x64xf32>
    %get3A_15 = vector.shape_cast %get3A_14 : vector<1x512x64xf32> to vector<512x64xf32>
    %get3A_16 = arith.constant 1 : index
    %get3A_17 = arith.constant 0 : index
    %get3A_18 = arith.constant 0 : index
    %get3A_19 = vector.load %arg1[%get3A_16, %get3A_17, %get3A_18] : memref<25x512x64xf32, #tpu.memory_space<vmem>>, vector<1x512x64xf32>
    %get3A_20 = vector.shape_cast %get3A_19 : vector<1x512x64xf32> to vector<512x64xf32>
    %get3A_21 = arith.constant 2 : index
    %get3A_22 = arith.constant 0 : index
    %get3A_23 = arith.constant 0 : index
    %get3A_24 = vector.load %arg1[%get3A_21, %get3A_22, %get3A_23] : memref<25x512x64xf32, #tpu.memory_space<vmem>>, vector<1x512x64xf32>
    %get3A_25 = vector.shape_cast %get3A_24 : vector<1x512x64xf32> to vector<512x64xf32>
    %get3A_26 = arith.constant 3 : index
    %get3A_27 = arith.constant 0 : index
    %get3A_28 = arith.constant 0 : index
    %get3A_29 = vector.load %arg1[%get3A_26, %get3A_27, %get3A_28] : memref<25x512x64xf32, #tpu.memory_space<vmem>>, vector<1x512x64xf32>
    %get3A_30 = vector.shape_cast %get3A_29 : vector<1x512x64xf32> to vector<512x64xf32>
    %get3A_31 = arith.constant 4 : index
    %get3A_32 = arith.constant 0 : index
    %get3A_33 = arith.constant 0 : index
    %get3A_34 = vector.load %arg1[%get3A_31, %get3A_32, %get3A_33] : memref<25x512x64xf32, #tpu.memory_space<vmem>>, vector<1x512x64xf32>
    %get3A_35 = vector.shape_cast %get3A_34 : vector<1x512x64xf32> to vector<512x64xf32>
    %get3A_36 = arith.constant 5 : index
    %get3A_37 = arith.constant 0 : index
    %get3A_38 = arith.constant 0 : index
    %get3A_39 = vector.load %arg1[%get3A_36, %get3A_37, %get3A_38] : memref<25x512x64xf32, #tpu.memory_space<vmem>>, vector<1x512x64xf32>
    %get3A_40 = vector.shape_cast %get3A_39 : vector<1x512x64xf32> to vector<512x64xf32>
    %get3A_41 = arith.constant 6 : index
    %get3A_42 = arith.constant 0 : index
    %get3A_43 = arith.constant 0 : index
    %get3A_44 = vector.load %arg1[%get3A_41, %get3A_42, %get3A_43] : memref<25x512x64xf32, #tpu.memory_space<vmem>>, vector<1x512x64xf32>
    %get3A_45 = vector.shape_cast %get3A_44 : vector<1x512x64xf32> to vector<512x64xf32>
    %get3A_46 = arith.constant 7 : index
    %get3A_47 = arith.constant 0 : index
    %get3A_48 = arith.constant 0 : index
    %get3A_49 = vector.load %arg1[%get3A_46, %get3A_47, %get3A_48] : memref<25x512x64xf32, #tpu.memory_space<vmem>>, vector<1x512x64xf32>
    %get3A_50 = vector.shape_cast %get3A_49 : vector<1x512x64xf32> to vector<512x64xf32>
    %get3A_51 = arith.constant 8 : index
    %get3A_52 = arith.constant 0 : index
    %get3A_53 = arith.constant 0 : index
    %get3A_54 = vector.load %arg1[%get3A_51, %get3A_52, %get3A_53] : memref<25x512x64xf32, #tpu.memory_space<vmem>>, vector<1x512x64xf32>
    %get3A_55 = vector.shape_cast %get3A_54 : vector<1x512x64xf32> to vector<512x64xf32>
    %get3A_56 = arith.constant 9 : index
    %get3A_57 = arith.constant 0 : index
    %get3A_58 = arith.constant 0 : index
    %get3A_59 = vector.load %arg1[%get3A_56, %get3A_57, %get3A_58] : memref<25x512x64xf32, #tpu.memory_space<vmem>>, vector<1x512x64xf32>
    %get3A_60 = vector.shape_cast %get3A_59 : vector<1x512x64xf32> to vector<512x64xf32>
    %get3A_61 = arith.constant 10 : index
    %get3A_62 = arith.constant 0 : index
    %get3A_63 = arith.constant 0 : index
    %get3A_64 = vector.load %arg1[%get3A_61, %get3A_62, %get3A_63] : memref<25x512x64xf32, #tpu.memory_space<vmem>>, vector<1x512x64xf32>
    %get3A_65 = vector.shape_cast %get3A_64 : vector<1x512x64xf32> to vector<512x64xf32>
    %get3A_66 = arith.constant 11 : index
    %get3A_67 = arith.constant 0 : index
    %get3A_68 = arith.constant 0 : index
    %get3A_69 = vector.load %arg1[%get3A_66, %get3A_67, %get3A_68] : memref<25x512x64xf32, #tpu.memory_space<vmem>>, vector<1x512x64xf32>
    %get3A_70 = vector.shape_cast %get3A_69 : vector<1x512x64xf32> to vector<512x64xf32>
    %get3A_71 = arith.constant 12 : index
    %get3A_72 = arith.constant 0 : index
    %get3A_73 = arith.constant 0 : index
    %get3A_74 = vector.load %arg1[%get3A_71, %get3A_72, %get3A_73] : memref<25x512x64xf32, #tpu.memory_space<vmem>>, vector<1x512x64xf32>
    %get3A_75 = vector.shape_cast %get3A_74 : vector<1x512x64xf32> to vector<512x64xf32>
    %get3A_76 = arith.constant 13 : index
    %get3A_77 = arith.constant 0 : index
    %get3A_78 = arith.constant 0 : index
    %get3A_79 = vector.load %arg1[%get3A_76, %get3A_77, %get3A_78] : memref<25x512x64xf32, #tpu.memory_space<vmem>>, vector<1x512x64xf32>
    %get3A_80 = vector.shape_cast %get3A_79 : vector<1x512x64xf32> to vector<512x64xf32>
    %get3A_81 = arith.constant 14 : index
    %get3A_82 = arith.constant 0 : index
    %get3A_83 = arith.constant 0 : index
    %get3A_84 = vector.load %arg1[%get3A_81, %get3A_82, %get3A_83] : memref<25x512x64xf32, #tpu.memory_space<vmem>>, vector<1x512x64xf32>
    %get3A_85 = vector.shape_cast %get3A_84 : vector<1x512x64xf32> to vector<512x64xf32>
    %get3A_86 = arith.constant 15 : index
    %get3A_87 = arith.constant 0 : index
    %get3A_88 = arith.constant 0 : index
    %get3A_89 = vector.load %arg1[%get3A_86, %get3A_87, %get3A_88] : memref<25x512x64xf32, #tpu.memory_space<vmem>>, vector<1x512x64xf32>
    %get3A_90 = vector.shape_cast %get3A_89 : vector<1x512x64xf32> to vector<512x64xf32>
    %get3A_91 = arith.constant 16 : index
    %get3A_92 = arith.constant 0 : index
    %get3A_93 = arith.constant 0 : index
    %get3A_94 = vector.load %arg1[%get3A_91, %get3A_92, %get3A_93] : memref<25x512x64xf32, #tpu.memory_space<vmem>>, vector<1x512x64xf32>
    %get3A_95 = vector.shape_cast %get3A_94 : vector<1x512x64xf32> to vector<512x64xf32>
    %get3A_96 = arith.constant 17 : index
    %get3A_97 = arith.constant 0 : index
    %get3A_98 = arith.constant 0 : index
    %get3A_99 = vector.load %arg1[%get3A_96, %get3A_97, %get3A_98] : memref<25x512x64xf32, #tpu.memory_space<vmem>>, vector<1x512x64xf32>
    %get3A_100 = vector.shape_cast %get3A_99 : vector<1x512x64xf32> to vector<512x64xf32>
    %get3A_101 = arith.constant 18 : index
    %get3A_102 = arith.constant 0 : index
    %get3A_103 = arith.constant 0 : index
    %get3A_104 = vector.load %arg1[%get3A_101, %get3A_102, %get3A_103] : memref<25x512x64xf32, #tpu.memory_space<vmem>>, vector<1x512x64xf32>
    %get3A_105 = vector.shape_cast %get3A_104 : vector<1x512x64xf32> to vector<512x64xf32>
    %get3A_106 = arith.constant 19 : index
    %get3A_107 = arith.constant 0 : index
    %get3A_108 = arith.constant 0 : index
    %get3A_109 = vector.load %arg1[%get3A_106, %get3A_107, %get3A_108] : memref<25x512x64xf32, #tpu.memory_space<vmem>>, vector<1x512x64xf32>
    %get3A_110 = vector.shape_cast %get3A_109 : vector<1x512x64xf32> to vector<512x64xf32>
    %get3A_111 = arith.constant 20 : index
    %get3A_112 = arith.constant 0 : index
    %get3A_113 = arith.constant 0 : index
    %get3A_114 = vector.load %arg1[%get3A_111, %get3A_112, %get3A_113] : memref<25x512x64xf32, #tpu.memory_space<vmem>>, vector<1x512x64xf32>
    %get3A_115 = vector.shape_cast %get3A_114 : vector<1x512x64xf32> to vector<512x64xf32>
    %get3A_116 = arith.constant 21 : index
    %get3A_117 = arith.constant 0 : index
    %get3A_118 = arith.constant 0 : index
    %get3A_119 = vector.load %arg1[%get3A_116, %get3A_117, %get3A_118] : memref<25x512x64xf32, #tpu.memory_space<vmem>>, vector<1x512x64xf32>
    %get3A_120 = vector.shape_cast %get3A_119 : vector<1x512x64xf32> to vector<512x64xf32>
    %get3A_121 = arith.constant 22 : index
    %get3A_122 = arith.constant 0 : index
    %get3A_123 = arith.constant 0 : index
    %get3A_124 = vector.load %arg1[%get3A_121, %get3A_122, %get3A_123] : memref<25x512x64xf32, #tpu.memory_space<vmem>>, vector<1x512x64xf32>
    %get3A_125 = vector.shape_cast %get3A_124 : vector<1x512x64xf32> to vector<512x64xf32>
    %get3A_126 = arith.constant 23 : index
    %get3A_127 = arith.constant 0 : index
    %get3A_128 = arith.constant 0 : index
    %get3A_129 = vector.load %arg1[%get3A_126, %get3A_127, %get3A_128] : memref<25x512x64xf32, #tpu.memory_space<vmem>>, vector<1x512x64xf32>
    %get3A_130 = vector.shape_cast %get3A_129 : vector<1x512x64xf32> to vector<512x64xf32>
    %get3A_131 = arith.constant 24 : index
    %get3A_132 = arith.constant 0 : index
    %get3A_133 = arith.constant 0 : index
    %get3A_134 = vector.load %arg1[%get3A_131, %get3A_132, %get3A_133] : memref<25x512x64xf32, #tpu.memory_space<vmem>>, vector<1x512x64xf32>
    %get3A_135 = vector.shape_cast %get3A_134 : vector<1x512x64xf32> to vector<512x64xf32>
    %add3A = arith.addf %get3A_15, %get3A_20 : vector<512x64xf32>
    %add3A_136 = arith.addf %add3A, %get3A_25 : vector<512x64xf32>
    %add3A_137 = arith.addf %add3A_136, %get3A_30 : vector<512x64xf32>
    %add3A_138 = arith.addf %add3A_137, %get3A_35 : vector<512x64xf32>
    %add3A_139 = arith.addf %add3A_138, %get3A_40 : vector<512x64xf32>
    %add3A_140 = arith.addf %add3A_139, %get3A_45 : vector<512x64xf32>
    %add3A_141 = arith.addf %add3A_140, %get3A_50 : vector<512x64xf32>
    %add3A_142 = arith.addf %add3A_141, %get3A_55 : vector<512x64xf32>
    %add3A_143 = arith.addf %add3A_142, %get3A_60 : vector<512x64xf32>
    %add3A_144 = arith.addf %add3A_143, %get3A_65 : vector<512x64xf32>
    %add3A_145 = arith.addf %add3A_144, %get3A_70 : vector<512x64xf32>
    %add3A_146 = arith.addf %add3A_145, %get3A_75 : vector<512x64xf32>
    %add3A_147 = arith.addf %add3A_146, %get3A_80 : vector<512x64xf32>
    %add3A_148 = arith.addf %add3A_147, %get3A_85 : vector<512x64xf32>
    %add3A_149 = arith.addf %add3A_148, %get3A_90 : vector<512x64xf32>
    %add3A_150 = arith.addf %add3A_149, %get3A_95 : vector<512x64xf32>
    %add3A_151 = arith.addf %add3A_150, %get3A_100 : vector<512x64xf32>
    %add3A_152 = arith.addf %add3A_151, %get3A_105 : vector<512x64xf32>
    %add3A_153 = arith.addf %add3A_152, %get3A_110 : vector<512x64xf32>
    %add3A_154 = arith.addf %add3A_153, %get3A_115 : vector<512x64xf32>
    %add3A_155 = arith.addf %add3A_154, %get3A_120 : vector<512x64xf32>
    %add3A_156 = arith.addf %add3A_155, %get3A_125 : vector<512x64xf32>
    %add3A_157 = arith.addf %add3A_156, %get3A_130 : vector<512x64xf32>
    %add3A_158 = arith.addf %add3A_157, %get3A_135 : vector<512x64xf32>
    %mul3A_159 = arith.constant 4.000000e-02 : f32
    %mul3A_160 = vector.broadcast %mul3A_159 : f32 to vector<512x64xf32>
    %mul3A_161 = arith.mulf %add3A_158, %mul3A_160 : vector<512x64xf32>
    %sub3A_162 = arith.subf %get3A_15, %mul3A_161 : vector<512x64xf32>
    %convert_element_type3A_163 = arith.truncf %sub3A_162 : vector<512x64xf32> to vector<512x64xbf16>
    %transpose3A = tpu.transpose %convert_element_type3A_163, [1, 0] : vector<512x64xbf16> -> vector<64x512xbf16>
    %sub3A_164 = arith.subf %get3A_20, %mul3A_161 : vector<512x64xf32>
    %convert_element_type3A_165 = arith.truncf %sub3A_164 : vector<512x64xf32> to vector<512x64xbf16>
    %transpose3A_166 = tpu.transpose %convert_element_type3A_165, [1, 0] : vector<512x64xbf16> -> vector<64x512xbf16>
    %sub3A_167 = arith.subf %get3A_25, %mul3A_161 : vector<512x64xf32>
    %convert_element_type3A_168 = arith.truncf %sub3A_167 : vector<512x64xf32> to vector<512x64xbf16>
    %transpose3A_169 = tpu.transpose %convert_element_type3A_168, [1, 0] : vector<512x64xbf16> -> vector<64x512xbf16>
    %sub3A_170 = arith.subf %get3A_30, %mul3A_161 : vector<512x64xf32>
    %convert_element_type3A_171 = arith.truncf %sub3A_170 : vector<512x64xf32> to vector<512x64xbf16>
    %transpose3A_172 = tpu.transpose %convert_element_type3A_171, [1, 0] : vector<512x64xbf16> -> vector<64x512xbf16>
    %sub3A_173 = arith.subf %get3A_35, %mul3A_161 : vector<512x64xf32>
    %convert_element_type3A_174 = arith.truncf %sub3A_173 : vector<512x64xf32> to vector<512x64xbf16>
    %transpose3A_175 = tpu.transpose %convert_element_type3A_174, [1, 0] : vector<512x64xbf16> -> vector<64x512xbf16>
    %sub3A_176 = arith.subf %get3A_40, %mul3A_161 : vector<512x64xf32>
    %convert_element_type3A_177 = arith.truncf %sub3A_176 : vector<512x64xf32> to vector<512x64xbf16>
    %transpose3A_178 = tpu.transpose %convert_element_type3A_177, [1, 0] : vector<512x64xbf16> -> vector<64x512xbf16>
    %sub3A_179 = arith.subf %get3A_45, %mul3A_161 : vector<512x64xf32>
    %convert_element_type3A_180 = arith.truncf %sub3A_179 : vector<512x64xf32> to vector<512x64xbf16>
    %transpose3A_181 = tpu.transpose %convert_element_type3A_180, [1, 0] : vector<512x64xbf16> -> vector<64x512xbf16>
    %sub3A_182 = arith.subf %get3A_50, %mul3A_161 : vector<512x64xf32>
    %convert_element_type3A_183 = arith.truncf %sub3A_182 : vector<512x64xf32> to vector<512x64xbf16>
    %transpose3A_184 = tpu.transpose %convert_element_type3A_183, [1, 0] : vector<512x64xbf16> -> vector<64x512xbf16>
    %sub3A_185 = arith.subf %get3A_55, %mul3A_161 : vector<512x64xf32>
    %convert_element_type3A_186 = arith.truncf %sub3A_185 : vector<512x64xf32> to vector<512x64xbf16>
    %transpose3A_187 = tpu.transpose %convert_element_type3A_186, [1, 0] : vector<512x64xbf16> -> vector<64x512xbf16>
    %sub3A_188 = arith.subf %get3A_60, %mul3A_161 : vector<512x64xf32>
    %convert_element_type3A_189 = arith.truncf %sub3A_188 : vector<512x64xf32> to vector<512x64xbf16>
    %transpose3A_190 = tpu.transpose %convert_element_type3A_189, [1, 0] : vector<512x64xbf16> -> vector<64x512xbf16>
    %sub3A_191 = arith.subf %get3A_65, %mul3A_161 : vector<512x64xf32>
    %convert_element_type3A_192 = arith.truncf %sub3A_191 : vector<512x64xf32> to vector<512x64xbf16>
    %transpose3A_193 = tpu.transpose %convert_element_type3A_192, [1, 0] : vector<512x64xbf16> -> vector<64x512xbf16>
    %sub3A_194 = arith.subf %get3A_70, %mul3A_161 : vector<512x64xf32>
    %convert_element_type3A_195 = arith.truncf %sub3A_194 : vector<512x64xf32> to vector<512x64xbf16>
    %transpose3A_196 = tpu.transpose %convert_element_type3A_195, [1, 0] : vector<512x64xbf16> -> vector<64x512xbf16>
    %sub3A_197 = arith.subf %get3A_75, %mul3A_161 : vector<512x64xf32>
    %convert_element_type3A_198 = arith.truncf %sub3A_197 : vector<512x64xf32> to vector<512x64xbf16>
    %transpose3A_199 = tpu.transpose %convert_element_type3A_198, [1, 0] : vector<512x64xbf16> -> vector<64x512xbf16>
    %sub3A_200 = arith.subf %get3A_80, %mul3A_161 : vector<512x64xf32>
    %convert_element_type3A_201 = arith.truncf %sub3A_200 : vector<512x64xf32> to vector<512x64xbf16>
    %transpose3A_202 = tpu.transpose %convert_element_type3A_201, [1, 0] : vector<512x64xbf16> -> vector<64x512xbf16>
    %sub3A_203 = arith.subf %get3A_85, %mul3A_161 : vector<512x64xf32>
    %convert_element_type3A_204 = arith.truncf %sub3A_203 : vector<512x64xf32> to vector<512x64xbf16>
    %transpose3A_205 = tpu.transpose %convert_element_type3A_204, [1, 0] : vector<512x64xbf16> -> vector<64x512xbf16>
    %sub3A_206 = arith.subf %get3A_90, %mul3A_161 : vector<512x64xf32>
    %convert_element_type3A_207 = arith.truncf %sub3A_206 : vector<512x64xf32> to vector<512x64xbf16>
    %transpose3A_208 = tpu.transpose %convert_element_type3A_207, [1, 0] : vector<512x64xbf16> -> vector<64x512xbf16>
    %sub3A_209 = arith.subf %get3A_95, %mul3A_161 : vector<512x64xf32>
    %convert_element_type3A_210 = arith.truncf %sub3A_209 : vector<512x64xf32> to vector<512x64xbf16>
    %transpose3A_211 = tpu.transpose %convert_element_type3A_210, [1, 0] : vector<512x64xbf16> -> vector<64x512xbf16>
    %sub3A_212 = arith.subf %get3A_100, %mul3A_161 : vector<512x64xf32>
    %convert_element_type3A_213 = arith.truncf %sub3A_212 : vector<512x64xf32> to vector<512x64xbf16>
    %transpose3A_214 = tpu.transpose %convert_element_type3A_213, [1, 0] : vector<512x64xbf16> -> vector<64x512xbf16>
    %sub3A_215 = arith.subf %get3A_105, %mul3A_161 : vector<512x64xf32>
    %convert_element_type3A_216 = arith.truncf %sub3A_215 : vector<512x64xf32> to vector<512x64xbf16>
    %transpose3A_217 = tpu.transpose %convert_element_type3A_216, [1, 0] : vector<512x64xbf16> -> vector<64x512xbf16>
    %sub3A_218 = arith.subf %get3A_110, %mul3A_161 : vector<512x64xf32>
    %convert_element_type3A_219 = arith.truncf %sub3A_218 : vector<512x64xf32> to vector<512x64xbf16>
    %transpose3A_220 = tpu.transpose %convert_element_type3A_219, [1, 0] : vector<512x64xbf16> -> vector<64x512xbf16>
    %sub3A_221 = arith.subf %get3A_115, %mul3A_161 : vector<512x64xf32>
    %convert_element_type3A_222 = arith.truncf %sub3A_221 : vector<512x64xf32> to vector<512x64xbf16>
    %transpose3A_223 = tpu.transpose %convert_element_type3A_222, [1, 0] : vector<512x64xbf16> -> vector<64x512xbf16>
    %sub3A_224 = arith.subf %get3A_120, %mul3A_161 : vector<512x64xf32>
    %convert_element_type3A_225 = arith.truncf %sub3A_224 : vector<512x64xf32> to vector<512x64xbf16>
    %transpose3A_226 = tpu.transpose %convert_element_type3A_225, [1, 0] : vector<512x64xbf16> -> vector<64x512xbf16>
    %sub3A_227 = arith.subf %get3A_125, %mul3A_161 : vector<512x64xf32>
    %convert_element_type3A_228 = arith.truncf %sub3A_227 : vector<512x64xf32> to vector<512x64xbf16>
    %transpose3A_229 = tpu.transpose %convert_element_type3A_228, [1, 0] : vector<512x64xbf16> -> vector<64x512xbf16>
    %sub3A_230 = arith.subf %get3A_130, %mul3A_161 : vector<512x64xf32>
    %convert_element_type3A_231 = arith.truncf %sub3A_230 : vector<512x64xf32> to vector<512x64xbf16>
    %transpose3A_232 = tpu.transpose %convert_element_type3A_231, [1, 0] : vector<512x64xbf16> -> vector<64x512xbf16>
    %sub3A_233 = arith.subf %get3A_135, %mul3A_161 : vector<512x64xf32>
    %convert_element_type3A_234 = arith.truncf %sub3A_233 : vector<512x64xf32> to vector<512x64xbf16>
    %transpose3A_235 = tpu.transpose %convert_element_type3A_234, [1, 0] : vector<512x64xbf16> -> vector<64x512xbf16>
    %broadcast_in_dim3A = arith.constant 1.000000e+00 : bf16
    %broadcast_in_dim3A_236 = vector.broadcast %broadcast_in_dim3A : bf16 to vector<25x512xbf16>
    %scan3A = arith.constant 0 : i32
    %scan3A_237 = arith.constant 8 : i32
    %scan3A_238 = arith.addi %scan3A, %scan3A_237 : i32
    %scan3A_239 = arith.constant 1 : i32
    %scan3A_240 = scf.for %scan3A_733 = %scan3A to %scan3A_238 step %scan3A_239 iter_args(%scan3A_734 = %broadcast_in_dim3A_236) -> (vector<25x512xbf16>)  : i32 {
      %slice3A_735 = vector.extract_strided_slice %scan3A_734 {offsets = [0, 0], sizes = [1, 512], strides = [1, 1]} : vector<25x512xbf16> to vector<1x512xbf16>
      %mul3A_736 = vector.broadcast %slice3A_735 : vector<1x512xbf16> to vector<64x512xbf16>
      %mul3A_737 = arith.mulf %transpose3A, %mul3A_736 : vector<64x512xbf16>
      %slice3A_738 = vector.extract_strided_slice %scan3A_734 {offsets = [1, 0], sizes = [1, 512], strides = [1, 1]} : vector<25x512xbf16> to vector<1x512xbf16>
      %mul3A_739 = vector.broadcast %slice3A_738 : vector<1x512xbf16> to vector<64x512xbf16>
      %mul3A_740 = arith.mulf %transpose3A_166, %mul3A_739 : vector<64x512xbf16>
      %add3A_741 = arith.addf %mul3A_737, %mul3A_740 : vector<64x512xbf16>
      %slice3A_742 = vector.extract_strided_slice %scan3A_734 {offsets = [2, 0], sizes = [1, 512], strides = [1, 1]} : vector<25x512xbf16> to vector<1x512xbf16>
      %mul3A_743 = vector.broadcast %slice3A_742 : vector<1x512xbf16> to vector<64x512xbf16>
      %mul3A_744 = arith.mulf %transpose3A_169, %mul3A_743 : vector<64x512xbf16>
      %add3A_745 = arith.addf %add3A_741, %mul3A_744 : vector<64x512xbf16>
      %slice3A_746 = vector.extract_strided_slice %scan3A_734 {offsets = [3, 0], sizes = [1, 512], strides = [1, 1]} : vector<25x512xbf16> to vector<1x512xbf16>
      %mul3A_747 = vector.broadcast %slice3A_746 : vector<1x512xbf16> to vector<64x512xbf16>
      %mul3A_748 = arith.mulf %transpose3A_172, %mul3A_747 : vector<64x512xbf16>
      %add3A_749 = arith.addf %add3A_745, %mul3A_748 : vector<64x512xbf16>
      %slice3A_750 = vector.extract_strided_slice %scan3A_734 {offsets = [4, 0], sizes = [1, 512], strides = [1, 1]} : vector<25x512xbf16> to vector<1x512xbf16>
      %mul3A_751 = vector.broadcast %slice3A_750 : vector<1x512xbf16> to vector<64x512xbf16>
      %mul3A_752 = arith.mulf %transpose3A_175, %mul3A_751 : vector<64x512xbf16>
      %add3A_753 = arith.addf %add3A_749, %mul3A_752 : vector<64x512xbf16>
      %slice3A_754 = vector.extract_strided_slice %scan3A_734 {offsets = [5, 0], sizes = [1, 512], strides = [1, 1]} : vector<25x512xbf16> to vector<1x512xbf16>
      %mul3A_755 = vector.broadcast %slice3A_754 : vector<1x512xbf16> to vector<64x512xbf16>
      %mul3A_756 = arith.mulf %transpose3A_178, %mul3A_755 : vector<64x512xbf16>
      %add3A_757 = arith.addf %add3A_753, %mul3A_756 : vector<64x512xbf16>
      %slice3A_758 = vector.extract_strided_slice %scan3A_734 {offsets = [6, 0], sizes = [1, 512], strides = [1, 1]} : vector<25x512xbf16> to vector<1x512xbf16>
      %mul3A_759 = vector.broadcast %slice3A_758 : vector<1x512xbf16> to vector<64x512xbf16>
      %mul3A_760 = arith.mulf %transpose3A_181, %mul3A_759 : vector<64x512xbf16>
      %add3A_761 = arith.addf %add3A_757, %mul3A_760 : vector<64x512xbf16>
      %slice3A_762 = vector.extract_strided_slice %scan3A_734 {offsets = [7, 0], sizes = [1, 512], strides = [1, 1]} : vector<25x512xbf16> to vector<1x512xbf16>
      %mul3A_763 = vector.broadcast %slice3A_762 : vector<1x512xbf16> to vector<64x512xbf16>
      %mul3A_764 = arith.mulf %transpose3A_184, %mul3A_763 : vector<64x512xbf16>
      %add3A_765 = arith.addf %add3A_761, %mul3A_764 : vector<64x512xbf16>
      %slice3A_766 = vector.extract_strided_slice %scan3A_734 {offsets = [8, 0], sizes = [1, 512], strides = [1, 1]} : vector<25x512xbf16> to vector<1x512xbf16>
      %mul3A_767 = vector.broadcast %slice3A_766 : vector<1x512xbf16> to vector<64x512xbf16>
      %mul3A_768 = arith.mulf %transpose3A_187, %mul3A_767 : vector<64x512xbf16>
      %add3A_769 = arith.addf %add3A_765, %mul3A_768 : vector<64x512xbf16>
      %slice3A_770 = vector.extract_strided_slice %scan3A_734 {offsets = [9, 0], sizes = [1, 512], strides = [1, 1]} : vector<25x512xbf16> to vector<1x512xbf16>
      %mul3A_771 = vector.broadcast %slice3A_770 : vector<1x512xbf16> to vector<64x512xbf16>
      %mul3A_772 = arith.mulf %transpose3A_190, %mul3A_771 : vector<64x512xbf16>
      %add3A_773 = arith.addf %add3A_769, %mul3A_772 : vector<64x512xbf16>
      %slice3A_774 = vector.extract_strided_slice %scan3A_734 {offsets = [10, 0], sizes = [1, 512], strides = [1, 1]} : vector<25x512xbf16> to vector<1x512xbf16>
      %mul3A_775 = vector.broadcast %slice3A_774 : vector<1x512xbf16> to vector<64x512xbf16>
      %mul3A_776 = arith.mulf %transpose3A_193, %mul3A_775 : vector<64x512xbf16>
      %add3A_777 = arith.addf %add3A_773, %mul3A_776 : vector<64x512xbf16>
      %slice3A_778 = vector.extract_strided_slice %scan3A_734 {offsets = [11, 0], sizes = [1, 512], strides = [1, 1]} : vector<25x512xbf16> to vector<1x512xbf16>
      %mul3A_779 = vector.broadcast %slice3A_778 : vector<1x512xbf16> to vector<64x512xbf16>
      %mul3A_780 = arith.mulf %transpose3A_196, %mul3A_779 : vector<64x512xbf16>
      %add3A_781 = arith.addf %add3A_777, %mul3A_780 : vector<64x512xbf16>
      %slice3A_782 = vector.extract_strided_slice %scan3A_734 {offsets = [12, 0], sizes = [1, 512], strides = [1, 1]} : vector<25x512xbf16> to vector<1x512xbf16>
      %mul3A_783 = vector.broadcast %slice3A_782 : vector<1x512xbf16> to vector<64x512xbf16>
      %mul3A_784 = arith.mulf %transpose3A_199, %mul3A_783 : vector<64x512xbf16>
      %add3A_785 = arith.addf %add3A_781, %mul3A_784 : vector<64x512xbf16>
      %slice3A_786 = vector.extract_strided_slice %scan3A_734 {offsets = [13, 0], sizes = [1, 512], strides = [1, 1]} : vector<25x512xbf16> to vector<1x512xbf16>
      %mul3A_787 = vector.broadcast %slice3A_786 : vector<1x512xbf16> to vector<64x512xbf16>
      %mul3A_788 = arith.mulf %transpose3A_202, %mul3A_787 : vector<64x512xbf16>
      %add3A_789 = arith.addf %add3A_785, %mul3A_788 : vector<64x512xbf16>
      %slice3A_790 = vector.extract_strided_slice %scan3A_734 {offsets = [14, 0], sizes = [1, 512], strides = [1, 1]} : vector<25x512xbf16> to vector<1x512xbf16>
      %mul3A_791 = vector.broadcast %slice3A_790 : vector<1x512xbf16> to vector<64x512xbf16>
      %mul3A_792 = arith.mulf %transpose3A_205, %mul3A_791 : vector<64x512xbf16>
      %add3A_793 = arith.addf %add3A_789, %mul3A_792 : vector<64x512xbf16>
      %slice3A_794 = vector.extract_strided_slice %scan3A_734 {offsets = [15, 0], sizes = [1, 512], strides = [1, 1]} : vector<25x512xbf16> to vector<1x512xbf16>
      %mul3A_795 = vector.broadcast %slice3A_794 : vector<1x512xbf16> to vector<64x512xbf16>
      %mul3A_796 = arith.mulf %transpose3A_208, %mul3A_795 : vector<64x512xbf16>
      %add3A_797 = arith.addf %add3A_793, %mul3A_796 : vector<64x512xbf16>
      %slice3A_798 = vector.extract_strided_slice %scan3A_734 {offsets = [16, 0], sizes = [1, 512], strides = [1, 1]} : vector<25x512xbf16> to vector<1x512xbf16>
      %mul3A_799 = vector.broadcast %slice3A_798 : vector<1x512xbf16> to vector<64x512xbf16>
      %mul3A_800 = arith.mulf %transpose3A_211, %mul3A_799 : vector<64x512xbf16>
      %add3A_801 = arith.addf %add3A_797, %mul3A_800 : vector<64x512xbf16>
      %slice3A_802 = vector.extract_strided_slice %scan3A_734 {offsets = [17, 0], sizes = [1, 512], strides = [1, 1]} : vector<25x512xbf16> to vector<1x512xbf16>
      %mul3A_803 = vector.broadcast %slice3A_802 : vector<1x512xbf16> to vector<64x512xbf16>
      %mul3A_804 = arith.mulf %transpose3A_214, %mul3A_803 : vector<64x512xbf16>
      %add3A_805 = arith.addf %add3A_801, %mul3A_804 : vector<64x512xbf16>
      %slice3A_806 = vector.extract_strided_slice %scan3A_734 {offsets = [18, 0], sizes = [1, 512], strides = [1, 1]} : vector<25x512xbf16> to vector<1x512xbf16>
      %mul3A_807 = vector.broadcast %slice3A_806 : vector<1x512xbf16> to vector<64x512xbf16>
      %mul3A_808 = arith.mulf %transpose3A_217, %mul3A_807 : vector<64x512xbf16>
      %add3A_809 = arith.addf %add3A_805, %mul3A_808 : vector<64x512xbf16>
      %slice3A_810 = vector.extract_strided_slice %scan3A_734 {offsets = [19, 0], sizes = [1, 512], strides = [1, 1]} : vector<25x512xbf16> to vector<1x512xbf16>
      %mul3A_811 = vector.broadcast %slice3A_810 : vector<1x512xbf16> to vector<64x512xbf16>
      %mul3A_812 = arith.mulf %transpose3A_220, %mul3A_811 : vector<64x512xbf16>
      %add3A_813 = arith.addf %add3A_809, %mul3A_812 : vector<64x512xbf16>
      %slice3A_814 = vector.extract_strided_slice %scan3A_734 {offsets = [20, 0], sizes = [1, 512], strides = [1, 1]} : vector<25x512xbf16> to vector<1x512xbf16>
      %mul3A_815 = vector.broadcast %slice3A_814 : vector<1x512xbf16> to vector<64x512xbf16>
      %mul3A_816 = arith.mulf %transpose3A_223, %mul3A_815 : vector<64x512xbf16>
      %add3A_817 = arith.addf %add3A_813, %mul3A_816 : vector<64x512xbf16>
      %slice3A_818 = vector.extract_strided_slice %scan3A_734 {offsets = [21, 0], sizes = [1, 512], strides = [1, 1]} : vector<25x512xbf16> to vector<1x512xbf16>
      %mul3A_819 = vector.broadcast %slice3A_818 : vector<1x512xbf16> to vector<64x512xbf16>
      %mul3A_820 = arith.mulf %transpose3A_226, %mul3A_819 : vector<64x512xbf16>
      %add3A_821 = arith.addf %add3A_817, %mul3A_820 : vector<64x512xbf16>
      %slice3A_822 = vector.extract_strided_slice %scan3A_734 {offsets = [22, 0], sizes = [1, 512], strides = [1, 1]} : vector<25x512xbf16> to vector<1x512xbf16>
      %mul3A_823 = vector.broadcast %slice3A_822 : vector<1x512xbf16> to vector<64x512xbf16>
      %mul3A_824 = arith.mulf %transpose3A_229, %mul3A_823 : vector<64x512xbf16>
      %add3A_825 = arith.addf %add3A_821, %mul3A_824 : vector<64x512xbf16>
      %slice3A_826 = vector.extract_strided_slice %scan3A_734 {offsets = [23, 0], sizes = [1, 512], strides = [1, 1]} : vector<25x512xbf16> to vector<1x512xbf16>
      %mul3A_827 = vector.broadcast %slice3A_826 : vector<1x512xbf16> to vector<64x512xbf16>
      %mul3A_828 = arith.mulf %transpose3A_232, %mul3A_827 : vector<64x512xbf16>
      %add3A_829 = arith.addf %add3A_825, %mul3A_828 : vector<64x512xbf16>
      %slice3A_830 = vector.extract_strided_slice %scan3A_734 {offsets = [24, 0], sizes = [1, 512], strides = [1, 1]} : vector<25x512xbf16> to vector<1x512xbf16>
      %mul3A_831 = vector.broadcast %slice3A_830 : vector<1x512xbf16> to vector<64x512xbf16>
      %mul3A_832 = arith.mulf %transpose3A_235, %mul3A_831 : vector<64x512xbf16>
      %add3A_833 = arith.addf %add3A_829, %mul3A_832 : vector<64x512xbf16>
      %mul3A_834 = arith.mulf %transpose3A, %add3A_833 : vector<64x512xbf16>
      %convert_element_type3A_835 = arith.extf %mul3A_834 : vector<64x512xbf16> to vector<64x512xf32>
      %reduce_sum3A_836 = arith.constant dense<0.000000e+00> : vector<512xf32>
      %reduce_sum3A_837 = vector.multi_reduction <add>, %convert_element_type3A_835, %reduce_sum3A_836 [0] : vector<64x512xf32> to vector<512xf32>
      %broadcast_in_dim3A_838 = vector.shape_cast %reduce_sum3A_837 : vector<512xf32> to vector<1x512xf32>
      %convert_element_type3A_839 = arith.truncf %broadcast_in_dim3A_838 : vector<1x512xf32> to vector<1x512xbf16>
      %mul3A_840 = arith.mulf %transpose3A_166, %add3A_833 : vector<64x512xbf16>
      %convert_element_type3A_841 = arith.extf %mul3A_840 : vector<64x512xbf16> to vector<64x512xf32>
      %reduce_sum3A_842 = arith.constant dense<0.000000e+00> : vector<512xf32>
      %reduce_sum3A_843 = vector.multi_reduction <add>, %convert_element_type3A_841, %reduce_sum3A_842 [0] : vector<64x512xf32> to vector<512xf32>
      %broadcast_in_dim3A_844 = vector.shape_cast %reduce_sum3A_843 : vector<512xf32> to vector<1x512xf32>
      %convert_element_type3A_845 = arith.truncf %broadcast_in_dim3A_844 : vector<1x512xf32> to vector<1x512xbf16>
      %mul3A_846 = arith.mulf %transpose3A_169, %add3A_833 : vector<64x512xbf16>
      %convert_element_type3A_847 = arith.extf %mul3A_846 : vector<64x512xbf16> to vector<64x512xf32>
      %reduce_sum3A_848 = arith.constant dense<0.000000e+00> : vector<512xf32>
      %reduce_sum3A_849 = vector.multi_reduction <add>, %convert_element_type3A_847, %reduce_sum3A_848 [0] : vector<64x512xf32> to vector<512xf32>
      %broadcast_in_dim3A_850 = vector.shape_cast %reduce_sum3A_849 : vector<512xf32> to vector<1x512xf32>
      %convert_element_type3A_851 = arith.truncf %broadcast_in_dim3A_850 : vector<1x512xf32> to vector<1x512xbf16>
      %mul3A_852 = arith.mulf %transpose3A_172, %add3A_833 : vector<64x512xbf16>
      %convert_element_type3A_853 = arith.extf %mul3A_852 : vector<64x512xbf16> to vector<64x512xf32>
      %reduce_sum3A_854 = arith.constant dense<0.000000e+00> : vector<512xf32>
      %reduce_sum3A_855 = vector.multi_reduction <add>, %convert_element_type3A_853, %reduce_sum3A_854 [0] : vector<64x512xf32> to vector<512xf32>
      %broadcast_in_dim3A_856 = vector.shape_cast %reduce_sum3A_855 : vector<512xf32> to vector<1x512xf32>
      %convert_element_type3A_857 = arith.truncf %broadcast_in_dim3A_856 : vector<1x512xf32> to vector<1x512xbf16>
      %mul3A_858 = arith.mulf %transpose3A_175, %add3A_833 : vector<64x512xbf16>
      %convert_element_type3A_859 = arith.extf %mul3A_858 : vector<64x512xbf16> to vector<64x512xf32>
      %reduce_sum3A_860 = arith.constant dense<0.000000e+00> : vector<512xf32>
      %reduce_sum3A_861 = vector.multi_reduction <add>, %convert_element_type3A_859, %reduce_sum3A_860 [0] : vector<64x512xf32> to vector<512xf32>
      %broadcast_in_dim3A_862 = vector.shape_cast %reduce_sum3A_861 : vector<512xf32> to vector<1x512xf32>
      %convert_element_type3A_863 = arith.truncf %broadcast_in_dim3A_862 : vector<1x512xf32> to vector<1x512xbf16>
      %mul3A_864 = arith.mulf %transpose3A_178, %add3A_833 : vector<64x512xbf16>
      %convert_element_type3A_865 = arith.extf %mul3A_864 : vector<64x512xbf16> to vector<64x512xf32>
      %reduce_sum3A_866 = arith.constant dense<0.000000e+00> : vector<512xf32>
      %reduce_sum3A_867 = vector.multi_reduction <add>, %convert_element_type3A_865, %reduce_sum3A_866 [0] : vector<64x512xf32> to vector<512xf32>
      %broadcast_in_dim3A_868 = vector.shape_cast %reduce_sum3A_867 : vector<512xf32> to vector<1x512xf32>
      %convert_element_type3A_869 = arith.truncf %broadcast_in_dim3A_868 : vector<1x512xf32> to vector<1x512xbf16>
      %mul3A_870 = arith.mulf %transpose3A_181, %add3A_833 : vector<64x512xbf16>
      %convert_element_type3A_871 = arith.extf %mul3A_870 : vector<64x512xbf16> to vector<64x512xf32>
      %reduce_sum3A_872 = arith.constant dense<0.000000e+00> : vector<512xf32>
      %reduce_sum3A_873 = vector.multi_reduction <add>, %convert_element_type3A_871, %reduce_sum3A_872 [0] : vector<64x512xf32> to vector<512xf32>
      %broadcast_in_dim3A_874 = vector.shape_cast %reduce_sum3A_873 : vector<512xf32> to vector<1x512xf32>
      %convert_element_type3A_875 = arith.truncf %broadcast_in_dim3A_874 : vector<1x512xf32> to vector<1x512xbf16>
      %mul3A_876 = arith.mulf %transpose3A_184, %add3A_833 : vector<64x512xbf16>
      %convert_element_type3A_877 = arith.extf %mul3A_876 : vector<64x512xbf16> to vector<64x512xf32>
      %reduce_sum3A_878 = arith.constant dense<0.000000e+00> : vector<512xf32>
      %reduce_sum3A_879 = vector.multi_reduction <add>, %convert_element_type3A_877, %reduce_sum3A_878 [0] : vector<64x512xf32> to vector<512xf32>
      %broadcast_in_dim3A_880 = vector.shape_cast %reduce_sum3A_879 : vector<512xf32> to vector<1x512xf32>
      %convert_element_type3A_881 = arith.truncf %broadcast_in_dim3A_880 : vector<1x512xf32> to vector<1x512xbf16>
      %mul3A_882 = arith.mulf %transpose3A_187, %add3A_833 : vector<64x512xbf16>
      %convert_element_type3A_883 = arith.extf %mul3A_882 : vector<64x512xbf16> to vector<64x512xf32>
      %reduce_sum3A_884 = arith.constant dense<0.000000e+00> : vector<512xf32>
      %reduce_sum3A_885 = vector.multi_reduction <add>, %convert_element_type3A_883, %reduce_sum3A_884 [0] : vector<64x512xf32> to vector<512xf32>
      %broadcast_in_dim3A_886 = vector.shape_cast %reduce_sum3A_885 : vector<512xf32> to vector<1x512xf32>
      %convert_element_type3A_887 = arith.truncf %broadcast_in_dim3A_886 : vector<1x512xf32> to vector<1x512xbf16>
      %mul3A_888 = arith.mulf %transpose3A_190, %add3A_833 : vector<64x512xbf16>
      %convert_element_type3A_889 = arith.extf %mul3A_888 : vector<64x512xbf16> to vector<64x512xf32>
      %reduce_sum3A_890 = arith.constant dense<0.000000e+00> : vector<512xf32>
      %reduce_sum3A_891 = vector.multi_reduction <add>, %convert_element_type3A_889, %reduce_sum3A_890 [0] : vector<64x512xf32> to vector<512xf32>
      %broadcast_in_dim3A_892 = vector.shape_cast %reduce_sum3A_891 : vector<512xf32> to vector<1x512xf32>
      %convert_element_type3A_893 = arith.truncf %broadcast_in_dim3A_892 : vector<1x512xf32> to vector<1x512xbf16>
      %mul3A_894 = arith.mulf %transpose3A_193, %add3A_833 : vector<64x512xbf16>
      %convert_element_type3A_895 = arith.extf %mul3A_894 : vector<64x512xbf16> to vector<64x512xf32>
      %reduce_sum3A_896 = arith.constant dense<0.000000e+00> : vector<512xf32>
      %reduce_sum3A_897 = vector.multi_reduction <add>, %convert_element_type3A_895, %reduce_sum3A_896 [0] : vector<64x512xf32> to vector<512xf32>
      %broadcast_in_dim3A_898 = vector.shape_cast %reduce_sum3A_897 : vector<512xf32> to vector<1x512xf32>
      %convert_element_type3A_899 = arith.truncf %broadcast_in_dim3A_898 : vector<1x512xf32> to vector<1x512xbf16>
      %mul3A_900 = arith.mulf %transpose3A_196, %add3A_833 : vector<64x512xbf16>
      %convert_element_type3A_901 = arith.extf %mul3A_900 : vector<64x512xbf16> to vector<64x512xf32>
      %reduce_sum3A_902 = arith.constant dense<0.000000e+00> : vector<512xf32>
      %reduce_sum3A_903 = vector.multi_reduction <add>, %convert_element_type3A_901, %reduce_sum3A_902 [0] : vector<64x512xf32> to vector<512xf32>
      %broadcast_in_dim3A_904 = vector.shape_cast %reduce_sum3A_903 : vector<512xf32> to vector<1x512xf32>
      %convert_element_type3A_905 = arith.truncf %broadcast_in_dim3A_904 : vector<1x512xf32> to vector<1x512xbf16>
      %mul3A_906 = arith.mulf %transpose3A_199, %add3A_833 : vector<64x512xbf16>
      %convert_element_type3A_907 = arith.extf %mul3A_906 : vector<64x512xbf16> to vector<64x512xf32>
      %reduce_sum3A_908 = arith.constant dense<0.000000e+00> : vector<512xf32>
      %reduce_sum3A_909 = vector.multi_reduction <add>, %convert_element_type3A_907, %reduce_sum3A_908 [0] : vector<64x512xf32> to vector<512xf32>
      %broadcast_in_dim3A_910 = vector.shape_cast %reduce_sum3A_909 : vector<512xf32> to vector<1x512xf32>
      %convert_element_type3A_911 = arith.truncf %broadcast_in_dim3A_910 : vector<1x512xf32> to vector<1x512xbf16>
      %mul3A_912 = arith.mulf %transpose3A_202, %add3A_833 : vector<64x512xbf16>
      %convert_element_type3A_913 = arith.extf %mul3A_912 : vector<64x512xbf16> to vector<64x512xf32>
      %reduce_sum3A_914 = arith.constant dense<0.000000e+00> : vector<512xf32>
      %reduce_sum3A_915 = vector.multi_reduction <add>, %convert_element_type3A_913, %reduce_sum3A_914 [0] : vector<64x512xf32> to vector<512xf32>
      %broadcast_in_dim3A_916 = vector.shape_cast %reduce_sum3A_915 : vector<512xf32> to vector<1x512xf32>
      %convert_element_type3A_917 = arith.truncf %broadcast_in_dim3A_916 : vector<1x512xf32> to vector<1x512xbf16>
      %mul3A_918 = arith.mulf %transpose3A_205, %add3A_833 : vector<64x512xbf16>
      %convert_element_type3A_919 = arith.extf %mul3A_918 : vector<64x512xbf16> to vector<64x512xf32>
      %reduce_sum3A_920 = arith.constant dense<0.000000e+00> : vector<512xf32>
      %reduce_sum3A_921 = vector.multi_reduction <add>, %convert_element_type3A_919, %reduce_sum3A_920 [0] : vector<64x512xf32> to vector<512xf32>
      %broadcast_in_dim3A_922 = vector.shape_cast %reduce_sum3A_921 : vector<512xf32> to vector<1x512xf32>
      %convert_element_type3A_923 = arith.truncf %broadcast_in_dim3A_922 : vector<1x512xf32> to vector<1x512xbf16>
      %mul3A_924 = arith.mulf %transpose3A_208, %add3A_833 : vector<64x512xbf16>
      %convert_element_type3A_925 = arith.extf %mul3A_924 : vector<64x512xbf16> to vector<64x512xf32>
      %reduce_sum3A_926 = arith.constant dense<0.000000e+00> : vector<512xf32>
      %reduce_sum3A_927 = vector.multi_reduction <add>, %convert_element_type3A_925, %reduce_sum3A_926 [0] : vector<64x512xf32> to vector<512xf32>
      %broadcast_in_dim3A_928 = vector.shape_cast %reduce_sum3A_927 : vector<512xf32> to vector<1x512xf32>
      %convert_element_type3A_929 = arith.truncf %broadcast_in_dim3A_928 : vector<1x512xf32> to vector<1x512xbf16>
      %mul3A_930 = arith.mulf %transpose3A_211, %add3A_833 : vector<64x512xbf16>
      %convert_element_type3A_931 = arith.extf %mul3A_930 : vector<64x512xbf16> to vector<64x512xf32>
      %reduce_sum3A_932 = arith.constant dense<0.000000e+00> : vector<512xf32>
      %reduce_sum3A_933 = vector.multi_reduction <add>, %convert_element_type3A_931, %reduce_sum3A_932 [0] : vector<64x512xf32> to vector<512xf32>
      %broadcast_in_dim3A_934 = vector.shape_cast %reduce_sum3A_933 : vector<512xf32> to vector<1x512xf32>
      %convert_element_type3A_935 = arith.truncf %broadcast_in_dim3A_934 : vector<1x512xf32> to vector<1x512xbf16>
      %mul3A_936 = arith.mulf %transpose3A_214, %add3A_833 : vector<64x512xbf16>
      %convert_element_type3A_937 = arith.extf %mul3A_936 : vector<64x512xbf16> to vector<64x512xf32>
      %reduce_sum3A_938 = arith.constant dense<0.000000e+00> : vector<512xf32>
      %reduce_sum3A_939 = vector.multi_reduction <add>, %convert_element_type3A_937, %reduce_sum3A_938 [0] : vector<64x512xf32> to vector<512xf32>
      %broadcast_in_dim3A_940 = vector.shape_cast %reduce_sum3A_939 : vector<512xf32> to vector<1x512xf32>
      %convert_element_type3A_941 = arith.truncf %broadcast_in_dim3A_940 : vector<1x512xf32> to vector<1x512xbf16>
      %mul3A_942 = arith.mulf %transpose3A_217, %add3A_833 : vector<64x512xbf16>
      %convert_element_type3A_943 = arith.extf %mul3A_942 : vector<64x512xbf16> to vector<64x512xf32>
      %reduce_sum3A_944 = arith.constant dense<0.000000e+00> : vector<512xf32>
      %reduce_sum3A_945 = vector.multi_reduction <add>, %convert_element_type3A_943, %reduce_sum3A_944 [0] : vector<64x512xf32> to vector<512xf32>
      %broadcast_in_dim3A_946 = vector.shape_cast %reduce_sum3A_945 : vector<512xf32> to vector<1x512xf32>
      %convert_element_type3A_947 = arith.truncf %broadcast_in_dim3A_946 : vector<1x512xf32> to vector<1x512xbf16>
      %mul3A_948 = arith.mulf %transpose3A_220, %add3A_833 : vector<64x512xbf16>
      %convert_element_type3A_949 = arith.extf %mul3A_948 : vector<64x512xbf16> to vector<64x512xf32>
      %reduce_sum3A_950 = arith.constant dense<0.000000e+00> : vector<512xf32>
      %reduce_sum3A_951 = vector.multi_reduction <add>, %convert_element_type3A_949, %reduce_sum3A_950 [0] : vector<64x512xf32> to vector<512xf32>
      %broadcast_in_dim3A_952 = vector.shape_cast %reduce_sum3A_951 : vector<512xf32> to vector<1x512xf32>
      %convert_element_type3A_953 = arith.truncf %broadcast_in_dim3A_952 : vector<1x512xf32> to vector<1x512xbf16>
      %mul3A_954 = arith.mulf %transpose3A_223, %add3A_833 : vector<64x512xbf16>
      %convert_element_type3A_955 = arith.extf %mul3A_954 : vector<64x512xbf16> to vector<64x512xf32>
      %reduce_sum3A_956 = arith.constant dense<0.000000e+00> : vector<512xf32>
      %reduce_sum3A_957 = vector.multi_reduction <add>, %convert_element_type3A_955, %reduce_sum3A_956 [0] : vector<64x512xf32> to vector<512xf32>
      %broadcast_in_dim3A_958 = vector.shape_cast %reduce_sum3A_957 : vector<512xf32> to vector<1x512xf32>
      %convert_element_type3A_959 = arith.truncf %broadcast_in_dim3A_958 : vector<1x512xf32> to vector<1x512xbf16>
      %mul3A_960 = arith.mulf %transpose3A_226, %add3A_833 : vector<64x512xbf16>
      %convert_element_type3A_961 = arith.extf %mul3A_960 : vector<64x512xbf16> to vector<64x512xf32>
      %reduce_sum3A_962 = arith.constant dense<0.000000e+00> : vector<512xf32>
      %reduce_sum3A_963 = vector.multi_reduction <add>, %convert_element_type3A_961, %reduce_sum3A_962 [0] : vector<64x512xf32> to vector<512xf32>
      %broadcast_in_dim3A_964 = vector.shape_cast %reduce_sum3A_963 : vector<512xf32> to vector<1x512xf32>
      %convert_element_type3A_965 = arith.truncf %broadcast_in_dim3A_964 : vector<1x512xf32> to vector<1x512xbf16>
      %mul3A_966 = arith.mulf %transpose3A_229, %add3A_833 : vector<64x512xbf16>
      %convert_element_type3A_967 = arith.extf %mul3A_966 : vector<64x512xbf16> to vector<64x512xf32>
      %reduce_sum3A_968 = arith.constant dense<0.000000e+00> : vector<512xf32>
      %reduce_sum3A_969 = vector.multi_reduction <add>, %convert_element_type3A_967, %reduce_sum3A_968 [0] : vector<64x512xf32> to vector<512xf32>
      %broadcast_in_dim3A_970 = vector.shape_cast %reduce_sum3A_969 : vector<512xf32> to vector<1x512xf32>
      %convert_element_type3A_971 = arith.truncf %broadcast_in_dim3A_970 : vector<1x512xf32> to vector<1x512xbf16>
      %mul3A_972 = arith.mulf %transpose3A_232, %add3A_833 : vector<64x512xbf16>
      %convert_element_type3A_973 = arith.extf %mul3A_972 : vector<64x512xbf16> to vector<64x512xf32>
      %reduce_sum3A_974 = arith.constant dense<0.000000e+00> : vector<512xf32>
      %reduce_sum3A_975 = vector.multi_reduction <add>, %convert_element_type3A_973, %reduce_sum3A_974 [0] : vector<64x512xf32> to vector<512xf32>
      %broadcast_in_dim3A_976 = vector.shape_cast %reduce_sum3A_975 : vector<512xf32> to vector<1x512xf32>
      %convert_element_type3A_977 = arith.truncf %broadcast_in_dim3A_976 : vector<1x512xf32> to vector<1x512xbf16>
      %mul3A_978 = arith.mulf %transpose3A_235, %add3A_833 : vector<64x512xbf16>
      %convert_element_type3A_979 = arith.extf %mul3A_978 : vector<64x512xbf16> to vector<64x512xf32>
      %reduce_sum3A_980 = arith.constant dense<0.000000e+00> : vector<512xf32>
      %reduce_sum3A_981 = vector.multi_reduction <add>, %convert_element_type3A_979, %reduce_sum3A_980 [0] : vector<64x512xf32> to vector<512xf32>
      %broadcast_in_dim3A_982 = vector.shape_cast %reduce_sum3A_981 : vector<512xf32> to vector<1x512xf32>
      %convert_element_type3A_983 = arith.truncf %broadcast_in_dim3A_982 : vector<1x512xf32> to vector<1x512xbf16>
      %concatenate3A = tpu.concatenate %convert_element_type3A_839, %convert_element_type3A_845, %convert_element_type3A_851, %convert_element_type3A_857, %convert_element_type3A_863, %convert_element_type3A_869, %convert_element_type3A_875, %convert_element_type3A_881, %convert_element_type3A_887, %convert_element_type3A_893, %convert_element_type3A_899, %convert_element_type3A_905, %convert_element_type3A_911, %convert_element_type3A_917, %convert_element_type3A_923, %convert_element_type3A_929, %convert_element_type3A_935, %convert_element_type3A_941, %convert_element_type3A_947, %convert_element_type3A_953, %convert_element_type3A_959, %convert_element_type3A_965, %convert_element_type3A_971, %convert_element_type3A_977, %convert_element_type3A_983 in 0 : vector<1x512xbf16>, vector<1x512xbf16>, vector<1x512xbf16>, vector<1x512xbf16>, vector<1x512xbf16>, vector<1x512xbf16>, vector<1x512xbf16>, vector<1x512xbf16>, vector<1x512xbf16>, vector<1x512xbf16>, vector<1x512xbf16>, vector<1x512xbf16>, vector<1x512xbf16>, vector<1x512xbf16>, vector<1x512xbf16>, vector<1x512xbf16>, vector<1x512xbf16>, vector<1x512xbf16>, vector<1x512xbf16>, vector<1x512xbf16>, vector<1x512xbf16>, vector<1x512xbf16>, vector<1x512xbf16>, vector<1x512xbf16>, vector<1x512xbf16> -> vector<25x512xbf16>
      scf.yield %concatenate3A : vector<25x512xbf16>
    }
    %slice3A = vector.extract_strided_slice %scan3A_240 {offsets = [0, 0], sizes = [1, 512], strides = [1, 1]} : vector<25x512xbf16> to vector<1x512xbf16>
    %mul3A_241 = vector.broadcast %slice3A : vector<1x512xbf16> to vector<64x512xbf16>
    %mul3A_242 = arith.mulf %transpose3A, %mul3A_241 : vector<64x512xbf16>
    %slice3A_243 = vector.extract_strided_slice %scan3A_240 {offsets = [1, 0], sizes = [1, 512], strides = [1, 1]} : vector<25x512xbf16> to vector<1x512xbf16>
    %mul3A_244 = vector.broadcast %slice3A_243 : vector<1x512xbf16> to vector<64x512xbf16>
    %mul3A_245 = arith.mulf %transpose3A_166, %mul3A_244 : vector<64x512xbf16>
    %add3A_246 = arith.addf %mul3A_242, %mul3A_245 : vector<64x512xbf16>
    %slice3A_247 = vector.extract_strided_slice %scan3A_240 {offsets = [2, 0], sizes = [1, 512], strides = [1, 1]} : vector<25x512xbf16> to vector<1x512xbf16>
    %mul3A_248 = vector.broadcast %slice3A_247 : vector<1x512xbf16> to vector<64x512xbf16>
    %mul3A_249 = arith.mulf %transpose3A_169, %mul3A_248 : vector<64x512xbf16>
    %add3A_250 = arith.addf %add3A_246, %mul3A_249 : vector<64x512xbf16>
    %slice3A_251 = vector.extract_strided_slice %scan3A_240 {offsets = [3, 0], sizes = [1, 512], strides = [1, 1]} : vector<25x512xbf16> to vector<1x512xbf16>
    %mul3A_252 = vector.broadcast %slice3A_251 : vector<1x512xbf16> to vector<64x512xbf16>
    %mul3A_253 = arith.mulf %transpose3A_172, %mul3A_252 : vector<64x512xbf16>
    %add3A_254 = arith.addf %add3A_250, %mul3A_253 : vector<64x512xbf16>
    %slice3A_255 = vector.extract_strided_slice %scan3A_240 {offsets = [4, 0], sizes = [1, 512], strides = [1, 1]} : vector<25x512xbf16> to vector<1x512xbf16>
    %mul3A_256 = vector.broadcast %slice3A_255 : vector<1x512xbf16> to vector<64x512xbf16>
    %mul3A_257 = arith.mulf %transpose3A_175, %mul3A_256 : vector<64x512xbf16>
    %add3A_258 = arith.addf %add3A_254, %mul3A_257 : vector<64x512xbf16>
    %slice3A_259 = vector.extract_strided_slice %scan3A_240 {offsets = [5, 0], sizes = [1, 512], strides = [1, 1]} : vector<25x512xbf16> to vector<1x512xbf16>
    %mul3A_260 = vector.broadcast %slice3A_259 : vector<1x512xbf16> to vector<64x512xbf16>
    %mul3A_261 = arith.mulf %transpose3A_178, %mul3A_260 : vector<64x512xbf16>
    %add3A_262 = arith.addf %add3A_258, %mul3A_261 : vector<64x512xbf16>
    %slice3A_263 = vector.extract_strided_slice %scan3A_240 {offsets = [6, 0], sizes = [1, 512], strides = [1, 1]} : vector<25x512xbf16> to vector<1x512xbf16>
    %mul3A_264 = vector.broadcast %slice3A_263 : vector<1x512xbf16> to vector<64x512xbf16>
    %mul3A_265 = arith.mulf %transpose3A_181, %mul3A_264 : vector<64x512xbf16>
    %add3A_266 = arith.addf %add3A_262, %mul3A_265 : vector<64x512xbf16>
    %slice3A_267 = vector.extract_strided_slice %scan3A_240 {offsets = [7, 0], sizes = [1, 512], strides = [1, 1]} : vector<25x512xbf16> to vector<1x512xbf16>
    %mul3A_268 = vector.broadcast %slice3A_267 : vector<1x512xbf16> to vector<64x512xbf16>
    %mul3A_269 = arith.mulf %transpose3A_184, %mul3A_268 : vector<64x512xbf16>
    %add3A_270 = arith.addf %add3A_266, %mul3A_269 : vector<64x512xbf16>
    %slice3A_271 = vector.extract_strided_slice %scan3A_240 {offsets = [8, 0], sizes = [1, 512], strides = [1, 1]} : vector<25x512xbf16> to vector<1x512xbf16>
    %mul3A_272 = vector.broadcast %slice3A_271 : vector<1x512xbf16> to vector<64x512xbf16>
    %mul3A_273 = arith.mulf %transpose3A_187, %mul3A_272 : vector<64x512xbf16>
    %add3A_274 = arith.addf %add3A_270, %mul3A_273 : vector<64x512xbf16>
    %slice3A_275 = vector.extract_strided_slice %scan3A_240 {offsets = [9, 0], sizes = [1, 512], strides = [1, 1]} : vector<25x512xbf16> to vector<1x512xbf16>
    %mul3A_276 = vector.broadcast %slice3A_275 : vector<1x512xbf16> to vector<64x512xbf16>
    %mul3A_277 = arith.mulf %transpose3A_190, %mul3A_276 : vector<64x512xbf16>
    %add3A_278 = arith.addf %add3A_274, %mul3A_277 : vector<64x512xbf16>
    %slice3A_279 = vector.extract_strided_slice %scan3A_240 {offsets = [10, 0], sizes = [1, 512], strides = [1, 1]} : vector<25x512xbf16> to vector<1x512xbf16>
    %mul3A_280 = vector.broadcast %slice3A_279 : vector<1x512xbf16> to vector<64x512xbf16>
    %mul3A_281 = arith.mulf %transpose3A_193, %mul3A_280 : vector<64x512xbf16>
    %add3A_282 = arith.addf %add3A_278, %mul3A_281 : vector<64x512xbf16>
    %slice3A_283 = vector.extract_strided_slice %scan3A_240 {offsets = [11, 0], sizes = [1, 512], strides = [1, 1]} : vector<25x512xbf16> to vector<1x512xbf16>
    %mul3A_284 = vector.broadcast %slice3A_283 : vector<1x512xbf16> to vector<64x512xbf16>
    %mul3A_285 = arith.mulf %transpose3A_196, %mul3A_284 : vector<64x512xbf16>
    %add3A_286 = arith.addf %add3A_282, %mul3A_285 : vector<64x512xbf16>
    %slice3A_287 = vector.extract_strided_slice %scan3A_240 {offsets = [12, 0], sizes = [1, 512], strides = [1, 1]} : vector<25x512xbf16> to vector<1x512xbf16>
    %mul3A_288 = vector.broadcast %slice3A_287 : vector<1x512xbf16> to vector<64x512xbf16>
    %mul3A_289 = arith.mulf %transpose3A_199, %mul3A_288 : vector<64x512xbf16>
    %add3A_290 = arith.addf %add3A_286, %mul3A_289 : vector<64x512xbf16>
    %slice3A_291 = vector.extract_strided_slice %scan3A_240 {offsets = [13, 0], sizes = [1, 512], strides = [1, 1]} : vector<25x512xbf16> to vector<1x512xbf16>
    %mul3A_292 = vector.broadcast %slice3A_291 : vector<1x512xbf16> to vector<64x512xbf16>
    %mul3A_293 = arith.mulf %transpose3A_202, %mul3A_292 : vector<64x512xbf16>
    %add3A_294 = arith.addf %add3A_290, %mul3A_293 : vector<64x512xbf16>
    %slice3A_295 = vector.extract_strided_slice %scan3A_240 {offsets = [14, 0], sizes = [1, 512], strides = [1, 1]} : vector<25x512xbf16> to vector<1x512xbf16>
    %mul3A_296 = vector.broadcast %slice3A_295 : vector<1x512xbf16> to vector<64x512xbf16>
    %mul3A_297 = arith.mulf %transpose3A_205, %mul3A_296 : vector<64x512xbf16>
    %add3A_298 = arith.addf %add3A_294, %mul3A_297 : vector<64x512xbf16>
    %slice3A_299 = vector.extract_strided_slice %scan3A_240 {offsets = [15, 0], sizes = [1, 512], strides = [1, 1]} : vector<25x512xbf16> to vector<1x512xbf16>
    %mul3A_300 = vector.broadcast %slice3A_299 : vector<1x512xbf16> to vector<64x512xbf16>
    %mul3A_301 = arith.mulf %transpose3A_208, %mul3A_300 : vector<64x512xbf16>
    %add3A_302 = arith.addf %add3A_298, %mul3A_301 : vector<64x512xbf16>
    %slice3A_303 = vector.extract_strided_slice %scan3A_240 {offsets = [16, 0], sizes = [1, 512], strides = [1, 1]} : vector<25x512xbf16> to vector<1x512xbf16>
    %mul3A_304 = vector.broadcast %slice3A_303 : vector<1x512xbf16> to vector<64x512xbf16>
    %mul3A_305 = arith.mulf %transpose3A_211, %mul3A_304 : vector<64x512xbf16>
    %add3A_306 = arith.addf %add3A_302, %mul3A_305 : vector<64x512xbf16>
    %slice3A_307 = vector.extract_strided_slice %scan3A_240 {offsets = [17, 0], sizes = [1, 512], strides = [1, 1]} : vector<25x512xbf16> to vector<1x512xbf16>
    %mul3A_308 = vector.broadcast %slice3A_307 : vector<1x512xbf16> to vector<64x512xbf16>
    %mul3A_309 = arith.mulf %transpose3A_214, %mul3A_308 : vector<64x512xbf16>
    %add3A_310 = arith.addf %add3A_306, %mul3A_309 : vector<64x512xbf16>
    %slice3A_311 = vector.extract_strided_slice %scan3A_240 {offsets = [18, 0], sizes = [1, 512], strides = [1, 1]} : vector<25x512xbf16> to vector<1x512xbf16>
    %mul3A_312 = vector.broadcast %slice3A_311 : vector<1x512xbf16> to vector<64x512xbf16>
    %mul3A_313 = arith.mulf %transpose3A_217, %mul3A_312 : vector<64x512xbf16>
    %add3A_314 = arith.addf %add3A_310, %mul3A_313 : vector<64x512xbf16>
    %slice3A_315 = vector.extract_strided_slice %scan3A_240 {offsets = [19, 0], sizes = [1, 512], strides = [1, 1]} : vector<25x512xbf16> to vector<1x512xbf16>
    %mul3A_316 = vector.broadcast %slice3A_315 : vector<1x512xbf16> to vector<64x512xbf16>
    %mul3A_317 = arith.mulf %transpose3A_220, %mul3A_316 : vector<64x512xbf16>
    %add3A_318 = arith.addf %add3A_314, %mul3A_317 : vector<64x512xbf16>
    %slice3A_319 = vector.extract_strided_slice %scan3A_240 {offsets = [20, 0], sizes = [1, 512], strides = [1, 1]} : vector<25x512xbf16> to vector<1x512xbf16>
    %mul3A_320 = vector.broadcast %slice3A_319 : vector<1x512xbf16> to vector<64x512xbf16>
    %mul3A_321 = arith.mulf %transpose3A_223, %mul3A_320 : vector<64x512xbf16>
    %add3A_322 = arith.addf %add3A_318, %mul3A_321 : vector<64x512xbf16>
    %slice3A_323 = vector.extract_strided_slice %scan3A_240 {offsets = [21, 0], sizes = [1, 512], strides = [1, 1]} : vector<25x512xbf16> to vector<1x512xbf16>
    %mul3A_324 = vector.broadcast %slice3A_323 : vector<1x512xbf16> to vector<64x512xbf16>
    %mul3A_325 = arith.mulf %transpose3A_226, %mul3A_324 : vector<64x512xbf16>
    %add3A_326 = arith.addf %add3A_322, %mul3A_325 : vector<64x512xbf16>
    %slice3A_327 = vector.extract_strided_slice %scan3A_240 {offsets = [22, 0], sizes = [1, 512], strides = [1, 1]} : vector<25x512xbf16> to vector<1x512xbf16>
    %mul3A_328 = vector.broadcast %slice3A_327 : vector<1x512xbf16> to vector<64x512xbf16>
    %mul3A_329 = arith.mulf %transpose3A_229, %mul3A_328 : vector<64x512xbf16>
    %add3A_330 = arith.addf %add3A_326, %mul3A_329 : vector<64x512xbf16>
    %slice3A_331 = vector.extract_strided_slice %scan3A_240 {offsets = [23, 0], sizes = [1, 512], strides = [1, 1]} : vector<25x512xbf16> to vector<1x512xbf16>
    %mul3A_332 = vector.broadcast %slice3A_331 : vector<1x512xbf16> to vector<64x512xbf16>
    %mul3A_333 = arith.mulf %transpose3A_232, %mul3A_332 : vector<64x512xbf16>
    %add3A_334 = arith.addf %add3A_330, %mul3A_333 : vector<64x512xbf16>
    %slice3A_335 = vector.extract_strided_slice %scan3A_240 {offsets = [24, 0], sizes = [1, 512], strides = [1, 1]} : vector<25x512xbf16> to vector<1x512xbf16>
    %mul3A_336 = vector.broadcast %slice3A_335 : vector<1x512xbf16> to vector<64x512xbf16>
    %mul3A_337 = arith.mulf %transpose3A_235, %mul3A_336 : vector<64x512xbf16>
    %add3A_338 = arith.addf %add3A_334, %mul3A_337 : vector<64x512xbf16>
    %convert_element_type3A_339 = arith.extf %add3A_338 : vector<64x512xbf16> to vector<64x512xf32>
    %abs3A = math.absf %convert_element_type3A_339 : vector<64x512xf32>
    %reduce_max3A = arith.constant dense<0xFF800000> : vector<512xf32>
    %reduce_max3A_340 = vector.multi_reduction <maximumf>, %abs3A, %reduce_max3A [0] : vector<64x512xf32> to vector<512xf32>
    %broadcast_in_dim3A_341 = vector.shape_cast %reduce_max3A_340 : vector<512xf32> to vector<1x512xf32>
    %add3A_342 = arith.constant 1.000000e-30 : f32
    %add3A_343 = vector.broadcast %add3A_342 : f32 to vector<1x512xf32>
    %add3A_344 = arith.addf %broadcast_in_dim3A_341, %add3A_343 : vector<1x512xf32>
    %div3A = arith.constant 1.000000e+00 : f32
    %div3A_345 = vector.broadcast %div3A : f32 to vector<1x512xf32>
    %div3A_346 = arith.divf %div3A_345, %add3A_344 : vector<1x512xf32>
    %mul3A_347 = vector.broadcast %div3A_346 : vector<1x512xf32> to vector<64x512xf32>
    %mul3A_348 = arith.mulf %convert_element_type3A_339, %mul3A_347 : vector<64x512xf32>
    %get3A_349 = arith.constant 0 : index
    %get3A_350 = arith.constant 0 : index
    %get3A_351 = arith.constant 0 : index
    %get3A_352 = vector.load %arg2[%get3A_349, %get3A_350, %get3A_351] : memref<25x512x64xf32, #tpu.memory_space<vmem>>, vector<1x512x64xf32>
    %get3A_353 = vector.shape_cast %get3A_352 : vector<1x512x64xf32> to vector<512x64xf32>
    %get3A_354 = arith.constant 1 : index
    %get3A_355 = arith.constant 0 : index
    %get3A_356 = arith.constant 0 : index
    %get3A_357 = vector.load %arg2[%get3A_354, %get3A_355, %get3A_356] : memref<25x512x64xf32, #tpu.memory_space<vmem>>, vector<1x512x64xf32>
    %get3A_358 = vector.shape_cast %get3A_357 : vector<1x512x64xf32> to vector<512x64xf32>
    %get3A_359 = arith.constant 2 : index
    %get3A_360 = arith.constant 0 : index
    %get3A_361 = arith.constant 0 : index
    %get3A_362 = vector.load %arg2[%get3A_359, %get3A_360, %get3A_361] : memref<25x512x64xf32, #tpu.memory_space<vmem>>, vector<1x512x64xf32>
    %get3A_363 = vector.shape_cast %get3A_362 : vector<1x512x64xf32> to vector<512x64xf32>
    %get3A_364 = arith.constant 3 : index
    %get3A_365 = arith.constant 0 : index
    %get3A_366 = arith.constant 0 : index
    %get3A_367 = vector.load %arg2[%get3A_364, %get3A_365, %get3A_366] : memref<25x512x64xf32, #tpu.memory_space<vmem>>, vector<1x512x64xf32>
    %get3A_368 = vector.shape_cast %get3A_367 : vector<1x512x64xf32> to vector<512x64xf32>
    %get3A_369 = arith.constant 4 : index
    %get3A_370 = arith.constant 0 : index
    %get3A_371 = arith.constant 0 : index
    %get3A_372 = vector.load %arg2[%get3A_369, %get3A_370, %get3A_371] : memref<25x512x64xf32, #tpu.memory_space<vmem>>, vector<1x512x64xf32>
    %get3A_373 = vector.shape_cast %get3A_372 : vector<1x512x64xf32> to vector<512x64xf32>
    %get3A_374 = arith.constant 5 : index
    %get3A_375 = arith.constant 0 : index
    %get3A_376 = arith.constant 0 : index
    %get3A_377 = vector.load %arg2[%get3A_374, %get3A_375, %get3A_376] : memref<25x512x64xf32, #tpu.memory_space<vmem>>, vector<1x512x64xf32>
    %get3A_378 = vector.shape_cast %get3A_377 : vector<1x512x64xf32> to vector<512x64xf32>
    %get3A_379 = arith.constant 6 : index
    %get3A_380 = arith.constant 0 : index
    %get3A_381 = arith.constant 0 : index
    %get3A_382 = vector.load %arg2[%get3A_379, %get3A_380, %get3A_381] : memref<25x512x64xf32, #tpu.memory_space<vmem>>, vector<1x512x64xf32>
    %get3A_383 = vector.shape_cast %get3A_382 : vector<1x512x64xf32> to vector<512x64xf32>
    %get3A_384 = arith.constant 7 : index
    %get3A_385 = arith.constant 0 : index
    %get3A_386 = arith.constant 0 : index
    %get3A_387 = vector.load %arg2[%get3A_384, %get3A_385, %get3A_386] : memref<25x512x64xf32, #tpu.memory_space<vmem>>, vector<1x512x64xf32>
    %get3A_388 = vector.shape_cast %get3A_387 : vector<1x512x64xf32> to vector<512x64xf32>
    %get3A_389 = arith.constant 8 : index
    %get3A_390 = arith.constant 0 : index
    %get3A_391 = arith.constant 0 : index
    %get3A_392 = vector.load %arg2[%get3A_389, %get3A_390, %get3A_391] : memref<25x512x64xf32, #tpu.memory_space<vmem>>, vector<1x512x64xf32>
    %get3A_393 = vector.shape_cast %get3A_392 : vector<1x512x64xf32> to vector<512x64xf32>
    %get3A_394 = arith.constant 9 : index
    %get3A_395 = arith.constant 0 : index
    %get3A_396 = arith.constant 0 : index
    %get3A_397 = vector.load %arg2[%get3A_394, %get3A_395, %get3A_396] : memref<25x512x64xf32, #tpu.memory_space<vmem>>, vector<1x512x64xf32>
    %get3A_398 = vector.shape_cast %get3A_397 : vector<1x512x64xf32> to vector<512x64xf32>
    %get3A_399 = arith.constant 10 : index
    %get3A_400 = arith.constant 0 : index
    %get3A_401 = arith.constant 0 : index
    %get3A_402 = vector.load %arg2[%get3A_399, %get3A_400, %get3A_401] : memref<25x512x64xf32, #tpu.memory_space<vmem>>, vector<1x512x64xf32>
    %get3A_403 = vector.shape_cast %get3A_402 : vector<1x512x64xf32> to vector<512x64xf32>
    %get3A_404 = arith.constant 11 : index
    %get3A_405 = arith.constant 0 : index
    %get3A_406 = arith.constant 0 : index
    %get3A_407 = vector.load %arg2[%get3A_404, %get3A_405, %get3A_406] : memref<25x512x64xf32, #tpu.memory_space<vmem>>, vector<1x512x64xf32>
    %get3A_408 = vector.shape_cast %get3A_407 : vector<1x512x64xf32> to vector<512x64xf32>
    %get3A_409 = arith.constant 12 : index
    %get3A_410 = arith.constant 0 : index
    %get3A_411 = arith.constant 0 : index
    %get3A_412 = vector.load %arg2[%get3A_409, %get3A_410, %get3A_411] : memref<25x512x64xf32, #tpu.memory_space<vmem>>, vector<1x512x64xf32>
    %get3A_413 = vector.shape_cast %get3A_412 : vector<1x512x64xf32> to vector<512x64xf32>
    %get3A_414 = arith.constant 13 : index
    %get3A_415 = arith.constant 0 : index
    %get3A_416 = arith.constant 0 : index
    %get3A_417 = vector.load %arg2[%get3A_414, %get3A_415, %get3A_416] : memref<25x512x64xf32, #tpu.memory_space<vmem>>, vector<1x512x64xf32>
    %get3A_418 = vector.shape_cast %get3A_417 : vector<1x512x64xf32> to vector<512x64xf32>
    %get3A_419 = arith.constant 14 : index
    %get3A_420 = arith.constant 0 : index
    %get3A_421 = arith.constant 0 : index
    %get3A_422 = vector.load %arg2[%get3A_419, %get3A_420, %get3A_421] : memref<25x512x64xf32, #tpu.memory_space<vmem>>, vector<1x512x64xf32>
    %get3A_423 = vector.shape_cast %get3A_422 : vector<1x512x64xf32> to vector<512x64xf32>
    %get3A_424 = arith.constant 15 : index
    %get3A_425 = arith.constant 0 : index
    %get3A_426 = arith.constant 0 : index
    %get3A_427 = vector.load %arg2[%get3A_424, %get3A_425, %get3A_426] : memref<25x512x64xf32, #tpu.memory_space<vmem>>, vector<1x512x64xf32>
    %get3A_428 = vector.shape_cast %get3A_427 : vector<1x512x64xf32> to vector<512x64xf32>
    %get3A_429 = arith.constant 16 : index
    %get3A_430 = arith.constant 0 : index
    %get3A_431 = arith.constant 0 : index
    %get3A_432 = vector.load %arg2[%get3A_429, %get3A_430, %get3A_431] : memref<25x512x64xf32, #tpu.memory_space<vmem>>, vector<1x512x64xf32>
    %get3A_433 = vector.shape_cast %get3A_432 : vector<1x512x64xf32> to vector<512x64xf32>
    %get3A_434 = arith.constant 17 : index
    %get3A_435 = arith.constant 0 : index
    %get3A_436 = arith.constant 0 : index
    %get3A_437 = vector.load %arg2[%get3A_434, %get3A_435, %get3A_436] : memref<25x512x64xf32, #tpu.memory_space<vmem>>, vector<1x512x64xf32>
    %get3A_438 = vector.shape_cast %get3A_437 : vector<1x512x64xf32> to vector<512x64xf32>
    %get3A_439 = arith.constant 18 : index
    %get3A_440 = arith.constant 0 : index
    %get3A_441 = arith.constant 0 : index
    %get3A_442 = vector.load %arg2[%get3A_439, %get3A_440, %get3A_441] : memref<25x512x64xf32, #tpu.memory_space<vmem>>, vector<1x512x64xf32>
    %get3A_443 = vector.shape_cast %get3A_442 : vector<1x512x64xf32> to vector<512x64xf32>
    %get3A_444 = arith.constant 19 : index
    %get3A_445 = arith.constant 0 : index
    %get3A_446 = arith.constant 0 : index
    %get3A_447 = vector.load %arg2[%get3A_444, %get3A_445, %get3A_446] : memref<25x512x64xf32, #tpu.memory_space<vmem>>, vector<1x512x64xf32>
    %get3A_448 = vector.shape_cast %get3A_447 : vector<1x512x64xf32> to vector<512x64xf32>
    %get3A_449 = arith.constant 20 : index
    %get3A_450 = arith.constant 0 : index
    %get3A_451 = arith.constant 0 : index
    %get3A_452 = vector.load %arg2[%get3A_449, %get3A_450, %get3A_451] : memref<25x512x64xf32, #tpu.memory_space<vmem>>, vector<1x512x64xf32>
    %get3A_453 = vector.shape_cast %get3A_452 : vector<1x512x64xf32> to vector<512x64xf32>
    %get3A_454 = arith.constant 21 : index
    %get3A_455 = arith.constant 0 : index
    %get3A_456 = arith.constant 0 : index
    %get3A_457 = vector.load %arg2[%get3A_454, %get3A_455, %get3A_456] : memref<25x512x64xf32, #tpu.memory_space<vmem>>, vector<1x512x64xf32>
    %get3A_458 = vector.shape_cast %get3A_457 : vector<1x512x64xf32> to vector<512x64xf32>
    %get3A_459 = arith.constant 22 : index
    %get3A_460 = arith.constant 0 : index
    %get3A_461 = arith.constant 0 : index
    %get3A_462 = vector.load %arg2[%get3A_459, %get3A_460, %get3A_461] : memref<25x512x64xf32, #tpu.memory_space<vmem>>, vector<1x512x64xf32>
    %get3A_463 = vector.shape_cast %get3A_462 : vector<1x512x64xf32> to vector<512x64xf32>
    %get3A_464 = arith.constant 23 : index
    %get3A_465 = arith.constant 0 : index
    %get3A_466 = arith.constant 0 : index
    %get3A_467 = vector.load %arg2[%get3A_464, %get3A_465, %get3A_466] : memref<25x512x64xf32, #tpu.memory_space<vmem>>, vector<1x512x64xf32>
    %get3A_468 = vector.shape_cast %get3A_467 : vector<1x512x64xf32> to vector<512x64xf32>
    %get3A_469 = arith.constant 24 : index
    %get3A_470 = arith.constant 0 : index
    %get3A_471 = arith.constant 0 : index
    %get3A_472 = vector.load %arg2[%get3A_469, %get3A_470, %get3A_471] : memref<25x512x64xf32, #tpu.memory_space<vmem>>, vector<1x512x64xf32>
    %get3A_473 = vector.shape_cast %get3A_472 : vector<1x512x64xf32> to vector<512x64xf32>
    %add3A_474 = arith.addf %get3A_353, %get3A_358 : vector<512x64xf32>
    %add3A_475 = arith.addf %add3A_474, %get3A_363 : vector<512x64xf32>
    %add3A_476 = arith.addf %add3A_475, %get3A_368 : vector<512x64xf32>
    %add3A_477 = arith.addf %add3A_476, %get3A_373 : vector<512x64xf32>
    %add3A_478 = arith.addf %add3A_477, %get3A_378 : vector<512x64xf32>
    %add3A_479 = arith.addf %add3A_478, %get3A_383 : vector<512x64xf32>
    %add3A_480 = arith.addf %add3A_479, %get3A_388 : vector<512x64xf32>
    %add3A_481 = arith.addf %add3A_480, %get3A_393 : vector<512x64xf32>
    %add3A_482 = arith.addf %add3A_481, %get3A_398 : vector<512x64xf32>
    %add3A_483 = arith.addf %add3A_482, %get3A_403 : vector<512x64xf32>
    %add3A_484 = arith.addf %add3A_483, %get3A_408 : vector<512x64xf32>
    %add3A_485 = arith.addf %add3A_484, %get3A_413 : vector<512x64xf32>
    %add3A_486 = arith.addf %add3A_485, %get3A_418 : vector<512x64xf32>
    %add3A_487 = arith.addf %add3A_486, %get3A_423 : vector<512x64xf32>
    %add3A_488 = arith.addf %add3A_487, %get3A_428 : vector<512x64xf32>
    %add3A_489 = arith.addf %add3A_488, %get3A_433 : vector<512x64xf32>
    %add3A_490 = arith.addf %add3A_489, %get3A_438 : vector<512x64xf32>
    %add3A_491 = arith.addf %add3A_490, %get3A_443 : vector<512x64xf32>
    %add3A_492 = arith.addf %add3A_491, %get3A_448 : vector<512x64xf32>
    %add3A_493 = arith.addf %add3A_492, %get3A_453 : vector<512x64xf32>
    %add3A_494 = arith.addf %add3A_493, %get3A_458 : vector<512x64xf32>
    %add3A_495 = arith.addf %add3A_494, %get3A_463 : vector<512x64xf32>
    %add3A_496 = arith.addf %add3A_495, %get3A_468 : vector<512x64xf32>
    %add3A_497 = arith.addf %add3A_496, %get3A_473 : vector<512x64xf32>
    %mul3A_498 = arith.constant 4.000000e-02 : f32
    %mul3A_499 = vector.broadcast %mul3A_498 : f32 to vector<512x64xf32>
    %mul3A_500 = arith.mulf %add3A_497, %mul3A_499 : vector<512x64xf32>
    %sub3A_501 = arith.subf %get3A_353, %mul3A_500 : vector<512x64xf32>
    %convert_element_type3A_502 = arith.truncf %sub3A_501 : vector<512x64xf32> to vector<512x64xbf16>
    %transpose3A_503 = tpu.transpose %convert_element_type3A_502, [1, 0] : vector<512x64xbf16> -> vector<64x512xbf16>
    %sub3A_504 = arith.subf %get3A_358, %mul3A_500 : vector<512x64xf32>
    %convert_element_type3A_505 = arith.truncf %sub3A_504 : vector<512x64xf32> to vector<512x64xbf16>
    %transpose3A_506 = tpu.transpose %convert_element_type3A_505, [1, 0] : vector<512x64xbf16> -> vector<64x512xbf16>
    %sub3A_507 = arith.subf %get3A_363, %mul3A_500 : vector<512x64xf32>
    %convert_element_type3A_508 = arith.truncf %sub3A_507 : vector<512x64xf32> to vector<512x64xbf16>
    %transpose3A_509 = tpu.transpose %convert_element_type3A_508, [1, 0] : vector<512x64xbf16> -> vector<64x512xbf16>
    %sub3A_510 = arith.subf %get3A_368, %mul3A_500 : vector<512x64xf32>
    %convert_element_type3A_511 = arith.truncf %sub3A_510 : vector<512x64xf32> to vector<512x64xbf16>
    %transpose3A_512 = tpu.transpose %convert_element_type3A_511, [1, 0] : vector<512x64xbf16> -> vector<64x512xbf16>
    %sub3A_513 = arith.subf %get3A_373, %mul3A_500 : vector<512x64xf32>
    %convert_element_type3A_514 = arith.truncf %sub3A_513 : vector<512x64xf32> to vector<512x64xbf16>
    %transpose3A_515 = tpu.transpose %convert_element_type3A_514, [1, 0] : vector<512x64xbf16> -> vector<64x512xbf16>
    %sub3A_516 = arith.subf %get3A_378, %mul3A_500 : vector<512x64xf32>
    %convert_element_type3A_517 = arith.truncf %sub3A_516 : vector<512x64xf32> to vector<512x64xbf16>
    %transpose3A_518 = tpu.transpose %convert_element_type3A_517, [1, 0] : vector<512x64xbf16> -> vector<64x512xbf16>
    %sub3A_519 = arith.subf %get3A_383, %mul3A_500 : vector<512x64xf32>
    %convert_element_type3A_520 = arith.truncf %sub3A_519 : vector<512x64xf32> to vector<512x64xbf16>
    %transpose3A_521 = tpu.transpose %convert_element_type3A_520, [1, 0] : vector<512x64xbf16> -> vector<64x512xbf16>
    %sub3A_522 = arith.subf %get3A_388, %mul3A_500 : vector<512x64xf32>
    %convert_element_type3A_523 = arith.truncf %sub3A_522 : vector<512x64xf32> to vector<512x64xbf16>
    %transpose3A_524 = tpu.transpose %convert_element_type3A_523, [1, 0] : vector<512x64xbf16> -> vector<64x512xbf16>
    %sub3A_525 = arith.subf %get3A_393, %mul3A_500 : vector<512x64xf32>
    %convert_element_type3A_526 = arith.truncf %sub3A_525 : vector<512x64xf32> to vector<512x64xbf16>
    %transpose3A_527 = tpu.transpose %convert_element_type3A_526, [1, 0] : vector<512x64xbf16> -> vector<64x512xbf16>
    %sub3A_528 = arith.subf %get3A_398, %mul3A_500 : vector<512x64xf32>
    %convert_element_type3A_529 = arith.truncf %sub3A_528 : vector<512x64xf32> to vector<512x64xbf16>
    %transpose3A_530 = tpu.transpose %convert_element_type3A_529, [1, 0] : vector<512x64xbf16> -> vector<64x512xbf16>
    %sub3A_531 = arith.subf %get3A_403, %mul3A_500 : vector<512x64xf32>
    %convert_element_type3A_532 = arith.truncf %sub3A_531 : vector<512x64xf32> to vector<512x64xbf16>
    %transpose3A_533 = tpu.transpose %convert_element_type3A_532, [1, 0] : vector<512x64xbf16> -> vector<64x512xbf16>
    %sub3A_534 = arith.subf %get3A_408, %mul3A_500 : vector<512x64xf32>
    %convert_element_type3A_535 = arith.truncf %sub3A_534 : vector<512x64xf32> to vector<512x64xbf16>
    %transpose3A_536 = tpu.transpose %convert_element_type3A_535, [1, 0] : vector<512x64xbf16> -> vector<64x512xbf16>
    %sub3A_537 = arith.subf %get3A_413, %mul3A_500 : vector<512x64xf32>
    %convert_element_type3A_538 = arith.truncf %sub3A_537 : vector<512x64xf32> to vector<512x64xbf16>
    %transpose3A_539 = tpu.transpose %convert_element_type3A_538, [1, 0] : vector<512x64xbf16> -> vector<64x512xbf16>
    %sub3A_540 = arith.subf %get3A_418, %mul3A_500 : vector<512x64xf32>
    %convert_element_type3A_541 = arith.truncf %sub3A_540 : vector<512x64xf32> to vector<512x64xbf16>
    %transpose3A_542 = tpu.transpose %convert_element_type3A_541, [1, 0] : vector<512x64xbf16> -> vector<64x512xbf16>
    %sub3A_543 = arith.subf %get3A_423, %mul3A_500 : vector<512x64xf32>
    %convert_element_type3A_544 = arith.truncf %sub3A_543 : vector<512x64xf32> to vector<512x64xbf16>
    %transpose3A_545 = tpu.transpose %convert_element_type3A_544, [1, 0] : vector<512x64xbf16> -> vector<64x512xbf16>
    %sub3A_546 = arith.subf %get3A_428, %mul3A_500 : vector<512x64xf32>
    %convert_element_type3A_547 = arith.truncf %sub3A_546 : vector<512x64xf32> to vector<512x64xbf16>
    %transpose3A_548 = tpu.transpose %convert_element_type3A_547, [1, 0] : vector<512x64xbf16> -> vector<64x512xbf16>
    %sub3A_549 = arith.subf %get3A_433, %mul3A_500 : vector<512x64xf32>
    %convert_element_type3A_550 = arith.truncf %sub3A_549 : vector<512x64xf32> to vector<512x64xbf16>
    %transpose3A_551 = tpu.transpose %convert_element_type3A_550, [1, 0] : vector<512x64xbf16> -> vector<64x512xbf16>
    %sub3A_552 = arith.subf %get3A_438, %mul3A_500 : vector<512x64xf32>
    %convert_element_type3A_553 = arith.truncf %sub3A_552 : vector<512x64xf32> to vector<512x64xbf16>
    %transpose3A_554 = tpu.transpose %convert_element_type3A_553, [1, 0] : vector<512x64xbf16> -> vector<64x512xbf16>
    %sub3A_555 = arith.subf %get3A_443, %mul3A_500 : vector<512x64xf32>
    %convert_element_type3A_556 = arith.truncf %sub3A_555 : vector<512x64xf32> to vector<512x64xbf16>
    %transpose3A_557 = tpu.transpose %convert_element_type3A_556, [1, 0] : vector<512x64xbf16> -> vector<64x512xbf16>
    %sub3A_558 = arith.subf %get3A_448, %mul3A_500 : vector<512x64xf32>
    %convert_element_type3A_559 = arith.truncf %sub3A_558 : vector<512x64xf32> to vector<512x64xbf16>
    %transpose3A_560 = tpu.transpose %convert_element_type3A_559, [1, 0] : vector<512x64xbf16> -> vector<64x512xbf16>
    %sub3A_561 = arith.subf %get3A_453, %mul3A_500 : vector<512x64xf32>
    %convert_element_type3A_562 = arith.truncf %sub3A_561 : vector<512x64xf32> to vector<512x64xbf16>
    %transpose3A_563 = tpu.transpose %convert_element_type3A_562, [1, 0] : vector<512x64xbf16> -> vector<64x512xbf16>
    %sub3A_564 = arith.subf %get3A_458, %mul3A_500 : vector<512x64xf32>
    %convert_element_type3A_565 = arith.truncf %sub3A_564 : vector<512x64xf32> to vector<512x64xbf16>
    %transpose3A_566 = tpu.transpose %convert_element_type3A_565, [1, 0] : vector<512x64xbf16> -> vector<64x512xbf16>
    %sub3A_567 = arith.subf %get3A_463, %mul3A_500 : vector<512x64xf32>
    %convert_element_type3A_568 = arith.truncf %sub3A_567 : vector<512x64xf32> to vector<512x64xbf16>
    %transpose3A_569 = tpu.transpose %convert_element_type3A_568, [1, 0] : vector<512x64xbf16> -> vector<64x512xbf16>
    %sub3A_570 = arith.subf %get3A_468, %mul3A_500 : vector<512x64xf32>
    %convert_element_type3A_571 = arith.truncf %sub3A_570 : vector<512x64xf32> to vector<512x64xbf16>
    %transpose3A_572 = tpu.transpose %convert_element_type3A_571, [1, 0] : vector<512x64xbf16> -> vector<64x512xbf16>
    %sub3A_573 = arith.subf %get3A_473, %mul3A_500 : vector<512x64xf32>
    %convert_element_type3A_574 = arith.truncf %sub3A_573 : vector<512x64xf32> to vector<512x64xbf16>
    %transpose3A_575 = tpu.transpose %convert_element_type3A_574, [1, 0] : vector<512x64xbf16> -> vector<64x512xbf16>
    %broadcast_in_dim3A_576 = arith.constant 1.000000e+00 : bf16
    %broadcast_in_dim3A_577 = vector.broadcast %broadcast_in_dim3A_576 : bf16 to vector<25x512xbf16>
    %scan3A_578 = arith.constant 0 : i32
    %scan3A_579 = arith.constant 8 : i32
    %scan3A_580 = arith.addi %scan3A_578, %scan3A_579 : i32
    %scan3A_581 = arith.constant 1 : i32
    %scan3A_582 = scf.for %scan3A_733 = %scan3A_578 to %scan3A_580 step %scan3A_581 iter_args(%scan3A_734 = %broadcast_in_dim3A_577) -> (vector<25x512xbf16>)  : i32 {
      %slice3A_735 = vector.extract_strided_slice %scan3A_734 {offsets = [0, 0], sizes = [1, 512], strides = [1, 1]} : vector<25x512xbf16> to vector<1x512xbf16>
      %mul3A_736 = vector.broadcast %slice3A_735 : vector<1x512xbf16> to vector<64x512xbf16>
      %mul3A_737 = arith.mulf %transpose3A_503, %mul3A_736 : vector<64x512xbf16>
      %slice3A_738 = vector.extract_strided_slice %scan3A_734 {offsets = [1, 0], sizes = [1, 512], strides = [1, 1]} : vector<25x512xbf16> to vector<1x512xbf16>
      %mul3A_739 = vector.broadcast %slice3A_738 : vector<1x512xbf16> to vector<64x512xbf16>
      %mul3A_740 = arith.mulf %transpose3A_506, %mul3A_739 : vector<64x512xbf16>
      %add3A_741 = arith.addf %mul3A_737, %mul3A_740 : vector<64x512xbf16>
      %slice3A_742 = vector.extract_strided_slice %scan3A_734 {offsets = [2, 0], sizes = [1, 512], strides = [1, 1]} : vector<25x512xbf16> to vector<1x512xbf16>
      %mul3A_743 = vector.broadcast %slice3A_742 : vector<1x512xbf16> to vector<64x512xbf16>
      %mul3A_744 = arith.mulf %transpose3A_509, %mul3A_743 : vector<64x512xbf16>
      %add3A_745 = arith.addf %add3A_741, %mul3A_744 : vector<64x512xbf16>
      %slice3A_746 = vector.extract_strided_slice %scan3A_734 {offsets = [3, 0], sizes = [1, 512], strides = [1, 1]} : vector<25x512xbf16> to vector<1x512xbf16>
      %mul3A_747 = vector.broadcast %slice3A_746 : vector<1x512xbf16> to vector<64x512xbf16>
      %mul3A_748 = arith.mulf %transpose3A_512, %mul3A_747 : vector<64x512xbf16>
      %add3A_749 = arith.addf %add3A_745, %mul3A_748 : vector<64x512xbf16>
      %slice3A_750 = vector.extract_strided_slice %scan3A_734 {offsets = [4, 0], sizes = [1, 512], strides = [1, 1]} : vector<25x512xbf16> to vector<1x512xbf16>
      %mul3A_751 = vector.broadcast %slice3A_750 : vector<1x512xbf16> to vector<64x512xbf16>
      %mul3A_752 = arith.mulf %transpose3A_515, %mul3A_751 : vector<64x512xbf16>
      %add3A_753 = arith.addf %add3A_749, %mul3A_752 : vector<64x512xbf16>
      %slice3A_754 = vector.extract_strided_slice %scan3A_734 {offsets = [5, 0], sizes = [1, 512], strides = [1, 1]} : vector<25x512xbf16> to vector<1x512xbf16>
      %mul3A_755 = vector.broadcast %slice3A_754 : vector<1x512xbf16> to vector<64x512xbf16>
      %mul3A_756 = arith.mulf %transpose3A_518, %mul3A_755 : vector<64x512xbf16>
      %add3A_757 = arith.addf %add3A_753, %mul3A_756 : vector<64x512xbf16>
      %slice3A_758 = vector.extract_strided_slice %scan3A_734 {offsets = [6, 0], sizes = [1, 512], strides = [1, 1]} : vector<25x512xbf16> to vector<1x512xbf16>
      %mul3A_759 = vector.broadcast %slice3A_758 : vector<1x512xbf16> to vector<64x512xbf16>
      %mul3A_760 = arith.mulf %transpose3A_521, %mul3A_759 : vector<64x512xbf16>
      %add3A_761 = arith.addf %add3A_757, %mul3A_760 : vector<64x512xbf16>
      %slice3A_762 = vector.extract_strided_slice %scan3A_734 {offsets = [7, 0], sizes = [1, 512], strides = [1, 1]} : vector<25x512xbf16> to vector<1x512xbf16>
      %mul3A_763 = vector.broadcast %slice3A_762 : vector<1x512xbf16> to vector<64x512xbf16>
      %mul3A_764 = arith.mulf %transpose3A_524, %mul3A_763 : vector<64x512xbf16>
      %add3A_765 = arith.addf %add3A_761, %mul3A_764 : vector<64x512xbf16>
      %slice3A_766 = vector.extract_strided_slice %scan3A_734 {offsets = [8, 0], sizes = [1, 512], strides = [1, 1]} : vector<25x512xbf16> to vector<1x512xbf16>
      %mul3A_767 = vector.broadcast %slice3A_766 : vector<1x512xbf16> to vector<64x512xbf16>
      %mul3A_768 = arith.mulf %transpose3A_527, %mul3A_767 : vector<64x512xbf16>
      %add3A_769 = arith.addf %add3A_765, %mul3A_768 : vector<64x512xbf16>
      %slice3A_770 = vector.extract_strided_slice %scan3A_734 {offsets = [9, 0], sizes = [1, 512], strides = [1, 1]} : vector<25x512xbf16> to vector<1x512xbf16>
      %mul3A_771 = vector.broadcast %slice3A_770 : vector<1x512xbf16> to vector<64x512xbf16>
      %mul3A_772 = arith.mulf %transpose3A_530, %mul3A_771 : vector<64x512xbf16>
      %add3A_773 = arith.addf %add3A_769, %mul3A_772 : vector<64x512xbf16>
      %slice3A_774 = vector.extract_strided_slice %scan3A_734 {offsets = [10, 0], sizes = [1, 512], strides = [1, 1]} : vector<25x512xbf16> to vector<1x512xbf16>
      %mul3A_775 = vector.broadcast %slice3A_774 : vector<1x512xbf16> to vector<64x512xbf16>
      %mul3A_776 = arith.mulf %transpose3A_533, %mul3A_775 : vector<64x512xbf16>
      %add3A_777 = arith.addf %add3A_773, %mul3A_776 : vector<64x512xbf16>
      %slice3A_778 = vector.extract_strided_slice %scan3A_734 {offsets = [11, 0], sizes = [1, 512], strides = [1, 1]} : vector<25x512xbf16> to vector<1x512xbf16>
      %mul3A_779 = vector.broadcast %slice3A_778 : vector<1x512xbf16> to vector<64x512xbf16>
      %mul3A_780 = arith.mulf %transpose3A_536, %mul3A_779 : vector<64x512xbf16>
      %add3A_781 = arith.addf %add3A_777, %mul3A_780 : vector<64x512xbf16>
      %slice3A_782 = vector.extract_strided_slice %scan3A_734 {offsets = [12, 0], sizes = [1, 512], strides = [1, 1]} : vector<25x512xbf16> to vector<1x512xbf16>
      %mul3A_783 = vector.broadcast %slice3A_782 : vector<1x512xbf16> to vector<64x512xbf16>
      %mul3A_784 = arith.mulf %transpose3A_539, %mul3A_783 : vector<64x512xbf16>
      %add3A_785 = arith.addf %add3A_781, %mul3A_784 : vector<64x512xbf16>
      %slice3A_786 = vector.extract_strided_slice %scan3A_734 {offsets = [13, 0], sizes = [1, 512], strides = [1, 1]} : vector<25x512xbf16> to vector<1x512xbf16>
      %mul3A_787 = vector.broadcast %slice3A_786 : vector<1x512xbf16> to vector<64x512xbf16>
      %mul3A_788 = arith.mulf %transpose3A_542, %mul3A_787 : vector<64x512xbf16>
      %add3A_789 = arith.addf %add3A_785, %mul3A_788 : vector<64x512xbf16>
      %slice3A_790 = vector.extract_strided_slice %scan3A_734 {offsets = [14, 0], sizes = [1, 512], strides = [1, 1]} : vector<25x512xbf16> to vector<1x512xbf16>
      %mul3A_791 = vector.broadcast %slice3A_790 : vector<1x512xbf16> to vector<64x512xbf16>
      %mul3A_792 = arith.mulf %transpose3A_545, %mul3A_791 : vector<64x512xbf16>
      %add3A_793 = arith.addf %add3A_789, %mul3A_792 : vector<64x512xbf16>
      %slice3A_794 = vector.extract_strided_slice %scan3A_734 {offsets = [15, 0], sizes = [1, 512], strides = [1, 1]} : vector<25x512xbf16> to vector<1x512xbf16>
      %mul3A_795 = vector.broadcast %slice3A_794 : vector<1x512xbf16> to vector<64x512xbf16>
      %mul3A_796 = arith.mulf %transpose3A_548, %mul3A_795 : vector<64x512xbf16>
      %add3A_797 = arith.addf %add3A_793, %mul3A_796 : vector<64x512xbf16>
      %slice3A_798 = vector.extract_strided_slice %scan3A_734 {offsets = [16, 0], sizes = [1, 512], strides = [1, 1]} : vector<25x512xbf16> to vector<1x512xbf16>
      %mul3A_799 = vector.broadcast %slice3A_798 : vector<1x512xbf16> to vector<64x512xbf16>
      %mul3A_800 = arith.mulf %transpose3A_551, %mul3A_799 : vector<64x512xbf16>
      %add3A_801 = arith.addf %add3A_797, %mul3A_800 : vector<64x512xbf16>
      %slice3A_802 = vector.extract_strided_slice %scan3A_734 {offsets = [17, 0], sizes = [1, 512], strides = [1, 1]} : vector<25x512xbf16> to vector<1x512xbf16>
      %mul3A_803 = vector.broadcast %slice3A_802 : vector<1x512xbf16> to vector<64x512xbf16>
      %mul3A_804 = arith.mulf %transpose3A_554, %mul3A_803 : vector<64x512xbf16>
      %add3A_805 = arith.addf %add3A_801, %mul3A_804 : vector<64x512xbf16>
      %slice3A_806 = vector.extract_strided_slice %scan3A_734 {offsets = [18, 0], sizes = [1, 512], strides = [1, 1]} : vector<25x512xbf16> to vector<1x512xbf16>
      %mul3A_807 = vector.broadcast %slice3A_806 : vector<1x512xbf16> to vector<64x512xbf16>
      %mul3A_808 = arith.mulf %transpose3A_557, %mul3A_807 : vector<64x512xbf16>
      %add3A_809 = arith.addf %add3A_805, %mul3A_808 : vector<64x512xbf16>
      %slice3A_810 = vector.extract_strided_slice %scan3A_734 {offsets = [19, 0], sizes = [1, 512], strides = [1, 1]} : vector<25x512xbf16> to vector<1x512xbf16>
      %mul3A_811 = vector.broadcast %slice3A_810 : vector<1x512xbf16> to vector<64x512xbf16>
      %mul3A_812 = arith.mulf %transpose3A_560, %mul3A_811 : vector<64x512xbf16>
      %add3A_813 = arith.addf %add3A_809, %mul3A_812 : vector<64x512xbf16>
      %slice3A_814 = vector.extract_strided_slice %scan3A_734 {offsets = [20, 0], sizes = [1, 512], strides = [1, 1]} : vector<25x512xbf16> to vector<1x512xbf16>
      %mul3A_815 = vector.broadcast %slice3A_814 : vector<1x512xbf16> to vector<64x512xbf16>
      %mul3A_816 = arith.mulf %transpose3A_563, %mul3A_815 : vector<64x512xbf16>
      %add3A_817 = arith.addf %add3A_813, %mul3A_816 : vector<64x512xbf16>
      %slice3A_818 = vector.extract_strided_slice %scan3A_734 {offsets = [21, 0], sizes = [1, 512], strides = [1, 1]} : vector<25x512xbf16> to vector<1x512xbf16>
      %mul3A_819 = vector.broadcast %slice3A_818 : vector<1x512xbf16> to vector<64x512xbf16>
      %mul3A_820 = arith.mulf %transpose3A_566, %mul3A_819 : vector<64x512xbf16>
      %add3A_821 = arith.addf %add3A_817, %mul3A_820 : vector<64x512xbf16>
      %slice3A_822 = vector.extract_strided_slice %scan3A_734 {offsets = [22, 0], sizes = [1, 512], strides = [1, 1]} : vector<25x512xbf16> to vector<1x512xbf16>
      %mul3A_823 = vector.broadcast %slice3A_822 : vector<1x512xbf16> to vector<64x512xbf16>
      %mul3A_824 = arith.mulf %transpose3A_569, %mul3A_823 : vector<64x512xbf16>
      %add3A_825 = arith.addf %add3A_821, %mul3A_824 : vector<64x512xbf16>
      %slice3A_826 = vector.extract_strided_slice %scan3A_734 {offsets = [23, 0], sizes = [1, 512], strides = [1, 1]} : vector<25x512xbf16> to vector<1x512xbf16>
      %mul3A_827 = vector.broadcast %slice3A_826 : vector<1x512xbf16> to vector<64x512xbf16>
      %mul3A_828 = arith.mulf %transpose3A_572, %mul3A_827 : vector<64x512xbf16>
      %add3A_829 = arith.addf %add3A_825, %mul3A_828 : vector<64x512xbf16>
      %slice3A_830 = vector.extract_strided_slice %scan3A_734 {offsets = [24, 0], sizes = [1, 512], strides = [1, 1]} : vector<25x512xbf16> to vector<1x512xbf16>
      %mul3A_831 = vector.broadcast %slice3A_830 : vector<1x512xbf16> to vector<64x512xbf16>
      %mul3A_832 = arith.mulf %transpose3A_575, %mul3A_831 : vector<64x512xbf16>
      %add3A_833 = arith.addf %add3A_829, %mul3A_832 : vector<64x512xbf16>
      %mul3A_834 = arith.mulf %transpose3A_503, %add3A_833 : vector<64x512xbf16>
      %convert_element_type3A_835 = arith.extf %mul3A_834 : vector<64x512xbf16> to vector<64x512xf32>
      %reduce_sum3A_836 = arith.constant dense<0.000000e+00> : vector<512xf32>
      %reduce_sum3A_837 = vector.multi_reduction <add>, %convert_element_type3A_835, %reduce_sum3A_836 [0] : vector<64x512xf32> to vector<512xf32>
      %broadcast_in_dim3A_838 = vector.shape_cast %reduce_sum3A_837 : vector<512xf32> to vector<1x512xf32>
      %convert_element_type3A_839 = arith.truncf %broadcast_in_dim3A_838 : vector<1x512xf32> to vector<1x512xbf16>
      %mul3A_840 = arith.mulf %transpose3A_506, %add3A_833 : vector<64x512xbf16>
      %convert_element_type3A_841 = arith.extf %mul3A_840 : vector<64x512xbf16> to vector<64x512xf32>
      %reduce_sum3A_842 = arith.constant dense<0.000000e+00> : vector<512xf32>
      %reduce_sum3A_843 = vector.multi_reduction <add>, %convert_element_type3A_841, %reduce_sum3A_842 [0] : vector<64x512xf32> to vector<512xf32>
      %broadcast_in_dim3A_844 = vector.shape_cast %reduce_sum3A_843 : vector<512xf32> to vector<1x512xf32>
      %convert_element_type3A_845 = arith.truncf %broadcast_in_dim3A_844 : vector<1x512xf32> to vector<1x512xbf16>
      %mul3A_846 = arith.mulf %transpose3A_509, %add3A_833 : vector<64x512xbf16>
      %convert_element_type3A_847 = arith.extf %mul3A_846 : vector<64x512xbf16> to vector<64x512xf32>
      %reduce_sum3A_848 = arith.constant dense<0.000000e+00> : vector<512xf32>
      %reduce_sum3A_849 = vector.multi_reduction <add>, %convert_element_type3A_847, %reduce_sum3A_848 [0] : vector<64x512xf32> to vector<512xf32>
      %broadcast_in_dim3A_850 = vector.shape_cast %reduce_sum3A_849 : vector<512xf32> to vector<1x512xf32>
      %convert_element_type3A_851 = arith.truncf %broadcast_in_dim3A_850 : vector<1x512xf32> to vector<1x512xbf16>
      %mul3A_852 = arith.mulf %transpose3A_512, %add3A_833 : vector<64x512xbf16>
      %convert_element_type3A_853 = arith.extf %mul3A_852 : vector<64x512xbf16> to vector<64x512xf32>
      %reduce_sum3A_854 = arith.constant dense<0.000000e+00> : vector<512xf32>
      %reduce_sum3A_855 = vector.multi_reduction <add>, %convert_element_type3A_853, %reduce_sum3A_854 [0] : vector<64x512xf32> to vector<512xf32>
      %broadcast_in_dim3A_856 = vector.shape_cast %reduce_sum3A_855 : vector<512xf32> to vector<1x512xf32>
      %convert_element_type3A_857 = arith.truncf %broadcast_in_dim3A_856 : vector<1x512xf32> to vector<1x512xbf16>
      %mul3A_858 = arith.mulf %transpose3A_515, %add3A_833 : vector<64x512xbf16>
      %convert_element_type3A_859 = arith.extf %mul3A_858 : vector<64x512xbf16> to vector<64x512xf32>
      %reduce_sum3A_860 = arith.constant dense<0.000000e+00> : vector<512xf32>
      %reduce_sum3A_861 = vector.multi_reduction <add>, %convert_element_type3A_859, %reduce_sum3A_860 [0] : vector<64x512xf32> to vector<512xf32>
      %broadcast_in_dim3A_862 = vector.shape_cast %reduce_sum3A_861 : vector<512xf32> to vector<1x512xf32>
      %convert_element_type3A_863 = arith.truncf %broadcast_in_dim3A_862 : vector<1x512xf32> to vector<1x512xbf16>
      %mul3A_864 = arith.mulf %transpose3A_518, %add3A_833 : vector<64x512xbf16>
      %convert_element_type3A_865 = arith.extf %mul3A_864 : vector<64x512xbf16> to vector<64x512xf32>
      %reduce_sum3A_866 = arith.constant dense<0.000000e+00> : vector<512xf32>
      %reduce_sum3A_867 = vector.multi_reduction <add>, %convert_element_type3A_865, %reduce_sum3A_866 [0] : vector<64x512xf32> to vector<512xf32>
      %broadcast_in_dim3A_868 = vector.shape_cast %reduce_sum3A_867 : vector<512xf32> to vector<1x512xf32>
      %convert_element_type3A_869 = arith.truncf %broadcast_in_dim3A_868 : vector<1x512xf32> to vector<1x512xbf16>
      %mul3A_870 = arith.mulf %transpose3A_521, %add3A_833 : vector<64x512xbf16>
      %convert_element_type3A_871 = arith.extf %mul3A_870 : vector<64x512xbf16> to vector<64x512xf32>
      %reduce_sum3A_872 = arith.constant dense<0.000000e+00> : vector<512xf32>
      %reduce_sum3A_873 = vector.multi_reduction <add>, %convert_element_type3A_871, %reduce_sum3A_872 [0] : vector<64x512xf32> to vector<512xf32>
      %broadcast_in_dim3A_874 = vector.shape_cast %reduce_sum3A_873 : vector<512xf32> to vector<1x512xf32>
      %convert_element_type3A_875 = arith.truncf %broadcast_in_dim3A_874 : vector<1x512xf32> to vector<1x512xbf16>
      %mul3A_876 = arith.mulf %transpose3A_524, %add3A_833 : vector<64x512xbf16>
      %convert_element_type3A_877 = arith.extf %mul3A_876 : vector<64x512xbf16> to vector<64x512xf32>
      %reduce_sum3A_878 = arith.constant dense<0.000000e+00> : vector<512xf32>
      %reduce_sum3A_879 = vector.multi_reduction <add>, %convert_element_type3A_877, %reduce_sum3A_878 [0] : vector<64x512xf32> to vector<512xf32>
      %broadcast_in_dim3A_880 = vector.shape_cast %reduce_sum3A_879 : vector<512xf32> to vector<1x512xf32>
      %convert_element_type3A_881 = arith.truncf %broadcast_in_dim3A_880 : vector<1x512xf32> to vector<1x512xbf16>
      %mul3A_882 = arith.mulf %transpose3A_527, %add3A_833 : vector<64x512xbf16>
      %convert_element_type3A_883 = arith.extf %mul3A_882 : vector<64x512xbf16> to vector<64x512xf32>
      %reduce_sum3A_884 = arith.constant dense<0.000000e+00> : vector<512xf32>
      %reduce_sum3A_885 = vector.multi_reduction <add>, %convert_element_type3A_883, %reduce_sum3A_884 [0] : vector<64x512xf32> to vector<512xf32>
      %broadcast_in_dim3A_886 = vector.shape_cast %reduce_sum3A_885 : vector<512xf32> to vector<1x512xf32>
      %convert_element_type3A_887 = arith.truncf %broadcast_in_dim3A_886 : vector<1x512xf32> to vector<1x512xbf16>
      %mul3A_888 = arith.mulf %transpose3A_530, %add3A_833 : vector<64x512xbf16>
      %convert_element_type3A_889 = arith.extf %mul3A_888 : vector<64x512xbf16> to vector<64x512xf32>
      %reduce_sum3A_890 = arith.constant dense<0.000000e+00> : vector<512xf32>
      %reduce_sum3A_891 = vector.multi_reduction <add>, %convert_element_type3A_889, %reduce_sum3A_890 [0] : vector<64x512xf32> to vector<512xf32>
      %broadcast_in_dim3A_892 = vector.shape_cast %reduce_sum3A_891 : vector<512xf32> to vector<1x512xf32>
      %convert_element_type3A_893 = arith.truncf %broadcast_in_dim3A_892 : vector<1x512xf32> to vector<1x512xbf16>
      %mul3A_894 = arith.mulf %transpose3A_533, %add3A_833 : vector<64x512xbf16>
      %convert_element_type3A_895 = arith.extf %mul3A_894 : vector<64x512xbf16> to vector<64x512xf32>
      %reduce_sum3A_896 = arith.constant dense<0.000000e+00> : vector<512xf32>
      %reduce_sum3A_897 = vector.multi_reduction <add>, %convert_element_type3A_895, %reduce_sum3A_896 [0] : vector<64x512xf32> to vector<512xf32>
      %broadcast_in_dim3A_898 = vector.shape_cast %reduce_sum3A_897 : vector<512xf32> to vector<1x512xf32>
      %convert_element_type3A_899 = arith.truncf %broadcast_in_dim3A_898 : vector<1x512xf32> to vector<1x512xbf16>
      %mul3A_900 = arith.mulf %transpose3A_536, %add3A_833 : vector<64x512xbf16>
      %convert_element_type3A_901 = arith.extf %mul3A_900 : vector<64x512xbf16> to vector<64x512xf32>
      %reduce_sum3A_902 = arith.constant dense<0.000000e+00> : vector<512xf32>
      %reduce_sum3A_903 = vector.multi_reduction <add>, %convert_element_type3A_901, %reduce_sum3A_902 [0] : vector<64x512xf32> to vector<512xf32>
      %broadcast_in_dim3A_904 = vector.shape_cast %reduce_sum3A_903 : vector<512xf32> to vector<1x512xf32>
      %convert_element_type3A_905 = arith.truncf %broadcast_in_dim3A_904 : vector<1x512xf32> to vector<1x512xbf16>
      %mul3A_906 = arith.mulf %transpose3A_539, %add3A_833 : vector<64x512xbf16>
      %convert_element_type3A_907 = arith.extf %mul3A_906 : vector<64x512xbf16> to vector<64x512xf32>
      %reduce_sum3A_908 = arith.constant dense<0.000000e+00> : vector<512xf32>
      %reduce_sum3A_909 = vector.multi_reduction <add>, %convert_element_type3A_907, %reduce_sum3A_908 [0] : vector<64x512xf32> to vector<512xf32>
      %broadcast_in_dim3A_910 = vector.shape_cast %reduce_sum3A_909 : vector<512xf32> to vector<1x512xf32>
      %convert_element_type3A_911 = arith.truncf %broadcast_in_dim3A_910 : vector<1x512xf32> to vector<1x512xbf16>
      %mul3A_912 = arith.mulf %transpose3A_542, %add3A_833 : vector<64x512xbf16>
      %convert_element_type3A_913 = arith.extf %mul3A_912 : vector<64x512xbf16> to vector<64x512xf32>
      %reduce_sum3A_914 = arith.constant dense<0.000000e+00> : vector<512xf32>
      %reduce_sum3A_915 = vector.multi_reduction <add>, %convert_element_type3A_913, %reduce_sum3A_914 [0] : vector<64x512xf32> to vector<512xf32>
      %broadcast_in_dim3A_916 = vector.shape_cast %reduce_sum3A_915 : vector<512xf32> to vector<1x512xf32>
      %convert_element_type3A_917 = arith.truncf %broadcast_in_dim3A_916 : vector<1x512xf32> to vector<1x512xbf16>
      %mul3A_918 = arith.mulf %transpose3A_545, %add3A_833 : vector<64x512xbf16>
      %convert_element_type3A_919 = arith.extf %mul3A_918 : vector<64x512xbf16> to vector<64x512xf32>
      %reduce_sum3A_920 = arith.constant dense<0.000000e+00> : vector<512xf32>
      %reduce_sum3A_921 = vector.multi_reduction <add>, %convert_element_type3A_919, %reduce_sum3A_920 [0] : vector<64x512xf32> to vector<512xf32>
      %broadcast_in_dim3A_922 = vector.shape_cast %reduce_sum3A_921 : vector<512xf32> to vector<1x512xf32>
      %convert_element_type3A_923 = arith.truncf %broadcast_in_dim3A_922 : vector<1x512xf32> to vector<1x512xbf16>
      %mul3A_924 = arith.mulf %transpose3A_548, %add3A_833 : vector<64x512xbf16>
      %convert_element_type3A_925 = arith.extf %mul3A_924 : vector<64x512xbf16> to vector<64x512xf32>
      %reduce_sum3A_926 = arith.constant dense<0.000000e+00> : vector<512xf32>
      %reduce_sum3A_927 = vector.multi_reduction <add>, %convert_element_type3A_925, %reduce_sum3A_926 [0] : vector<64x512xf32> to vector<512xf32>
      %broadcast_in_dim3A_928 = vector.shape_cast %reduce_sum3A_927 : vector<512xf32> to vector<1x512xf32>
      %convert_element_type3A_929 = arith.truncf %broadcast_in_dim3A_928 : vector<1x512xf32> to vector<1x512xbf16>
      %mul3A_930 = arith.mulf %transpose3A_551, %add3A_833 : vector<64x512xbf16>
      %convert_element_type3A_931 = arith.extf %mul3A_930 : vector<64x512xbf16> to vector<64x512xf32>
      %reduce_sum3A_932 = arith.constant dense<0.000000e+00> : vector<512xf32>
      %reduce_sum3A_933 = vector.multi_reduction <add>, %convert_element_type3A_931, %reduce_sum3A_932 [0] : vector<64x512xf32> to vector<512xf32>
      %broadcast_in_dim3A_934 = vector.shape_cast %reduce_sum3A_933 : vector<512xf32> to vector<1x512xf32>
      %convert_element_type3A_935 = arith.truncf %broadcast_in_dim3A_934 : vector<1x512xf32> to vector<1x512xbf16>
      %mul3A_936 = arith.mulf %transpose3A_554, %add3A_833 : vector<64x512xbf16>
      %convert_element_type3A_937 = arith.extf %mul3A_936 : vector<64x512xbf16> to vector<64x512xf32>
      %reduce_sum3A_938 = arith.constant dense<0.000000e+00> : vector<512xf32>
      %reduce_sum3A_939 = vector.multi_reduction <add>, %convert_element_type3A_937, %reduce_sum3A_938 [0] : vector<64x512xf32> to vector<512xf32>
      %broadcast_in_dim3A_940 = vector.shape_cast %reduce_sum3A_939 : vector<512xf32> to vector<1x512xf32>
      %convert_element_type3A_941 = arith.truncf %broadcast_in_dim3A_940 : vector<1x512xf32> to vector<1x512xbf16>
      %mul3A_942 = arith.mulf %transpose3A_557, %add3A_833 : vector<64x512xbf16>
      %convert_element_type3A_943 = arith.extf %mul3A_942 : vector<64x512xbf16> to vector<64x512xf32>
      %reduce_sum3A_944 = arith.constant dense<0.000000e+00> : vector<512xf32>
      %reduce_sum3A_945 = vector.multi_reduction <add>, %convert_element_type3A_943, %reduce_sum3A_944 [0] : vector<64x512xf32> to vector<512xf32>
      %broadcast_in_dim3A_946 = vector.shape_cast %reduce_sum3A_945 : vector<512xf32> to vector<1x512xf32>
      %convert_element_type3A_947 = arith.truncf %broadcast_in_dim3A_946 : vector<1x512xf32> to vector<1x512xbf16>
      %mul3A_948 = arith.mulf %transpose3A_560, %add3A_833 : vector<64x512xbf16>
      %convert_element_type3A_949 = arith.extf %mul3A_948 : vector<64x512xbf16> to vector<64x512xf32>
      %reduce_sum3A_950 = arith.constant dense<0.000000e+00> : vector<512xf32>
      %reduce_sum3A_951 = vector.multi_reduction <add>, %convert_element_type3A_949, %reduce_sum3A_950 [0] : vector<64x512xf32> to vector<512xf32>
      %broadcast_in_dim3A_952 = vector.shape_cast %reduce_sum3A_951 : vector<512xf32> to vector<1x512xf32>
      %convert_element_type3A_953 = arith.truncf %broadcast_in_dim3A_952 : vector<1x512xf32> to vector<1x512xbf16>
      %mul3A_954 = arith.mulf %transpose3A_563, %add3A_833 : vector<64x512xbf16>
      %convert_element_type3A_955 = arith.extf %mul3A_954 : vector<64x512xbf16> to vector<64x512xf32>
      %reduce_sum3A_956 = arith.constant dense<0.000000e+00> : vector<512xf32>
      %reduce_sum3A_957 = vector.multi_reduction <add>, %convert_element_type3A_955, %reduce_sum3A_956 [0] : vector<64x512xf32> to vector<512xf32>
      %broadcast_in_dim3A_958 = vector.shape_cast %reduce_sum3A_957 : vector<512xf32> to vector<1x512xf32>
      %convert_element_type3A_959 = arith.truncf %broadcast_in_dim3A_958 : vector<1x512xf32> to vector<1x512xbf16>
      %mul3A_960 = arith.mulf %transpose3A_566, %add3A_833 : vector<64x512xbf16>
      %convert_element_type3A_961 = arith.extf %mul3A_960 : vector<64x512xbf16> to vector<64x512xf32>
      %reduce_sum3A_962 = arith.constant dense<0.000000e+00> : vector<512xf32>
      %reduce_sum3A_963 = vector.multi_reduction <add>, %convert_element_type3A_961, %reduce_sum3A_962 [0] : vector<64x512xf32> to vector<512xf32>
      %broadcast_in_dim3A_964 = vector.shape_cast %reduce_sum3A_963 : vector<512xf32> to vector<1x512xf32>
      %convert_element_type3A_965 = arith.truncf %broadcast_in_dim3A_964 : vector<1x512xf32> to vector<1x512xbf16>
      %mul3A_966 = arith.mulf %transpose3A_569, %add3A_833 : vector<64x512xbf16>
      %convert_element_type3A_967 = arith.extf %mul3A_966 : vector<64x512xbf16> to vector<64x512xf32>
      %reduce_sum3A_968 = arith.constant dense<0.000000e+00> : vector<512xf32>
      %reduce_sum3A_969 = vector.multi_reduction <add>, %convert_element_type3A_967, %reduce_sum3A_968 [0] : vector<64x512xf32> to vector<512xf32>
      %broadcast_in_dim3A_970 = vector.shape_cast %reduce_sum3A_969 : vector<512xf32> to vector<1x512xf32>
      %convert_element_type3A_971 = arith.truncf %broadcast_in_dim3A_970 : vector<1x512xf32> to vector<1x512xbf16>
      %mul3A_972 = arith.mulf %transpose3A_572, %add3A_833 : vector<64x512xbf16>
      %convert_element_type3A_973 = arith.extf %mul3A_972 : vector<64x512xbf16> to vector<64x512xf32>
      %reduce_sum3A_974 = arith.constant dense<0.000000e+00> : vector<512xf32>
      %reduce_sum3A_975 = vector.multi_reduction <add>, %convert_element_type3A_973, %reduce_sum3A_974 [0] : vector<64x512xf32> to vector<512xf32>
      %broadcast_in_dim3A_976 = vector.shape_cast %reduce_sum3A_975 : vector<512xf32> to vector<1x512xf32>
      %convert_element_type3A_977 = arith.truncf %broadcast_in_dim3A_976 : vector<1x512xf32> to vector<1x512xbf16>
      %mul3A_978 = arith.mulf %transpose3A_575, %add3A_833 : vector<64x512xbf16>
      %convert_element_type3A_979 = arith.extf %mul3A_978 : vector<64x512xbf16> to vector<64x512xf32>
      %reduce_sum3A_980 = arith.constant dense<0.000000e+00> : vector<512xf32>
      %reduce_sum3A_981 = vector.multi_reduction <add>, %convert_element_type3A_979, %reduce_sum3A_980 [0] : vector<64x512xf32> to vector<512xf32>
      %broadcast_in_dim3A_982 = vector.shape_cast %reduce_sum3A_981 : vector<512xf32> to vector<1x512xf32>
      %convert_element_type3A_983 = arith.truncf %broadcast_in_dim3A_982 : vector<1x512xf32> to vector<1x512xbf16>
      %concatenate3A = tpu.concatenate %convert_element_type3A_839, %convert_element_type3A_845, %convert_element_type3A_851, %convert_element_type3A_857, %convert_element_type3A_863, %convert_element_type3A_869, %convert_element_type3A_875, %convert_element_type3A_881, %convert_element_type3A_887, %convert_element_type3A_893, %convert_element_type3A_899, %convert_element_type3A_905, %convert_element_type3A_911, %convert_element_type3A_917, %convert_element_type3A_923, %convert_element_type3A_929, %convert_element_type3A_935, %convert_element_type3A_941, %convert_element_type3A_947, %convert_element_type3A_953, %convert_element_type3A_959, %convert_element_type3A_965, %convert_element_type3A_971, %convert_element_type3A_977, %convert_element_type3A_983 in 0 : vector<1x512xbf16>, vector<1x512xbf16>, vector<1x512xbf16>, vector<1x512xbf16>, vector<1x512xbf16>, vector<1x512xbf16>, vector<1x512xbf16>, vector<1x512xbf16>, vector<1x512xbf16>, vector<1x512xbf16>, vector<1x512xbf16>, vector<1x512xbf16>, vector<1x512xbf16>, vector<1x512xbf16>, vector<1x512xbf16>, vector<1x512xbf16>, vector<1x512xbf16>, vector<1x512xbf16>, vector<1x512xbf16>, vector<1x512xbf16>, vector<1x512xbf16>, vector<1x512xbf16>, vector<1x512xbf16>, vector<1x512xbf16>, vector<1x512xbf16> -> vector<25x512xbf16>
      scf.yield %concatenate3A : vector<25x512xbf16>
    }
    %slice3A_583 = vector.extract_strided_slice %scan3A_582 {offsets = [0, 0], sizes = [1, 512], strides = [1, 1]} : vector<25x512xbf16> to vector<1x512xbf16>
    %mul3A_584 = vector.broadcast %slice3A_583 : vector<1x512xbf16> to vector<64x512xbf16>
    %mul3A_585 = arith.mulf %transpose3A_503, %mul3A_584 : vector<64x512xbf16>
    %slice3A_586 = vector.extract_strided_slice %scan3A_582 {offsets = [1, 0], sizes = [1, 512], strides = [1, 1]} : vector<25x512xbf16> to vector<1x512xbf16>
    %mul3A_587 = vector.broadcast %slice3A_586 : vector<1x512xbf16> to vector<64x512xbf16>
    %mul3A_588 = arith.mulf %transpose3A_506, %mul3A_587 : vector<64x512xbf16>
    %add3A_589 = arith.addf %mul3A_585, %mul3A_588 : vector<64x512xbf16>
    %slice3A_590 = vector.extract_strided_slice %scan3A_582 {offsets = [2, 0], sizes = [1, 512], strides = [1, 1]} : vector<25x512xbf16> to vector<1x512xbf16>
    %mul3A_591 = vector.broadcast %slice3A_590 : vector<1x512xbf16> to vector<64x512xbf16>
    %mul3A_592 = arith.mulf %transpose3A_509, %mul3A_591 : vector<64x512xbf16>
    %add3A_593 = arith.addf %add3A_589, %mul3A_592 : vector<64x512xbf16>
    %slice3A_594 = vector.extract_strided_slice %scan3A_582 {offsets = [3, 0], sizes = [1, 512], strides = [1, 1]} : vector<25x512xbf16> to vector<1x512xbf16>
    %mul3A_595 = vector.broadcast %slice3A_594 : vector<1x512xbf16> to vector<64x512xbf16>
    %mul3A_596 = arith.mulf %transpose3A_512, %mul3A_595 : vector<64x512xbf16>
    %add3A_597 = arith.addf %add3A_593, %mul3A_596 : vector<64x512xbf16>
    %slice3A_598 = vector.extract_strided_slice %scan3A_582 {offsets = [4, 0], sizes = [1, 512], strides = [1, 1]} : vector<25x512xbf16> to vector<1x512xbf16>
    %mul3A_599 = vector.broadcast %slice3A_598 : vector<1x512xbf16> to vector<64x512xbf16>
    %mul3A_600 = arith.mulf %transpose3A_515, %mul3A_599 : vector<64x512xbf16>
    %add3A_601 = arith.addf %add3A_597, %mul3A_600 : vector<64x512xbf16>
    %slice3A_602 = vector.extract_strided_slice %scan3A_582 {offsets = [5, 0], sizes = [1, 512], strides = [1, 1]} : vector<25x512xbf16> to vector<1x512xbf16>
    %mul3A_603 = vector.broadcast %slice3A_602 : vector<1x512xbf16> to vector<64x512xbf16>
    %mul3A_604 = arith.mulf %transpose3A_518, %mul3A_603 : vector<64x512xbf16>
    %add3A_605 = arith.addf %add3A_601, %mul3A_604 : vector<64x512xbf16>
    %slice3A_606 = vector.extract_strided_slice %scan3A_582 {offsets = [6, 0], sizes = [1, 512], strides = [1, 1]} : vector<25x512xbf16> to vector<1x512xbf16>
    %mul3A_607 = vector.broadcast %slice3A_606 : vector<1x512xbf16> to vector<64x512xbf16>
    %mul3A_608 = arith.mulf %transpose3A_521, %mul3A_607 : vector<64x512xbf16>
    %add3A_609 = arith.addf %add3A_605, %mul3A_608 : vector<64x512xbf16>
    %slice3A_610 = vector.extract_strided_slice %scan3A_582 {offsets = [7, 0], sizes = [1, 512], strides = [1, 1]} : vector<25x512xbf16> to vector<1x512xbf16>
    %mul3A_611 = vector.broadcast %slice3A_610 : vector<1x512xbf16> to vector<64x512xbf16>
    %mul3A_612 = arith.mulf %transpose3A_524, %mul3A_611 : vector<64x512xbf16>
    %add3A_613 = arith.addf %add3A_609, %mul3A_612 : vector<64x512xbf16>
    %slice3A_614 = vector.extract_strided_slice %scan3A_582 {offsets = [8, 0], sizes = [1, 512], strides = [1, 1]} : vector<25x512xbf16> to vector<1x512xbf16>
    %mul3A_615 = vector.broadcast %slice3A_614 : vector<1x512xbf16> to vector<64x512xbf16>
    %mul3A_616 = arith.mulf %transpose3A_527, %mul3A_615 : vector<64x512xbf16>
    %add3A_617 = arith.addf %add3A_613, %mul3A_616 : vector<64x512xbf16>
    %slice3A_618 = vector.extract_strided_slice %scan3A_582 {offsets = [9, 0], sizes = [1, 512], strides = [1, 1]} : vector<25x512xbf16> to vector<1x512xbf16>
    %mul3A_619 = vector.broadcast %slice3A_618 : vector<1x512xbf16> to vector<64x512xbf16>
    %mul3A_620 = arith.mulf %transpose3A_530, %mul3A_619 : vector<64x512xbf16>
    %add3A_621 = arith.addf %add3A_617, %mul3A_620 : vector<64x512xbf16>
    %slice3A_622 = vector.extract_strided_slice %scan3A_582 {offsets = [10, 0], sizes = [1, 512], strides = [1, 1]} : vector<25x512xbf16> to vector<1x512xbf16>
    %mul3A_623 = vector.broadcast %slice3A_622 : vector<1x512xbf16> to vector<64x512xbf16>
    %mul3A_624 = arith.mulf %transpose3A_533, %mul3A_623 : vector<64x512xbf16>
    %add3A_625 = arith.addf %add3A_621, %mul3A_624 : vector<64x512xbf16>
    %slice3A_626 = vector.extract_strided_slice %scan3A_582 {offsets = [11, 0], sizes = [1, 512], strides = [1, 1]} : vector<25x512xbf16> to vector<1x512xbf16>
    %mul3A_627 = vector.broadcast %slice3A_626 : vector<1x512xbf16> to vector<64x512xbf16>
    %mul3A_628 = arith.mulf %transpose3A_536, %mul3A_627 : vector<64x512xbf16>
    %add3A_629 = arith.addf %add3A_625, %mul3A_628 : vector<64x512xbf16>
    %slice3A_630 = vector.extract_strided_slice %scan3A_582 {offsets = [12, 0], sizes = [1, 512], strides = [1, 1]} : vector<25x512xbf16> to vector<1x512xbf16>
    %mul3A_631 = vector.broadcast %slice3A_630 : vector<1x512xbf16> to vector<64x512xbf16>
    %mul3A_632 = arith.mulf %transpose3A_539, %mul3A_631 : vector<64x512xbf16>
    %add3A_633 = arith.addf %add3A_629, %mul3A_632 : vector<64x512xbf16>
    %slice3A_634 = vector.extract_strided_slice %scan3A_582 {offsets = [13, 0], sizes = [1, 512], strides = [1, 1]} : vector<25x512xbf16> to vector<1x512xbf16>
    %mul3A_635 = vector.broadcast %slice3A_634 : vector<1x512xbf16> to vector<64x512xbf16>
    %mul3A_636 = arith.mulf %transpose3A_542, %mul3A_635 : vector<64x512xbf16>
    %add3A_637 = arith.addf %add3A_633, %mul3A_636 : vector<64x512xbf16>
    %slice3A_638 = vector.extract_strided_slice %scan3A_582 {offsets = [14, 0], sizes = [1, 512], strides = [1, 1]} : vector<25x512xbf16> to vector<1x512xbf16>
    %mul3A_639 = vector.broadcast %slice3A_638 : vector<1x512xbf16> to vector<64x512xbf16>
    %mul3A_640 = arith.mulf %transpose3A_545, %mul3A_639 : vector<64x512xbf16>
    %add3A_641 = arith.addf %add3A_637, %mul3A_640 : vector<64x512xbf16>
    %slice3A_642 = vector.extract_strided_slice %scan3A_582 {offsets = [15, 0], sizes = [1, 512], strides = [1, 1]} : vector<25x512xbf16> to vector<1x512xbf16>
    %mul3A_643 = vector.broadcast %slice3A_642 : vector<1x512xbf16> to vector<64x512xbf16>
    %mul3A_644 = arith.mulf %transpose3A_548, %mul3A_643 : vector<64x512xbf16>
    %add3A_645 = arith.addf %add3A_641, %mul3A_644 : vector<64x512xbf16>
    %slice3A_646 = vector.extract_strided_slice %scan3A_582 {offsets = [16, 0], sizes = [1, 512], strides = [1, 1]} : vector<25x512xbf16> to vector<1x512xbf16>
    %mul3A_647 = vector.broadcast %slice3A_646 : vector<1x512xbf16> to vector<64x512xbf16>
    %mul3A_648 = arith.mulf %transpose3A_551, %mul3A_647 : vector<64x512xbf16>
    %add3A_649 = arith.addf %add3A_645, %mul3A_648 : vector<64x512xbf16>
    %slice3A_650 = vector.extract_strided_slice %scan3A_582 {offsets = [17, 0], sizes = [1, 512], strides = [1, 1]} : vector<25x512xbf16> to vector<1x512xbf16>
    %mul3A_651 = vector.broadcast %slice3A_650 : vector<1x512xbf16> to vector<64x512xbf16>
    %mul3A_652 = arith.mulf %transpose3A_554, %mul3A_651 : vector<64x512xbf16>
    %add3A_653 = arith.addf %add3A_649, %mul3A_652 : vector<64x512xbf16>
    %slice3A_654 = vector.extract_strided_slice %scan3A_582 {offsets = [18, 0], sizes = [1, 512], strides = [1, 1]} : vector<25x512xbf16> to vector<1x512xbf16>
    %mul3A_655 = vector.broadcast %slice3A_654 : vector<1x512xbf16> to vector<64x512xbf16>
    %mul3A_656 = arith.mulf %transpose3A_557, %mul3A_655 : vector<64x512xbf16>
    %add3A_657 = arith.addf %add3A_653, %mul3A_656 : vector<64x512xbf16>
    %slice3A_658 = vector.extract_strided_slice %scan3A_582 {offsets = [19, 0], sizes = [1, 512], strides = [1, 1]} : vector<25x512xbf16> to vector<1x512xbf16>
    %mul3A_659 = vector.broadcast %slice3A_658 : vector<1x512xbf16> to vector<64x512xbf16>
    %mul3A_660 = arith.mulf %transpose3A_560, %mul3A_659 : vector<64x512xbf16>
    %add3A_661 = arith.addf %add3A_657, %mul3A_660 : vector<64x512xbf16>
    %slice3A_662 = vector.extract_strided_slice %scan3A_582 {offsets = [20, 0], sizes = [1, 512], strides = [1, 1]} : vector<25x512xbf16> to vector<1x512xbf16>
    %mul3A_663 = vector.broadcast %slice3A_662 : vector<1x512xbf16> to vector<64x512xbf16>
    %mul3A_664 = arith.mulf %transpose3A_563, %mul3A_663 : vector<64x512xbf16>
    %add3A_665 = arith.addf %add3A_661, %mul3A_664 : vector<64x512xbf16>
    %slice3A_666 = vector.extract_strided_slice %scan3A_582 {offsets = [21, 0], sizes = [1, 512], strides = [1, 1]} : vector<25x512xbf16> to vector<1x512xbf16>
    %mul3A_667 = vector.broadcast %slice3A_666 : vector<1x512xbf16> to vector<64x512xbf16>
    %mul3A_668 = arith.mulf %transpose3A_566, %mul3A_667 : vector<64x512xbf16>
    %add3A_669 = arith.addf %add3A_665, %mul3A_668 : vector<64x512xbf16>
    %slice3A_670 = vector.extract_strided_slice %scan3A_582 {offsets = [22, 0], sizes = [1, 512], strides = [1, 1]} : vector<25x512xbf16> to vector<1x512xbf16>
    %mul3A_671 = vector.broadcast %slice3A_670 : vector<1x512xbf16> to vector<64x512xbf16>
    %mul3A_672 = arith.mulf %transpose3A_569, %mul3A_671 : vector<64x512xbf16>
    %add3A_673 = arith.addf %add3A_669, %mul3A_672 : vector<64x512xbf16>
    %slice3A_674 = vector.extract_strided_slice %scan3A_582 {offsets = [23, 0], sizes = [1, 512], strides = [1, 1]} : vector<25x512xbf16> to vector<1x512xbf16>
    %mul3A_675 = vector.broadcast %slice3A_674 : vector<1x512xbf16> to vector<64x512xbf16>
    %mul3A_676 = arith.mulf %transpose3A_572, %mul3A_675 : vector<64x512xbf16>
    %add3A_677 = arith.addf %add3A_673, %mul3A_676 : vector<64x512xbf16>
    %slice3A_678 = vector.extract_strided_slice %scan3A_582 {offsets = [24, 0], sizes = [1, 512], strides = [1, 1]} : vector<25x512xbf16> to vector<1x512xbf16>
    %mul3A_679 = vector.broadcast %slice3A_678 : vector<1x512xbf16> to vector<64x512xbf16>
    %mul3A_680 = arith.mulf %transpose3A_575, %mul3A_679 : vector<64x512xbf16>
    %add3A_681 = arith.addf %add3A_677, %mul3A_680 : vector<64x512xbf16>
    %convert_element_type3A_682 = arith.extf %add3A_681 : vector<64x512xbf16> to vector<64x512xf32>
    %abs3A_683 = math.absf %convert_element_type3A_682 : vector<64x512xf32>
    %reduce_max3A_684 = arith.constant dense<0xFF800000> : vector<512xf32>
    %reduce_max3A_685 = vector.multi_reduction <maximumf>, %abs3A_683, %reduce_max3A_684 [0] : vector<64x512xf32> to vector<512xf32>
    %broadcast_in_dim3A_686 = vector.shape_cast %reduce_max3A_685 : vector<512xf32> to vector<1x512xf32>
    %add3A_687 = arith.constant 1.000000e-30 : f32
    %add3A_688 = vector.broadcast %add3A_687 : f32 to vector<1x512xf32>
    %add3A_689 = arith.addf %broadcast_in_dim3A_686, %add3A_688 : vector<1x512xf32>
    %div3A_690 = arith.constant 1.000000e+00 : f32
    %div3A_691 = vector.broadcast %div3A_690 : f32 to vector<1x512xf32>
    %div3A_692 = arith.divf %div3A_691, %add3A_689 : vector<1x512xf32>
    %mul3A_693 = vector.broadcast %div3A_692 : vector<1x512xf32> to vector<64x512xf32>
    %mul3A_694 = arith.mulf %convert_element_type3A_682, %mul3A_693 : vector<64x512xf32>
    %mul3A_695 = arith.mulf %mul3A_348, %mul3A_694 : vector<64x512xf32>
    %reduce_sum3A_696 = arith.constant dense<0.000000e+00> : vector<512xf32>
    %reduce_sum3A_697 = vector.multi_reduction <add>, %mul3A_695, %reduce_sum3A_696 [0] : vector<64x512xf32> to vector<512xf32>
    %broadcast_in_dim3A_698 = vector.shape_cast %reduce_sum3A_697 : vector<512xf32> to vector<1x512xf32>
    %mul3A_699 = arith.mulf %mul3A_348, %mul3A_348 : vector<64x512xf32>
    %reduce_sum3A_700 = arith.constant dense<0.000000e+00> : vector<512xf32>
    %reduce_sum3A_701 = vector.multi_reduction <add>, %mul3A_699, %reduce_sum3A_700 [0] : vector<64x512xf32> to vector<512xf32>
    %broadcast_in_dim3A_702 = vector.shape_cast %reduce_sum3A_701 : vector<512xf32> to vector<1x512xf32>
    %mul3A_703 = arith.mulf %mul3A_694, %mul3A_694 : vector<64x512xf32>
    %reduce_sum3A_704 = arith.constant dense<0.000000e+00> : vector<512xf32>
    %reduce_sum3A_705 = vector.multi_reduction <add>, %mul3A_703, %reduce_sum3A_704 [0] : vector<64x512xf32> to vector<512xf32>
    %broadcast_in_dim3A_706 = vector.shape_cast %reduce_sum3A_705 : vector<512xf32> to vector<1x512xf32>
    %mul3A_707 = arith.mulf %broadcast_in_dim3A_698, %broadcast_in_dim3A_698 : vector<1x512xf32>
    %mul3A_708 = arith.mulf %broadcast_in_dim3A_702, %broadcast_in_dim3A_706 : vector<1x512xf32>
    %add3A_709 = arith.constant 1.000000e-30 : f32
    %add3A_710 = vector.broadcast %add3A_709 : f32 to vector<1x512xf32>
    %add3A_711 = arith.addf %mul3A_708, %add3A_710 : vector<1x512xf32>
    %div3A_712 = arith.divf %mul3A_707, %add3A_711 : vector<1x512xf32>
    %reduce_sum3A_713 = vector.shape_cast %div3A_712 : vector<1x512xf32> to vector<1x1x512xf32>
    %reduce_sum3A_714 = arith.constant dense<0.000000e+00> : vector<1xf32>
    %reduce_sum3A_715 = vector.multi_reduction <add>, %reduce_sum3A_713, %reduce_sum3A_714 [1, 2] : vector<1x1x512xf32> to vector<1xf32>
    %reduce_sum3A_716 = vector.shape_cast %reduce_sum3A_715 : vector<1xf32> to vector<1x1x1xf32>
    %reduce_sum3A_717 = vector.extract %reduce_sum3A_716[0, 0, 0] : f32 from vector<1x1x1xf32>
    %mul3A_718 = arith.constant 2.000000e+00 : f32
    %mul3A_719 = arith.mulf %mul3A_718, %reduce_sum3A_717 : f32
    %sub3A_720 = arith.constant 1.024000e+03 : f32
    %sub3A_721 = arith.subf %sub3A_720, %mul3A_719 : f32
    %get3A_722 = arith.constant 0 : index
    %get3A_723 = arith.constant 0 : index
    %get3A_724 = vector.load %arg5[%get3A_722, %get3A_723] : memref<1x1xf32, #tpu.memory_space<vmem>>, vector<1x1xf32>
    %div3A_725 = arith.constant 2.621440e+05 : f32
    %div3A_726 = arith.divf %reduce_sum3A_10, %div3A_725 : f32
    %mul3A_727 = arith.constant 2.44140629E-5 : f32
    %mul3A_728 = arith.mulf %mul3A_727, %sub3A_721 : f32
    %add3A_729 = arith.addf %div3A_726, %mul3A_728 : f32
    %reshape3A = vector.broadcast %add3A_729 : f32 to vector<1x1xf32>
    %add3A_730 = arith.addf %get3A_724, %reshape3A : vector<1x1xf32>
    %swap3A = arith.constant 0 : index
    %swap3A_731 = arith.constant 0 : index
    %swap3A_732 = vector.load %arg5[%swap3A, %swap3A_731] : memref<1x1xf32, #tpu.memory_space<vmem>>, vector<1x1xf32>
    tpu.vector_store %arg5[%swap3A, %swap3A_731], %add3A_730 {strides = array<i32>} : memref<1x1xf32, #tpu.memory_space<vmem>>, vector<1x1xf32>,
    return
  }
  func.func @transform_0(%arg0: i32) -> (i32, i32, i32) {
    %c0_i32 = arith.constant 0 : i32
    %c0_i32_0 = arith.constant 0 : i32
    %c0_i32_1 = arith.constant 0 : i32
    return %c0_i32, %arg0, %c0_i32_0 : i32, i32, i32
  }
  func.func @transform_1(%arg0: i32) -> (i32, i32, i32) {
    %c0_i32 = arith.constant 0 : i32
    %c0_i32_0 = arith.constant 0 : i32
    %c0_i32_1 = arith.constant 0 : i32
    return %c0_i32, %arg0, %c0_i32_0 : i32, i32, i32
  }
  func.func @transform_2(%arg0: i32) -> (i32, i32) {
    %c0_i32 = arith.constant 0 : i32
    %c0_i32_0 = arith.constant 0 : i32
    return %arg0, %c0_i32 : i32, i32
  }
  func.func @transform_3(%arg0: i32) -> (i32, i32) {
    %c0_i32 = arith.constant 0 : i32
    %c0_i32_0 = arith.constant 0 : i32
    return %arg0, %c0_i32 : i32, i32
  }
  func.func @transform_4(%arg0: i32) -> (i32, i32) {
    %c0_i32 = arith.constant 0 : i32
    %c0_i32_0 = arith.constant 0 : i32
    %c0_i32_1 = arith.constant 0 : i32
    return %c0_i32, %c0_i32_0 : i32, i32
  }
}

</mosaic_0001>

<sc_bundles>
// kernel: kernel.11.cloned.1.call-start
scs
__scs_entry_jumppad:
0x0: {  	(pc) =	sbr.rel $0x88, $3  }
0x1: {  	(tag) =	ssettag $0x0;
	lr =	simm.s32 $0x1  }
0x2: {  	[smem:$0x3F9D] =	sst lr;
	_ =	strace $0xD0000000  }
0x3: {  	_ = 	snop  }
0x4: {  	_ = 	snop  }
0x5: {  	_ = 	snop  }
0x6: {  	_ = 	snop  }
0x7: {  	_ = 	snop  }
__scs_overlays_trampoline_lowered:
0x8: {  	[smem:$0x3FAC] =	sst s0  }
0x9: {  	[smem:$0x3FAD] =	sst s1  }
0xa: {  	[smem:$0x3FAE] =	sst s2  }
0xb: {  	[smem:$0x3FAF] =	sst s3  }
0xc: {  	[smem:$0x3FB0] =	sst s4  }
0xd: {  	[smem:$0x3FB1] =	sst s5  }
0xe: {  	[smem:$0x3FB2] =	sst s6  }
0xf: {  	[smem:$0x3FB3] =	sst s7  }
0x10: {  	[smem:$0x3FB4] =	sst s8  }
0x11: {  	[smem:$0x3FB5] =	sst s9;
	s0 =	simm.s32 @!p0 $0x0  }
0x12: {  	s1 =	sld [smem:$0x3F9B];
	s0 =	simm.s32 @p0 $0x1  }
0x13: {  	[smem:$0x3FB6] =	sst s0;
	s0 =	simm.s32 @!p1 $0x0  }
0x14: {  	s2 =	sld [smem:$0x3F9A];
	s0 =	simm.s32 @p1 $0x1  }
0x15: {  	[smem:$0x3FB7] =	sst s0;
	s0 =	simm.s32 @!p2 $0x0  }
0x16: {  	s3 =	sld [smem:$0x3FDB];
	s0 =	simm.s32 @p2 $0x1  }
0x17: {  	s4 =	simm.s32 $0x1BF5;
	[smem:$0x3FB9] =	sst s0  }
0x18: {  	s0 =	sld [smem:$0x3F9C];
	_ =	swait.ge [sflag:s4], $0x0  }
0x19: {  	s7 =	sld [smem:$0x3F9D]  }
0x1a: {  	s8 =	sadd.s32 $0xFFFFE003, lr  }
0x1b: {  	s9 =	sadd.s32 $0xFFFFFEF7, lr;
	s5 =	simm.s32 $0xFFFFFFFF;
	p2 =	slt.u32 s8, $0xFFFFF086  }
0x1c: {  	p1 =	slt.u32 s9, $0xF7A;
	s5 =	simm.s32 @!p2 $0x0  }
0x1d: {  	s5 =	simm.s32 @p1 $0x1;
	p0 =	seq.s32 s7, s2  }
0x1e: {  	s7 =	smul.u32 @!p0 $0xF7A, s2;
	p2 =	seq.s32 @!p0 s5, $0x0  }
0x1f: {  	s9 =	smul.u32 $0xF7A, s1;
	s8 =	simm.s32 @!p0 $0x1BF5;
	p2 =	por !p2, p0  }
0x20: {  	[sflag:s8] =	ssyncset.s32 @!p0 $0xFFFFF086;
	s6 =	sadd.s32 @!p0 s3, s7;
	s7 =	simm.s32 @!p0 $0x108  }
0x21: {  	s3 =	sadd.s32 s3, s9;
	s6 =	sadd.s32 @!p0 $0x88, s6;
	s7 =	simm.s32 @p2 $0x1082  }
0x22: {  	[simem:s7], [sflag:s8] =	dma.local @!p0 [hbm:s6], $0xF7A  }
0x23: {  	s9 =	sor.u32 $0xD0000000, s2;
	s6 =	simm.s32 $0x108;
	_ =	swait.ge @!p0 [sflag:s8], $0x0  }
0x24: {  	s3 =	sadd.s32 $0x88, s3;
	s6 =	simm.s32 @!p1 $0x1082;
	[sflag:s4] =	ssyncset.s32 $0xFFFFF086  }
0x25: {  	[simem:s6], [sflag:s4] =	dma.local [hbm:s3], $0xF7A  }
0x26: {  	[smem:$0x3F9D] =	sst s1;
	(tag) =	ssettag s2;
	_ =	strace s9  }
0x27: {  	s1 =	sld [smem:$0x3FAD]  }
0x28: {  	s2 =	sld [smem:$0x3FAE]  }
0x29: {  	s4 =	sld [smem:$0x3FB0]  }
0x2a: {  	p0 =	seq.s32 s5, $0x0;
	s5 =	sld [smem:$0x3FB1]  }
0x2b: {  	s6 =	sld [smem:$0x3FB2]  }
0x2c: {  	s7 =	sld [smem:$0x3FB3]  }
0x2d: {  	s3 =	simm.s32 $0x108;
	s8 =	sld [smem:$0x3FB4]  }
0x2e: {  	s3 =	simm.s32 @!p0 $0x1082;
	s9 =	sld [smem:$0x3FB5]  }
0x2f: {  	lr =	sadd.s32 s0, s3;
	s0 =	sld [smem:$0x3FAC]  }
0x30: {  	s3 =	sld [smem:$0x3FAF]  }
0x31: {  	[smem:$0x3FB8] =	sst s10  }
0x32: {  	s10 =	sld [smem:$0x3FB6];
	_ =	sdelay $0x3  }
0x33: {  	p0 =	seq.s32 s10, $0x1;
	s10 =	sld [smem:$0x3FB8];
	_ =	sdelay $0x3  }
0x34: {  	[smem:$0x3FB8] =	sst s10  }
0x35: {  	s10 =	sld [smem:$0x3FB7];
	_ =	sdelay $0x3  }
0x36: {  	p1 =	seq.s32 s10, $0x1;
	s10 =	sld [smem:$0x3FB8];
	_ =	sdelay $0x3  }
0x37: {  	[smem:$0x3FB8] =	sst s10  }
0x38: {  	s10 =	sld [smem:$0x3FB9]  }
0x39: {  	_ = 	snop;
	(pc) =	sbr.ind lr, $3  }
0x3a: {  	_ = 	snop  }
0x3b: {  	_ = 	snop  }
0x3c: {  	p2 =	seq.s32 s10, $0x1;
	s10 =	sld [smem:$0x3FB8]  }
0x3d: {  	_ =	shalt  }
0x3e: {  	_ =	shalt  }
0x3f: {  	_ =	shalt  }
0x40: {  	_ =	shalt  }
0x41: {  	_ =	shalt  }
0x42: {  	_ =	shalt  }
0x43: {  	_ =	shalt  }
0x44: {  	_ =	shalt  }
0x45: {  	_ =	shalt  }
0x46: {  	_ =	shalt  }
0x47: {  	_ =	shalt  }
0x48: {  	_ =	shalt  }
0x49: {  	_ =	shalt  }
0x4a: {  	_ =	shalt  }
0x4b: {  	_ =	shalt  }
0x4c: {  	_ =	shalt  }
0x4d: {  	_ =	shalt  }
0x4e: {  	_ =	shalt  }
0x4f: {  	_ =	shalt  }
0x50: {  	_ =	shalt  }
0x51: {  	_ =	shalt  }
0x52: {  	_ =	shalt  }
0x53: {  	_ =	shalt  }
0x54: {  	_ =	shalt  }
0x55: {  	_ =	shalt  }
0x56: {  	_ =	shalt  }
0x57: {  	_ =	shalt  }
0x58: {  	_ =	shalt  }
0x59: {  	_ =	shalt  }
0x5a: {  	_ =	shalt  }
0x5b: {  	_ =	shalt  }
0x5c: {  	_ =	shalt  }
0x5d: {  	_ =	shalt  }
0x5e: {  	_ =	shalt  }
0x5f: {  	_ =	shalt  }
0x60: {  	_ =	shalt  }
0x61: {  	_ =	shalt  }
0x62: {  	_ =	shalt  }
0x63: {  	_ =	shalt  }
0x64: {  	_ =	shalt  }
0x65: {  	_ =	shalt  }
0x66: {  	_ =	shalt  }
0x67: {  	_ =	shalt  }
0x68: {  	_ =	shalt  }
0x69: {  	_ =	shalt  }
0x6a: {  	_ =	shalt  }
0x6b: {  	_ =	shalt  }
0x6c: {  	_ =	shalt  }
0x6d: {  	_ =	shalt  }
0x6e: {  	_ =	shalt  }
0x6f: {  	_ =	shalt  }
0x70: {  	_ =	shalt  }
0x71: {  	_ =	shalt  }
0x72: {  	_ =	shalt  }
0x73: {  	_ =	shalt  }
0x74: {  	_ =	shalt  }
0x75: {  	_ =	shalt  }
0x76: {  	_ =	shalt  }
0x77: {  	_ =	shalt  }
0x78: {  	_ =	shalt  }
0x79: {  	_ =	shalt  }
0x7a: {  	_ =	shalt  }
0x7b: {  	_ =	shalt  }
0x7c: {  	_ =	shalt  }
0x7d: {  	_ =	shalt  }
0x7e: {  	_ =	shalt  }
0x7f: {  	_ =	shalt  }
0x80: {  	_ =	shalt  }
0x81: {  	_ =	shalt  }
0x82: {  	_ =	shalt  }
0x83: {  	_ =	shalt  }
0x84: {  	_ =	shalt  }
0x85: {  	_ =	shalt  }
0x86: {  	_ =	shalt  }
0x87: {  	_ =	shalt  }
.Lfunc_end0:
.L_simem_size_0:
called_computation.1_lowered:
.L_overlay_start_0:
0x88: {  	s2 =	sld [smem:$0x3FD9]  }
0x89: {  	s3 =	sld [smem:$0x3FFE];
	_ =	sdelay $0x1  }
0x8a: {  	s1 =	srdreg.scid  }
0x8b: {  	s0 =	sand.u32 $0x1, s1  }
0x8c: {  	s16 =	sshll.u32 s0, $0xA;
	s2 =	sadd.s32 s3, s2  }
0x8d: {  	s2 =	sadd.s32 s2, s16  }
0x8e: {  	[smem:$0x3FC4] =	sst s2  }
0x8f: {  	_ = 	snop  }
0x90: {  	(tm) =	ssettm $0x1  }
0x91: {  	s17 =	sld [smem:$0x3FFB];
	_ =	sdelay $0x3  }
0x92: {  	_ =	strace s17  }
0x93: {  	s2 =	sld [smem:$0x3FFC];
	_ =	sdelay $0x3  }
0x94: {  	_ =	strace s2  }
0x95: {  	s2 =	sld [smem:$0x3FFD];
	_ =	sdelay $0x3  }
0x96: {  	_ =	strace s2  }
0x97: {  	_ =	strace $0x8FFFFFFF  }
0x98: {  	s18 =	sld [smem:$0x3FDB];
	_ =	sdelay $0x1  }
0x99: {  	s19 =	simm.s32 $_scs_section_size  }
0x9a: {  	s4 =	simm.s32 $_size__tile_overlayer_lowered;
	s5 =	simm.s32 $_tile_overlayer_lowered  }
0x9b: {  	s22 =	simm.s32 $0x1BFF;
	s21 =	sshll.u32 s5, $0x1;
	s2 =	sadd.s32 s19, s18  }
0x9c: {  	s6 =	simm.s32 $0x0;
	s20 =	sshll.u32 s4, $0x1;
	s4 =	sadd.s32 s21, s2  }
0x9d: {  	[timem:s6], [sflag:s22] =	dma.local [hbm:s4], s20  }
0x9e: {  	_ =	swait.ge [sflag:s22], s20  }
0x9f: {  	s3 =	ssub.s32 $0x0, s20;
	[sflag:s22] =	ssyncset.done $0x0  }
0xa0: {  	[sflag:s22] =	ssyncadd.s32 s3;
	_ =	sdelay $0x1  }
0xa1: {  	s23 =	simm.s32 $0x1B8B  }
0xa2: {  	_ =	swait.ge [sflag:s23], $0x1  }
0xa3: {  	[sflag:s23] =	ssyncset.done $0x0  }
0xa4: {  	s25 =	simm.s32 $0x1B8E;
	s24 =	sld [smem:$0x3FFE];
	[sflag:s23] =	ssyncadd.s32 $0xFFFFFFFF  }
0xa5: {  	s26 =	simm.s32 $execute0_lowered;
	[smem:$0x3FD2] =	sst s25  }
0xa6: {  	s4 =	sshll.u32 s26, $0x1;
	_ =	strace $0x80000046;
	[dreg:$0x1] =	wrdreg $0xFFFFFFFF  }
0xa7: {  	s28 =	simm.s32 $_size_execute0_lowered;
	s2 =	sadd.s32 s2, s4;
	[dreg:$0x0] =	wrdreg $0x0  }
0xa8: {  	s4 =	sshll.u32 s28, $0x1;
	[dreg:$0x2] =	wrdreg s2  }
0xa9: {  	[dreg:$0x3] =	wrdreg s4  }
0xaa: {  	[dreg:$0x4] =	wrdreg $0xC0  }
0xab: {  	_ =	task [dreg:s6], $0x5FFFF  }
0xac: {  	[dreg:$0x1] =	wrdreg $0xFFFFFFFF  }
0xad: {  	[dreg:$0x0] =	wrdreg $0x60  }
0xae: {  	[dreg:$0x2] =	wrdreg s24  }
0xaf: {  	[dreg:$0x3] =	wrdreg $0xA  }
0xb0: {  	_ =	task.clear_ibuf [dreg:s6], $0x4FFFF;
	_ =	strace $0x90000046  }
0xb1: {  	s29 =	simm.s32 $0xA;
	_ =	strace $0x80000048  }
0xb2: {  	_ =	swait.ge [sflag:s29], $0x1  }
0xb3: {  	[sflag:s29] =	ssyncadd.s32 $0xFFFFFFFF  }
0xb4: {  	_ =	strace $0x90000048  }
0xb5: {  	_ =	sfence  }
0xb6: {  	s30 =	sld [smem:$0x0];
	_ =	sdelay $0x2  }
0xb7: {  	s31 =	sshll.u32 s1, $0xD;
	s1 =	sshrl.u32 s1, $0x2  }
0xb8: {  	s3 =	sand.u32 $0x4000, s31;
	s1 =	sadd.s32 s1, s30  }
0xb9: {  	s0 =	sor.u32 s3, s0;
	s1 =	sshll.u32 s1, $0x11  }
0xba: {  	s0 =	sor.u32 s1, s0  }
0xbb: {  	s0 =	sadd.s32 $0x8F2B, s0  }
0xbc: {  	[sflag:s0] =	ssyncadd.remote.s32 $0x1  }
0xbd: {  	_ =	sfence.sel $0xFFFF  }
0xbe: {  	[dreg:$0x0] =	wrdreg $0xFFFFFFFF;
	(pc) =	sbr.abs _section_cstart, $3  }
0xbf: {  	[dreg:$0x1] =	wrdreg $0xFFFFFFFF  }
0xc0: {  	_ =	task.clear_ibuf [dreg:s6], $0x2FFFF;
	_ =	strace $0x9FFFFFFF  }
0xc1: {  	(tm) =	ssettm $0x7FFFFFFF  }
tec
execute0_lowered:
.L_overlay_start_1:
0x0: {  	(tag) =	ssettag $0x1  }
0x1: {  	s5 =	rddreg [dreg:$0x0]  }
0x2: {  	s0 =	rddreg [dreg:$0x1]  }
0x3: {  	s2 =	simm.s32 $0x0;
	s3 =	srdreg.scid;
	s1 =	stileid.u32  }
0x4: {  	s11 =	simm.s32 $0x1450;
	s12 =	simm.s32 $0x1;
	s13 =	simm.s32 $0x2  }
0x5: {  	s14 =	simm.s32 $0x0;
	[smem:$0x7FF] =	sst s2;
	s7 =	smul.u32 $0xC80, s1  }
0x6: {  	s6 =	sand.u32 $0x1, s3;
	s3 =	sadd.s32 $0xB600, s5;
	s9 =	smul.u32 $0x6400, s1  }
0x7: {  	s4 =	sadd.s32 $0x1C00, s5;
	s8 =	smul.u32 $0x640, s6;
	s10 =	ssub.s32 $0x2, s6  }
0x8: {  	_ =	strace $0x80000047;
	s6 =	smul.u32 $0x3200, s6;
	s29 =	sshrl.u32 s10, $0x1  }
0x9: {  	s9 =	sadd.s32 s9, s5;
	s7 =	sadd.s32 s8, s7;
	s8 =	ssub.s32 s10, s29  }
0xa: {  	s31 =	sadd.s32 s6, s9;
	s9 =	simm.s32 $0x3;
	s7 =	sshrl.u32 s7, $0x3  }
0xb: {  	s10 =	simm.s32 $0x50;
	s6 =	sadd.s32 $0x77600, s31;
	s30 =	sadd.s32 s7, s5  }
0xc: {  	s5 =	smax.u32 s8, $0x1;
	s7 =	sadd.s32 $0x13600, s31;
	s8 =	sadd.s32 $0x9C00, s30  }
.LBB2_1:
0xd: {  	[tilespmem:s2], [sflag:$0x3] =	stream.linear.gather [hbm4b:s8+s2], $0x50, $0x38;
	[tilespmem:$0x2850] =	vst v63  }
0xe: {  	_ =	swait.ge [sflag:s9], $0x50  }
0xf: {  	[sflag:s9] =	ssyncset.done $0x0  }
0x10: {  	[sflag:s9] =	ssyncadd.s32 $0xFFFFFFB0  }
0x11: {  	[tilespmem:s10], [sflag:$0x1] =	stream.indirect.gather [hbm4b:s3+s10], $0x40, s2, s10, $0xb8;
	[tilespmem:$0x2850] =	vst v63  }
0x12: {  	_ = 	snop  }
0x13: {  	[tilespmem:s11], [sflag:$0x2] =	stream.indirect.gather [hbm4b:s4+s10], $0x40, s2, s10, $0xb8;
	[tilespmem:$0x2850] =	vst v63  }
0x14: {  	_ =	swait.ge [sflag:s12], $0x1400  }
0x15: {  	[sflag:s12] =	ssyncset.done $0x0  }
0x16: {  	[sflag:s12] =	ssyncadd.s32 $0xFFFFEC00  }
0x17: {  	_ =	swait.ge [sflag:s13], $0x1400  }
0x18: {  	[sflag:s13] =	ssyncset.done $0x0  }
0x19: {  	s15 =	sadd.s32 $0x0, s7;
	[sflag:s13] =	ssyncadd.s32 $0xFFFFEC00  }
0x1a: {  	[hbm4b:s15+s2] =	stream.linear.scatter [tilespmem:s10], [sflag:$0x3], $0x1400, $0x38;
	[tilespmem:$0x2850] =	vst v63  }
0x1b: {  	_ =	swait.ge [sflag:s9], $0x1400  }
0x1c: {  	[sflag:s9] =	ssyncset.done $0x0  }
0x1d: {  	s31 =	sadd.s32 $0x0, s6;
	[sflag:s9] =	ssyncadd.s32 $0xFFFFEC00  }
0x1e: {  	[hbm4b:s31+s2] =	stream.linear.scatter [tilespmem:s11], [sflag:$0x3], $0x1400, $0x38;
	[tilespmem:$0x2850] =	vst v63  }
0x1f: {  	_ =	swait.ge [sflag:s9], $0x1400  }
0x20: {  	s16 =	smov.u32 s8;
	s15 =	simm.s32 $0x280;
	[sflag:s9] =	ssyncset.done $0x0  }
.LBB2_2:
0x21: {  	p0 =	sne.s32 s15, $0x2F80;
	[sflag:s9] =	ssyncadd.s32 $0xFFFFEC00;
	s16 =	sadd.s32 $0xA, s16  }
0x22: {  	[tilespmem:s2], [sflag:$0x3] =	stream.linear.gather [hbm4b:s16+s2], $0x50, $0x38;
	[tilespmem:$0x2850] =	vst v63  }
0x23: {  	s17 =	smov.u32 s15;
	s15 =	sadd.s32 $0x280, s15;
	_ =	swait.ge [sflag:s9], $0x50  }
0x24: {  	[sflag:s9] =	ssyncset.done $0x0  }
0x25: {  	[sflag:s9] =	ssyncadd.s32 $0xFFFFFFB0  }
0x26: {  	[tilespmem:s10], [sflag:$0x1] =	stream.indirect.gather [hbm4b:s3+s10], $0x40, s2, s10, $0xb8;
	[tilespmem:$0x2850] =	vst v63  }
0x27: {  	_ = 	snop  }
0x28: {  	[tilespmem:s11], [sflag:$0x2] =	stream.indirect.gather [hbm4b:s4+s10], $0x40, s2, s10, $0xb8;
	[tilespmem:$0x2850] =	vst v63  }
0x29: {  	_ =	swait.ge [sflag:s12], $0x1400  }
0x2a: {  	[sflag:s12] =	ssyncset.done $0x0  }
0x2b: {  	[sflag:s12] =	ssyncadd.s32 $0xFFFFEC00  }
0x2c: {  	_ =	swait.ge [sflag:s13], $0x1400  }
0x2d: {  	[sflag:s13] =	ssyncset.done $0x0  }
0x2e: {  	s18 =	sadd.s32 s17, s7;
	[sflag:s13] =	ssyncadd.s32 $0xFFFFEC00  }
0x2f: {  	[hbm4b:s18+s2] =	stream.linear.scatter [tilespmem:s10], [sflag:$0x3], $0x1400, $0x38;
	[tilespmem:$0x2850] =	vst v63  }
0x30: {  	_ =	swait.ge [sflag:s9], $0x1400  }
.Ltmp0:
0x31: {  	[sflag:s9] =	ssyncset.done $0x0;
	(pc) =	sbr.rel @p0 .LBB2_2-.Ltmp0, $4  }
0x32: {  	s17 =	sadd.s32 s17, s6;
	[sflag:s9] =	ssyncadd.s32 $0xFFFFEC00  }
0x33: {  	[hbm4b:s17+s2] =	stream.linear.scatter [tilespmem:s11], [sflag:$0x3], $0x1400, $0x38;
	[tilespmem:$0x2850] =	vst v63  }
0x34: {  	_ =	swait.ge [sflag:s9], $0x1400  }
0x35: {  	[sflag:s9] =	ssyncset.done $0x0  }
0x36: {  	s14 =	sadd.s32 $0x1, s14  }
0x37: {  	p0 =	sne.s32 s14, s5  }
.Ltmp1:
0x38: {  	_ = 	snop;
	(pc) =	sbr.rel @p0 .LBB2_1-.Ltmp1, $2  }
0x39: {  	_ =	sdelay $0x2  }
0x3a: {  	[sflag:s9] =	ssyncadd.s32 $0xFFFFEC00  }
0x3b: {  	_ =	sfence.sel $0x180000  }
0x3c: {  	[bflag:$0x0] =	sbarrier.arrive $0xFFFF  }
0x3d: {  	p0 =	sne.s32 s1, $0x0;
	_ =	strace $0x90000047  }
0x3e: {  	s0 =	sadd.s32 @!p0 $0x100000, s0;
	[bflag:$0x2] =	sbarrier.arrive $0xFFFF  }
0x3f: {  	[sflag:s0] =	ssyncadd.tile.s32 @!p0 $0x1;
	_ =	shalt  }
.Lfunc_end2:
_tile_overlayer_lowered:
.L_overlay_start_2:
0x40: {  	(tag) =	ssettag $0x2  }
0x41: {  	s0 =	rddreg [dreg:$0x0];
	s2 =	stileid.u32  }
0x42: {  	s1 =	rddreg [dreg:$0x1];
	p0 =	sne.s32 s2, $0x0  }
0x43: {  	s3 =	rddreg [dreg:$0x2];
	[bflag:$0x3] =	sbarrier.arrive $0xFFFF;
	s2 =	simm.s32 @!p0 $0x1C03  }
0x44: {  	[timem:s3], [sflag:s2] =	dma.local @!p0 [hbm:s0], s1  }
0x45: {  	s0 =	simm.s32 @!p0 $0x3  }
0x46: {  	_ =	swait.ge @!p0 [sflag:s0], s1  }
0x47: {  	s1 =	ssub.s32 @!p0 $0x0, s1;
	[sflag:s0] =	ssyncset.done @!p0 $0x0  }
0x48: {  	[sflag:s0] =	ssyncadd.s32 @!p0 s1  }
0x49: {  	[bflag:$0x3] =	sbarrier.arrive $0xFFFF  }
0x4a: {  	_ =	shalt  }

// kernel: kernel.8.cloned.1.call-start
scs
__scs_entry_jumppad:
0x0: {  	(pc) =	sbr.rel $0x88, $3  }
0x1: {  	(tag) =	ssettag $0x0;
	lr =	simm.s32 $0x1  }
0x2: {  	[smem:$0x3F9D] =	sst lr;
	_ =	strace $0xD0000000  }
0x3: {  	_ = 	snop  }
0x4: {  	_ = 	snop  }
0x5: {  	_ = 	snop  }
0x6: {  	_ = 	snop  }
0x7: {  	_ = 	snop  }
__scs_overlays_trampoline_lowered:
0x8: {  	[smem:$0x3FAC] =	sst s0  }
0x9: {  	[smem:$0x3FAD] =	sst s1  }
0xa: {  	[smem:$0x3FAE] =	sst s2  }
0xb: {  	[smem:$0x3FAF] =	sst s3  }
0xc: {  	[smem:$0x3FB0] =	sst s4  }
0xd: {  	[smem:$0x3FB1] =	sst s5  }
0xe: {  	[smem:$0x3FB2] =	sst s6  }
0xf: {  	[smem:$0x3FB3] =	sst s7  }
0x10: {  	[smem:$0x3FB4] =	sst s8  }
0x11: {  	[smem:$0x3FB5] =	sst s9;
	s0 =	simm.s32 @!p0 $0x0  }
0x12: {  	s1 =	sld [smem:$0x3F9B];
	s0 =	simm.s32 @p0 $0x1  }
0x13: {  	[smem:$0x3FB6] =	sst s0;
	s0 =	simm.s32 @!p1 $0x0  }
0x14: {  	s2 =	sld [smem:$0x3F9A];
	s0 =	simm.s32 @p1 $0x1  }
0x15: {  	[smem:$0x3FB7] =	sst s0;
	s0 =	simm.s32 @!p2 $0x0  }
0x16: {  	s3 =	sld [smem:$0x3FDB];
	s0 =	simm.s32 @p2 $0x1  }
0x17: {  	s4 =	simm.s32 $0x1BF5;
	[smem:$0x3FB9] =	sst s0  }
0x18: {  	s0 =	sld [smem:$0x3F9C];
	_ =	swait.ge [sflag:s4], $0x0  }
0x19: {  	s7 =	sld [smem:$0x3F9D]  }
0x1a: {  	s8 =	sadd.s32 $0xFFFFE003, lr  }
0x1b: {  	s9 =	sadd.s32 $0xFFFFFEF7, lr;
	s5 =	simm.s32 $0xFFFFFFFF;
	p2 =	slt.u32 s8, $0xFFFFF086  }
0x1c: {  	p1 =	slt.u32 s9, $0xF7A;
	s5 =	simm.s32 @!p2 $0x0  }
0x1d: {  	s5 =	simm.s32 @p1 $0x1;
	p0 =	seq.s32 s7, s2  }
0x1e: {  	s7 =	smul.u32 @!p0 $0xF7A, s2;
	p2 =	seq.s32 @!p0 s5, $0x0  }
0x1f: {  	s9 =	smul.u32 $0xF7A, s1;
	s8 =	simm.s32 @!p0 $0x1BF5;
	p2 =	por !p2, p0  }
0x20: {  	[sflag:s8] =	ssyncset.s32 @!p0 $0xFFFFF086;
	s6 =	sadd.s32 @!p0 s3, s7;
	s7 =	simm.s32 @!p0 $0x108  }
0x21: {  	s3 =	sadd.s32 s3, s9;
	s6 =	sadd.s32 @!p0 $0x88, s6;
	s7 =	simm.s32 @p2 $0x1082  }
0x22: {  	[simem:s7], [sflag:s8] =	dma.local @!p0 [hbm:s6], $0xF7A  }
0x23: {  	s9 =	sor.u32 $0xD0000000, s2;
	s6 =	simm.s32 $0x108;
	_ =	swait.ge @!p0 [sflag:s8], $0x0  }
0x24: {  	s3 =	sadd.s32 $0x88, s3;
	s6 =	simm.s32 @!p1 $0x1082;
	[sflag:s4] =	ssyncset.s32 $0xFFFFF086  }
0x25: {  	[simem:s6], [sflag:s4] =	dma.local [hbm:s3], $0xF7A  }
0x26: {  	[smem:$0x3F9D] =	sst s1;
	(tag) =	ssettag s2;
	_ =	strace s9  }
0x27: {  	s1 =	sld [smem:$0x3FAD]  }
0x28: {  	s2 =	sld [smem:$0x3FAE]  }
0x29: {  	s4 =	sld [smem:$0x3FB0]  }
0x2a: {  	p0 =	seq.s32 s5, $0x0;
	s5 =	sld [smem:$0x3FB1]  }
0x2b: {  	s6 =	sld [smem:$0x3FB2]  }
0x2c: {  	s7 =	sld [smem:$0x3FB3]  }
0x2d: {  	s3 =	simm.s32 $0x108;
	s8 =	sld [smem:$0x3FB4]  }
0x2e: {  	s3 =	simm.s32 @!p0 $0x1082;
	s9 =	sld [smem:$0x3FB5]  }
0x2f: {  	lr =	sadd.s32 s0, s3;
	s0 =	sld [smem:$0x3FAC]  }
0x30: {  	s3 =	sld [smem:$0x3FAF]  }
0x31: {  	[smem:$0x3FB8] =	sst s10  }
0x32: {  	s10 =	sld [smem:$0x3FB6];
	_ =	sdelay $0x3  }
0x33: {  	p0 =	seq.s32 s10, $0x1;
	s10 =	sld [smem:$0x3FB8];
	_ =	sdelay $0x3  }
0x34: {  	[smem:$0x3FB8] =	sst s10  }
0x35: {  	s10 =	sld [smem:$0x3FB7];
	_ =	sdelay $0x3  }
0x36: {  	p1 =	seq.s32 s10, $0x1;
	s10 =	sld [smem:$0x3FB8];
	_ =	sdelay $0x3  }
0x37: {  	[smem:$0x3FB8] =	sst s10  }
0x38: {  	s10 =	sld [smem:$0x3FB9]  }
0x39: {  	_ = 	snop;
	(pc) =	sbr.ind lr, $3  }
0x3a: {  	_ = 	snop  }
0x3b: {  	_ = 	snop  }
0x3c: {  	p2 =	seq.s32 s10, $0x1;
	s10 =	sld [smem:$0x3FB8]  }
0x3d: {  	_ =	shalt  }
0x3e: {  	_ =	shalt  }
0x3f: {  	_ =	shalt  }
0x40: {  	_ =	shalt  }
0x41: {  	_ =	shalt  }
0x42: {  	_ =	shalt  }
0x43: {  	_ =	shalt  }
0x44: {  	_ =	shalt  }
0x45: {  	_ =	shalt  }
0x46: {  	_ =	shalt  }
0x47: {  	_ =	shalt  }
0x48: {  	_ =	shalt  }
0x49: {  	_ =	shalt  }
0x4a: {  	_ =	shalt  }
0x4b: {  	_ =	shalt  }
0x4c: {  	_ =	shalt  }
0x4d: {  	_ =	shalt  }
0x4e: {  	_ =	shalt  }
0x4f: {  	_ =	shalt  }
0x50: {  	_ =	shalt  }
0x51: {  	_ =	shalt  }
0x52: {  	_ =	shalt  }
0x53: {  	_ =	shalt  }
0x54: {  	_ =	shalt  }
0x55: {  	_ =	shalt  }
0x56: {  	_ =	shalt  }
0x57: {  	_ =	shalt  }
0x58: {  	_ =	shalt  }
0x59: {  	_ =	shalt  }
0x5a: {  	_ =	shalt  }
0x5b: {  	_ =	shalt  }
0x5c: {  	_ =	shalt  }
0x5d: {  	_ =	shalt  }
0x5e: {  	_ =	shalt  }
0x5f: {  	_ =	shalt  }
0x60: {  	_ =	shalt  }
0x61: {  	_ =	shalt  }
0x62: {  	_ =	shalt  }
0x63: {  	_ =	shalt  }
0x64: {  	_ =	shalt  }
0x65: {  	_ =	shalt  }
0x66: {  	_ =	shalt  }
0x67: {  	_ =	shalt  }
0x68: {  	_ =	shalt  }
0x69: {  	_ =	shalt  }
0x6a: {  	_ =	shalt  }
0x6b: {  	_ =	shalt  }
0x6c: {  	_ =	shalt  }
0x6d: {  	_ =	shalt  }
0x6e: {  	_ =	shalt  }
0x6f: {  	_ =	shalt  }
0x70: {  	_ =	shalt  }
0x71: {  	_ =	shalt  }
0x72: {  	_ =	shalt  }
0x73: {  	_ =	shalt  }
0x74: {  	_ =	shalt  }
0x75: {  	_ =	shalt  }
0x76: {  	_ =	shalt  }
0x77: {  	_ =	shalt  }
0x78: {  	_ =	shalt  }
0x79: {  	_ =	shalt  }
0x7a: {  	_ =	shalt  }
0x7b: {  	_ =	shalt  }
0x7c: {  	_ =	shalt  }
0x7d: {  	_ =	shalt  }
0x7e: {  	_ =	shalt  }
0x7f: {  	_ =	shalt  }
0x80: {  	_ =	shalt  }
0x81: {  	_ =	shalt  }
0x82: {  	_ =	shalt  }
0x83: {  	_ =	shalt  }
0x84: {  	_ =	shalt  }
0x85: {  	_ =	shalt  }
0x86: {  	_ =	shalt  }
0x87: {  	_ =	shalt  }
.Lfunc_end0:
.L_simem_size_0:
called_computation_lowered:
.L_overlay_start_0:
0x88: {  	s2 =	sld [smem:$0x3FD9]  }
0x89: {  	s3 =	sld [smem:$0x3FFE];
	_ =	sdelay $0x1  }
0x8a: {  	s1 =	srdreg.scid  }
0x8b: {  	s0 =	sand.u32 $0x1, s1  }
0x8c: {  	s17 =	sshll.u32 s0, $0xA;
	s2 =	sadd.s32 s3, s2  }
0x8d: {  	s2 =	sadd.s32 s2, s17  }
0x8e: {  	[smem:$0x3FC4] =	sst s2  }
0x8f: {  	_ = 	snop  }
0x90: {  	(tm) =	ssettm $0x1  }
0x91: {  	s18 =	sld [smem:$0x3FFB];
	_ =	sdelay $0x3  }
0x92: {  	_ =	strace s18  }
0x93: {  	s2 =	sld [smem:$0x3FFC];
	_ =	sdelay $0x3  }
0x94: {  	_ =	strace s2  }
0x95: {  	s2 =	sld [smem:$0x3FFD];
	_ =	sdelay $0x3  }
0x96: {  	_ =	strace s2  }
0x97: {  	_ =	strace $0x8FFFFFFF  }
0x98: {  	s19 =	sld [smem:$0x3FDB];
	_ =	sdelay $0x1  }
0x99: {  	s20 =	simm.s32 $_scs_section_size  }
0x9a: {  	s4 =	simm.s32 $_size__tile_overlayer_lowered;
	s5 =	simm.s32 $_tile_overlayer_lowered  }
0x9b: {  	s6 =	simm.s32 $0x1BFF;
	s21 =	sshll.u32 s5, $0x1;
	s3 =	sadd.s32 s20, s19  }
0x9c: {  	s22 =	simm.s32 $0x0;
	s4 =	sshll.u32 s4, $0x1;
	s5 =	sadd.s32 s21, s3  }
0x9d: {  	[timem:s22], [sflag:s6] =	dma.local [hbm:s5], s4  }
0x9e: {  	_ =	swait.ge [sflag:s6], s4  }
0x9f: {  	s4 =	ssub.s32 $0x0, s4;
	[sflag:s6] =	ssyncset.done $0x0  }
0xa0: {  	[sflag:s6] =	ssyncadd.s32 s4;
	_ =	sdelay $0x1  }
0xa1: {  	s23 =	simm.s32 $0x1B8B  }
0xa2: {  	_ =	swait.ge [sflag:s23], $0x1  }
0xa3: {  	[sflag:s23] =	ssyncset.done $0x0  }
0xa4: {  	[sflag:s23] =	ssyncadd.s32 $0xFFFFFFFF  }
0xa5: {  	s4 =	sld [smem:$0x0]  }
0xa6: {  	s5 =	sand.u32 $0xFFFFFFFE, s1  }
0xa7: {  	p0 =	sne.s32 s1, s5  }
0xa8: {  	s5 =	sshll.u32 @p0 s5, $0xE  }
0xa9: {  	s5 =	sadd.s32 @p0 $0x11B8D, s5;
	s6 =	sshll.u32 @p0 s4, $0x11  }
0xaa: {  	s5 =	sor.u32 @p0 s6, s5  }
0xab: {  	[sflag:s5] =	ssyncadd.remote.s32 @p0 $0x1;
	_ =	sdelay $0x1  }
0xac: {  	s5 =	simm.s32 @p0 $0x1B8D  }
0xad: {  	_ =	swait.eq @p0 [sflag:s5], $0x1  }
0xae: {  	[sflag:s5] =	ssyncadd.s32 @p0 $0xFFFFFFFF  }
0xaf: {  	s6 =	sshll.u32 @!p0 s1, $0xE  }
0xb0: {  	s6 =	sor.u32 @!p0 $0x4000, s6;
	s5 =	simm.s32 @!p0 $0x1B8D  }
0xb1: {  	s4 =	sshll.u32 @!p0 s4, $0x11;
	s6 =	sadd.s32 @!p0 $0x11B8D, s6;
	_ =	swait.eq @!p0 [sflag:s5], $0x1  }
0xb2: {  	s4 =	sor.u32 @!p0 s4, s6;
	[sflag:s5] =	ssyncadd.s32 @!p0 $0xFFFFFFFF  }
0xb3: {  	s25 =	simm.s32 $0x1B8E;
	s24 =	sld [smem:$0x3FFE];
	[sflag:s4] =	ssyncadd.remote.s32 @!p0 $0x1  }
0xb4: {  	s26 =	simm.s32 $execute0_lowered;
	[smem:$0x3FD2] =	sst s25  }
0xb5: {  	s5 =	sshll.u32 s26, $0x1;
	_ =	strace $0x80000049;
	[dreg:$0x1] =	wrdreg $0xFFFFFFFF  }
0xb6: {  	s28 =	simm.s32 $_size_execute0_lowered;
	s3 =	sadd.s32 s3, s5;
	[dreg:$0x0] =	wrdreg $0x0  }
0xb7: {  	s5 =	sshll.u32 s28, $0x1;
	[dreg:$0x2] =	wrdreg s3  }
0xb8: {  	[dreg:$0x3] =	wrdreg s5  }
0xb9: {  	[dreg:$0x4] =	wrdreg $0xC0  }
0xba: {  	_ =	task [dreg:s22], $0x5FFFF  }
0xbb: {  	[dreg:$0x1] =	wrdreg $0xFFFFFFFF  }
0xbc: {  	[dreg:$0x0] =	wrdreg $0x60  }
0xbd: {  	[dreg:$0x2] =	wrdreg s24  }
0xbe: {  	[dreg:$0x3] =	wrdreg $0x9  }
0xbf: {  	_ =	task.clear_ibuf [dreg:s22], $0x4FFFF;
	_ =	strace $0x90000049  }
0xc0: {  	s29 =	simm.s32 $0x9;
	_ =	strace $0x8000004B  }
0xc1: {  	_ =	swait.ge [sflag:s29], $0x1  }
0xc2: {  	[sflag:s29] =	ssyncadd.s32 $0xFFFFFFFF  }
0xc3: {  	_ =	strace $0x9000004B  }
0xc4: {  	_ =	sfence  }
0xc5: {  	s30 =	sld [smem:$0x0];
	_ =	sdelay $0x2  }
0xc6: {  	s31 =	sshll.u32 s1, $0xD;
	s1 =	sshrl.u32 s1, $0x2  }
0xc7: {  	s4 =	sand.u32 $0x4000, s31;
	s1 =	sadd.s32 s1, s30  }
0xc8: {  	s0 =	sor.u32 s4, s0;
	s1 =	sshll.u32 s1, $0x11  }
0xc9: {  	s0 =	sor.u32 s1, s0  }
0xca: {  	s0 =	sadd.s32 $0x8F2B, s0  }
0xcb: {  	[sflag:s0] =	ssyncadd.remote.s32 $0x1  }
0xcc: {  	_ =	sfence.sel $0xFFFF  }
0xcd: {  	[dreg:$0x0] =	wrdreg $0xFFFFFFFF;
	(pc) =	sbr.abs _section_cstart, $3  }
0xce: {  	[dreg:$0x1] =	wrdreg $0xFFFFFFFF  }
0xcf: {  	_ =	task.clear_ibuf [dreg:s22], $0x2FFFF;
	_ =	strace $0x9FFFFFFF  }
0xd0: {  	(tm) =	ssettm $0x7FFFFFFF  }
0xd1: {  	_ =	shalt  }
tec
execute0_lowered:
.L_overlay_start_1:
0x0: {  	(tag) =	ssettag $0x1  }
0x1: {  	s5 =	rddreg [dreg:$0x0]  }
0x2: {  	s0 =	rddreg [dreg:$0x1]  }
0x3: {  	s2 =	simm.s32 $0x0;
	s3 =	srdreg.scid;
	s1 =	stileid.u32  }
0x4: {  	s11 =	simm.s32 $0x1450;
	s12 =	simm.s32 $0x1;
	s13 =	simm.s32 $0x2  }
0x5: {  	s14 =	simm.s32 $0x0;
	[smem:$0x7FF] =	sst s2;
	s7 =	smul.u32 $0xC80, s1  }
0x6: {  	s6 =	sand.u32 $0x1, s3;
	s3 =	sadd.s32 $0xB600, s5;
	s9 =	smul.u32 $0x6400, s1  }
0x7: {  	s4 =	sadd.s32 $0x1C00, s5;
	s8 =	smul.u32 $0x640, s6;
	s10 =	ssub.s32 $0x2, s6  }
0x8: {  	_ =	strace $0x8000004A;
	s6 =	smul.u32 $0x3200, s6;
	s29 =	sshrl.u32 s10, $0x1  }
0x9: {  	s9 =	sadd.s32 s9, s5;
	s7 =	sadd.s32 s8, s7;
	s8 =	ssub.s32 s10, s29  }
0xa: {  	s31 =	sadd.s32 s6, s9;
	s9 =	simm.s32 $0x3;
	s7 =	sshrl.u32 s7, $0x3  }
0xb: {  	s10 =	simm.s32 $0x50;
	s6 =	sadd.s32 $0x141000, s31;
	s30 =	sadd.s32 s7, s5  }
0xc: {  	s5 =	smax.u32 s8, $0x1;
	s7 =	sadd.s32 $0xDD000, s31;
	s8 =	sadd.s32 $0xDB600, s30  }
.LBB2_1:
0xd: {  	[tilespmem:s2], [sflag:$0x3] =	stream.linear.gather [hbm4b:s8+s2], $0x50, $0x38;
	[tilespmem:$0x2850] =	vst v63  }
0xe: {  	_ =	swait.ge [sflag:s9], $0x50  }
0xf: {  	[sflag:s9] =	ssyncset.done $0x0  }
0x10: {  	[sflag:s9] =	ssyncadd.s32 $0xFFFFFFB0  }
0x11: {  	[tilespmem:s10], [sflag:$0x1] =	stream.indirect.gather [hbm4b:s3+s10], $0x40, s2, s10, $0xb8;
	[tilespmem:$0x2850] =	vst v63  }
0x12: {  	_ = 	snop  }
0x13: {  	[tilespmem:s11], [sflag:$0x2] =	stream.indirect.gather [hbm4b:s4+s10], $0x40, s2, s10, $0xb8;
	[tilespmem:$0x2850] =	vst v63  }
0x14: {  	_ =	swait.ge [sflag:s12], $0x1400  }
0x15: {  	[sflag:s12] =	ssyncset.done $0x0  }
0x16: {  	[sflag:s12] =	ssyncadd.s32 $0xFFFFEC00  }
0x17: {  	_ =	swait.ge [sflag:s13], $0x1400  }
0x18: {  	[sflag:s13] =	ssyncset.done $0x0  }
0x19: {  	s15 =	sadd.s32 $0x0, s7;
	[sflag:s13] =	ssyncadd.s32 $0xFFFFEC00  }
0x1a: {  	[hbm4b:s15+s2] =	stream.linear.scatter [tilespmem:s10], [sflag:$0x3], $0x1400, $0x38;
	[tilespmem:$0x2850] =	vst v63  }
0x1b: {  	_ =	swait.ge [sflag:s9], $0x1400  }
0x1c: {  	[sflag:s9] =	ssyncset.done $0x0  }
0x1d: {  	s31 =	sadd.s32 $0x0, s6;
	[sflag:s9] =	ssyncadd.s32 $0xFFFFEC00  }
0x1e: {  	[hbm4b:s31+s2] =	stream.linear.scatter [tilespmem:s11], [sflag:$0x3], $0x1400, $0x38;
	[tilespmem:$0x2850] =	vst v63  }
0x1f: {  	_ =	swait.ge [sflag:s9], $0x1400  }
0x20: {  	s16 =	smov.u32 s8;
	s15 =	simm.s32 $0x280;
	[sflag:s9] =	ssyncset.done $0x0  }
.LBB2_2:
0x21: {  	p0 =	sne.s32 s15, $0x2F80;
	[sflag:s9] =	ssyncadd.s32 $0xFFFFEC00;
	s16 =	sadd.s32 $0xA, s16  }
0x22: {  	[tilespmem:s2], [sflag:$0x3] =	stream.linear.gather [hbm4b:s16+s2], $0x50, $0x38;
	[tilespmem:$0x2850] =	vst v63  }
0x23: {  	s17 =	smov.u32 s15;
	s15 =	sadd.s32 $0x280, s15;
	_ =	swait.ge [sflag:s9], $0x50  }
0x24: {  	[sflag:s9] =	ssyncset.done $0x0  }
0x25: {  	[sflag:s9] =	ssyncadd.s32 $0xFFFFFFB0  }
0x26: {  	[tilespmem:s10], [sflag:$0x1] =	stream.indirect.gather [hbm4b:s3+s10], $0x40, s2, s10, $0xb8;
	[tilespmem:$0x2850] =	vst v63  }
0x27: {  	_ = 	snop  }
0x28: {  	[tilespmem:s11], [sflag:$0x2] =	stream.indirect.gather [hbm4b:s4+s10], $0x40, s2, s10, $0xb8;
	[tilespmem:$0x2850] =	vst v63  }
0x29: {  	_ =	swait.ge [sflag:s12], $0x1400  }
0x2a: {  	[sflag:s12] =	ssyncset.done $0x0  }
0x2b: {  	[sflag:s12] =	ssyncadd.s32 $0xFFFFEC00  }
0x2c: {  	_ =	swait.ge [sflag:s13], $0x1400  }
0x2d: {  	[sflag:s13] =	ssyncset.done $0x0  }
0x2e: {  	s18 =	sadd.s32 s17, s7;
	[sflag:s13] =	ssyncadd.s32 $0xFFFFEC00  }
0x2f: {  	[hbm4b:s18+s2] =	stream.linear.scatter [tilespmem:s10], [sflag:$0x3], $0x1400, $0x38;
	[tilespmem:$0x2850] =	vst v63  }
0x30: {  	_ =	swait.ge [sflag:s9], $0x1400  }
.Ltmp0:
0x31: {  	[sflag:s9] =	ssyncset.done $0x0;
	(pc) =	sbr.rel @p0 .LBB2_2-.Ltmp0, $4  }
0x32: {  	s17 =	sadd.s32 s17, s6;
	[sflag:s9] =	ssyncadd.s32 $0xFFFFEC00  }
0x33: {  	[hbm4b:s17+s2] =	stream.linear.scatter [tilespmem:s11], [sflag:$0x3], $0x1400, $0x38;
	[tilespmem:$0x2850] =	vst v63  }
0x34: {  	_ =	swait.ge [sflag:s9], $0x1400  }
0x35: {  	[sflag:s9] =	ssyncset.done $0x0  }
0x36: {  	s14 =	sadd.s32 $0x1, s14  }
0x37: {  	p0 =	sne.s32 s14, s5  }
.Ltmp1:
0x38: {  	_ = 	snop;
	(pc) =	sbr.rel @p0 .LBB2_1-.Ltmp1, $2  }
0x39: {  	_ =	sdelay $0x2  }
0x3a: {  	[sflag:s9] =	ssyncadd.s32 $0xFFFFEC00  }
0x3b: {  	_ =	sfence.sel $0x180000  }
0x3c: {  	[bflag:$0x0] =	sbarrier.arrive $0xFFFF  }
0x3d: {  	p0 =	sne.s32 s1, $0x0;
	_ =	strace $0x9000004A  }
0x3e: {  	s0 =	sadd.s32 @!p0 $0x100000, s0;
	[bflag:$0x2] =	sbarrier.arrive $0xFFFF  }
0x3f: {  	[sflag:s0] =	ssyncadd.tile.s32 @!p0 $0x1;
	_ =	shalt  }
.Lfunc_end2:
_tile_overlayer_lowered:
.L_overlay_start_2:
0x40: {  	(tag) =	ssettag $0x2  }
0x41: {  	s0 =	rddreg [dreg:$0x0];
	s2 =	stileid.u32  }
0x42: {  	s1 =	rddreg [dreg:$0x1];
	p0 =	sne.s32 s2, $0x0  }
0x43: {  	s3 =	rddreg [dreg:$0x2];
	[bflag:$0x3] =	sbarrier.arrive $0xFFFF;
	s2 =	simm.s32 @!p0 $0x1C03  }
0x44: {  	[timem:s3], [sflag:s2] =	dma.local @!p0 [hbm:s0], s1  }
0x45: {  	s0 =	simm.s32 @!p0 $0x3  }
0x46: {  	_ =	swait.ge @!p0 [sflag:s0], s1  }
0x47: {  	s1 =	ssub.s32 @!p0 $0x0, s1;
	[sflag:s0] =	ssyncset.done @!p0 $0x0  }
0x48: {  	[sflag:s0] =	ssyncadd.s32 @!p0 s1  }
0x49: {  	[bflag:$0x3] =	sbarrier.arrive $0xFFFF  }
0x4a: {  	_ =	shalt  }

</sc_bundles>
